<compile_context>
chip_gen: v7x
topology: tpu7x:2x2x1
jax: 0.10.2.dev20260603
libtpu: 0.0.44.dev20260713+nightly
codegen_flags: <defaults>
</compile_context>

<pallas_src>
import functools

import jax
import jax.numpy as jnp
from jax import lax
from jax.experimental import pallas as pl
from jax.experimental.pallas import tpu as pltpu
from jax.experimental.pallas import tpu_sc as plsc

_NUM_CORES = 2
_NUM_SUBCORES = 16
_NUM_WORKERS = _NUM_CORES * _NUM_SUBCORES

_B = 50000
_D = 128
_S1 = 11
_C = 128
_NCHUNK = 416
_CPW = _NCHUNK // _NUM_WORKERS
_BPW = _CPW * _C
_BPAD = 50048
_INV = 1.0 / _S1


def _sc_body(feat_hbm, idxt_hbm, out_hbm, idx_v, acc, obuf,
             sem0, sem1, osem0, osem1):
    wid = lax.axis_index("c") * _NUM_SUBCORES + lax.axis_index("s")
    sems = (sem0, sem1)
    osems = (osem0, osem1)
    zeros = jnp.zeros((16,), jnp.float32)

    base = jnp.minimum(wid * _BPW, _B - _BPW)
    for k in range(_S1):
        pltpu.sync_copy(idxt_hbm.at[pl.ds(k * _BPAD + base, _BPW)],
                        idx_v.at[pl.ds(k * _BPW, _BPW)])

    def chunk_off(t):
        row0 = jnp.minimum((wid * _CPW + t) * _C, _B - _C)
        return row0, row0 - base

    def zero(b):
        def zrow(r, _):
            for j in range(_D // 16):
                acc[b, r, pl.ds(j * 16, 16)] = zeros
            return _
        lax.fori_loop(0, _C, zrow, None)

    def fire(t, b):
        _, off = chunk_off(t)
        for k in range(_S1):
            idx = idx_v.at[pl.ds(k * _BPW + off, _C)]
            pltpu.async_copy(feat_hbm.at[idx], acc.at[b], sems[b], add=True)

    def drain(b):
        for k in range(_S1):
            pltpu.make_async_copy(feat_hbm.at[pl.ds(0, _C)], acc.at[b],
                                  sems[b]).wait()

    def scale_zero_store(b, t):
        row0, _ = chunk_off(t)

        @pl.when(t >= 2)
        def _():
            pltpu.make_async_copy(obuf.at[b], out_hbm.at[pl.ds(0, _C)],
                                  osems[b]).wait()

        def srow(r, _):
            for j in range(_D // 16):
                sl = pl.ds(j * 16, 16)
                obuf[b, r, sl] = acc[b, r, sl] * _INV
                acc[b, r, sl] = zeros
            return _

        lax.fori_loop(0, _C, srow, None)
        pltpu.async_copy(obuf.at[b], out_hbm.at[pl.ds(row0, _C)], osems[b])

    zero(0)
    zero(1)
    fire(0, 0)

    def pair_body(t2, _):
        t = 2 * t2
        fire(t + 1, 1)
        drain(0)
        scale_zero_store(0, t)
        fire(t + 2, 0)
        drain(1)
        scale_zero_store(1, t + 1)
        return _

    lax.fori_loop(0, (_CPW - 1) // 2, pair_body, None)
    drain(0)
    scale_zero_store(0, _CPW - 1)
    for b in range(2):
        pltpu.make_async_copy(obuf.at[b], out_hbm.at[pl.ds(0, _C)],
                              osems[b]).wait()


@functools.partial(
    pl.kernel,
    out_type=jax.ShapeDtypeStruct((_B, _D), jnp.float32),
    mesh=plsc.VectorSubcoreMesh(
        core_axis_name="c", subcore_axis_name="s",
        num_cores=_NUM_CORES, num_subcores=_NUM_SUBCORES,
    ),
    scratch_types=[
        pltpu.VMEM((_S1 * _BPW,), jnp.int32),
        pltpu.VMEM((2, _C, _D), jnp.float32),
        pltpu.VMEM((2, _C, _D), jnp.float32),
        pltpu.SemaphoreType.DMA,
        pltpu.SemaphoreType.DMA,
        pltpu.SemaphoreType.DMA,
        pltpu.SemaphoreType.DMA,
    ],
)
def _mean_agg_sc(feat_hbm, idxt_hbm, out_hbm, idx_v, acc, obuf,
                 sem0, sem1, osem0, osem1):
    _sc_body(feat_hbm, idxt_hbm, out_hbm, idx_v, acc, obuf,
             sem0, sem1, osem0, osem1)


def kernel(features, nodes, neighbours_full, num_sample):
    s = neighbours_full.shape[1]
    idxt = jnp.concatenate([neighbours_full.T, nodes[None, :]], axis=0)
    idxt = idxt + (num_sample - s)
    idxt = jnp.pad(idxt, ((0, 0), (0, _BPAD - _B))).reshape(-1)
    return _mean_agg_sc(features, idxt)

# --- scband reference (transcript-rebuilt; emitter-appended) ---
"""Pipeline reference for scband-mean-aggregator-46007689674962 (READ-ONLY COPY).

The authoritative reference and input builder live on the scoring server;
editing this copy changes nothing except your own understanding.
"""

import jax, jax.numpy as jnp
import numpy as np

N_NODES = 100000
D_FEAT = 128
BATCH = 50000
NUM_SAMPLE = 10


def setup_inputs(seed: int = 0) -> dict:
    key = jax.random.key(seed)
    k1, k2, k3 = jax.random.split(key, 3)
    # Learned parameter: the feature lookup table (nn.Embedding weight in torch)
    features = jax.random.normal(k1, (N_NODES, D_FEAT), dtype=jnp.float32)
    # Batch of seed node ids
    nodes = jax.random.randint(k2, (BATCH,), 0, N_NODES, dtype=jnp.int32)
    # Pre-sampled neighbourhood: num_sample neighbours per seed node
    neighbours_full = jax.random.randint(k3, (BATCH, NUM_SAMPLE), 0, N_NODES, dtype=jnp.int32)
    return {
        "features": features,
        "nodes": nodes,
        "neighbours_full": neighbours_full,
        "num_sample": NUM_SAMPLE,
    }


def reference(features, nodes, neighbours_full, num_sample):
    # Faithful tensorized version of MeanAggregator.forward:
    # neighbourhood = sampled neighbours union self-node, then mean of gathered
    # feature rows (the sparse mask.mm(feat) in the torch code computes exactly
    # the per-row mean of the neighbourhood features).
    s = neighbours_full.shape[1]
    neigh = neighbours_full[:, :s]                               # [B, S] sampled neighbours
    all_idx = jnp.concatenate([neigh, nodes[:, None]], axis=1)   # [B, S+1] union with self
    all_idx = all_idx + (num_sample - s)
    feats = jnp.take(features, all_idx, axis=0)                  # gather: [B, S+1, D]
    out = feats.mean(axis=1)                                     # mean aggregation: [B, D]
    return out

if __name__ == "__main__":
    import jax
    _d = setup_inputs()
    print(jax.jit(kernel)(*tuple(_d.values())))

</pallas_src>

<mosaic_0001>
#map = affine_map<(d0, d1) -> (0, 0)>
#map1 = affine_map<(d0, d1) -> (0)>
module attributes {stable_mosaic.version = 14 : i64} {
  func.func @_mean_agg_sc(%arg0: i32, %arg1: i32, %arg2: memref<100000x128xf32, #tpu.memory_space<hbm>>, %arg3: memref<550528xi32, #tpu.memory_space<hbm>>, %arg4: memref<50000x128xf32, #tpu.memory_space<hbm>>, %arg5: memref<18304xi32, #tpu.memory_space<vmem>>, %arg6: memref<2x128x128xf32, #tpu.memory_space<vmem>>, %arg7: memref<2x128x128xf32, #tpu.memory_space<vmem>>, %arg8: memref<!tpu.dma_semaphore, #tpu.memory_space<semaphore_mem>>, %arg9: memref<!tpu.dma_semaphore, #tpu.memory_space<semaphore_mem>>, %arg10: memref<!tpu.dma_semaphore, #tpu.memory_space<semaphore_mem>>, %arg11: memref<!tpu.dma_semaphore, #tpu.memory_space<semaphore_mem>>) attributes {dimension_semantics = [#tpu.dimension_semantics<core_parallel>, #tpu.dimension_semantics<subcore_parallel>], iteration_bounds = array<i64: 2, 16>, scalar_prefetch = 0 : i64, scratch_operands = 7 : i64, tpu.core_type = #tpu.core_type<sc_vector_subcore>, window_params = [{transform_indices = #map}, {transform_indices = #map1}, {transform_indices = #map}]} {
    %mul3A = arith.constant 16 : i32
    %mul3A_0 = arith.muli %arg0, %mul3A : i32
    %add3A = arith.addi %mul3A_0, %arg1 : i32
    %broadcast_in_dim3A = arith.constant 0.000000e+00 : f32
    %broadcast_in_dim3A_1 = vector.broadcast %broadcast_in_dim3A : f32 to vector<16xf32>
    %mul3A_2 = arith.constant 1664 : i32
    %mul3A_3 = arith.muli %add3A, %mul3A_2 : i32
    %min3A = arith.constant 48336 : i32
    %min3A_4 = arith.minsi %mul3A_3, %min3A : i32
    %add3A_5 = arith.constant 0 : i32
    %add3A_6 = arith.addi %add3A_5, %min3A_4 : i32
    "tpu.region"() ({
      %run_scoped3A = tpu.sem_alloc : memref<!tpu.dma_semaphore, #tpu.memory_space<semaphore_mem>>
      %dma_start3A_405 = arith.constant 0 : i32
      %dma_start3A_406 = tpu.memref_slice %arg5[%dma_start3A_405] : memref<18304xi32, #tpu.memory_space<vmem>> -> memref<1664xi32, #tpu.memory_space<vmem>>
      %dma_start3A_407 = tpu.memref_slice %arg3[%add3A_6] : memref<550528xi32, #tpu.memory_space<hbm>> -> memref<1664xi32, #tpu.memory_space<hbm>>
      %dma_start3A_408 = arith.constant 0 : i32
      %dma_start3A_409 = tpu.memref_slice %arg5[%dma_start3A_408] : memref<18304xi32, #tpu.memory_space<vmem>> -> memref<1664xi32, #tpu.memory_space<vmem>>
      %dma_start3A_410 = tpu.memref_slice %arg3[%add3A_6] : memref<550528xi32, #tpu.memory_space<hbm>> -> memref<1664xi32, #tpu.memory_space<hbm>>
      tpu.enqueue_dma source(%dma_start3A_410 : memref<1664xi32, #tpu.memory_space<hbm>>) target(%dma_start3A_409 : memref<1664xi32, #tpu.memory_space<vmem>>) target_semaphore(%run_scoped3A : memref<!tpu.dma_semaphore, #tpu.memory_space<semaphore_mem>>)
      %dma_wait3A_411 = arith.constant 0 : i32
      %dma_wait3A_412 = tpu.memref_slice %arg5[%dma_wait3A_411] : memref<18304xi32, #tpu.memory_space<vmem>> -> memref<1664xi32, #tpu.memory_space<vmem>>
      %dma_wait3A_413 = tpu.memref_slice %arg3[%add3A_6] : memref<550528xi32, #tpu.memory_space<hbm>> -> memref<1664xi32, #tpu.memory_space<hbm>>
      %dma_wait3A_414 = arith.constant 0 : i32
      %dma_wait3A_415 = tpu.memref_slice %arg5[%dma_wait3A_414] : memref<18304xi32, #tpu.memory_space<vmem>> -> memref<1664xi32, #tpu.memory_space<vmem>>
      %dma_wait3A_416 = tpu.memref_slice %arg3[%add3A_6] : memref<550528xi32, #tpu.memory_space<hbm>> -> memref<1664xi32, #tpu.memory_space<hbm>>
      tpu.wait_dma2 semaphore(%run_scoped3A : memref<!tpu.dma_semaphore, #tpu.memory_space<semaphore_mem>>) src(%dma_wait3A_416 : memref<1664xi32, #tpu.memory_space<hbm>>) dst(%dma_wait3A_415 : memref<1664xi32, #tpu.memory_space<vmem>>)
      tpu.yield
    }) : () -> ()
    %add3A_7 = arith.constant 50048 : i32
    %add3A_8 = arith.addi %add3A_7, %min3A_4 : i32
    "tpu.region"() ({
      %run_scoped3A = tpu.sem_alloc : memref<!tpu.dma_semaphore, #tpu.memory_space<semaphore_mem>>
      %dma_start3A_405 = arith.constant 1664 : i32
      %dma_start3A_406 = tpu.memref_slice %arg5[%dma_start3A_405] : memref<18304xi32, #tpu.memory_space<vmem>> -> memref<1664xi32, #tpu.memory_space<vmem>>
      %dma_start3A_407 = tpu.memref_slice %arg3[%add3A_8] : memref<550528xi32, #tpu.memory_space<hbm>> -> memref<1664xi32, #tpu.memory_space<hbm>>
      %dma_start3A_408 = arith.constant 1664 : i32
      %dma_start3A_409 = tpu.memref_slice %arg5[%dma_start3A_408] : memref<18304xi32, #tpu.memory_space<vmem>> -> memref<1664xi32, #tpu.memory_space<vmem>>
      %dma_start3A_410 = tpu.memref_slice %arg3[%add3A_8] : memref<550528xi32, #tpu.memory_space<hbm>> -> memref<1664xi32, #tpu.memory_space<hbm>>
      tpu.enqueue_dma source(%dma_start3A_410 : memref<1664xi32, #tpu.memory_space<hbm>>) target(%dma_start3A_409 : memref<1664xi32, #tpu.memory_space<vmem>>) target_semaphore(%run_scoped3A : memref<!tpu.dma_semaphore, #tpu.memory_space<semaphore_mem>>)
      %dma_wait3A_411 = arith.constant 1664 : i32
      %dma_wait3A_412 = tpu.memref_slice %arg5[%dma_wait3A_411] : memref<18304xi32, #tpu.memory_space<vmem>> -> memref<1664xi32, #tpu.memory_space<vmem>>
      %dma_wait3A_413 = tpu.memref_slice %arg3[%add3A_8] : memref<550528xi32, #tpu.memory_space<hbm>> -> memref<1664xi32, #tpu.memory_space<hbm>>
      %dma_wait3A_414 = arith.constant 1664 : i32
      %dma_wait3A_415 = tpu.memref_slice %arg5[%dma_wait3A_414] : memref<18304xi32, #tpu.memory_space<vmem>> -> memref<1664xi32, #tpu.memory_space<vmem>>
      %dma_wait3A_416 = tpu.memref_slice %arg3[%add3A_8] : memref<550528xi32, #tpu.memory_space<hbm>> -> memref<1664xi32, #tpu.memory_space<hbm>>
      tpu.wait_dma2 semaphore(%run_scoped3A : memref<!tpu.dma_semaphore, #tpu.memory_space<semaphore_mem>>) src(%dma_wait3A_416 : memref<1664xi32, #tpu.memory_space<hbm>>) dst(%dma_wait3A_415 : memref<1664xi32, #tpu.memory_space<vmem>>)
      tpu.yield
    }) : () -> ()
    %add3A_9 = arith.constant 100096 : i32
    %add3A_10 = arith.addi %add3A_9, %min3A_4 : i32
    "tpu.region"() ({
      %run_scoped3A = tpu.sem_alloc : memref<!tpu.dma_semaphore, #tpu.memory_space<semaphore_mem>>
      %dma_start3A_405 = arith.constant 3328 : i32
      %dma_start3A_406 = tpu.memref_slice %arg5[%dma_start3A_405] : memref<18304xi32, #tpu.memory_space<vmem>> -> memref<1664xi32, #tpu.memory_space<vmem>>
      %dma_start3A_407 = tpu.memref_slice %arg3[%add3A_10] : memref<550528xi32, #tpu.memory_space<hbm>> -> memref<1664xi32, #tpu.memory_space<hbm>>
      %dma_start3A_408 = arith.constant 3328 : i32
      %dma_start3A_409 = tpu.memref_slice %arg5[%dma_start3A_408] : memref<18304xi32, #tpu.memory_space<vmem>> -> memref<1664xi32, #tpu.memory_space<vmem>>
      %dma_start3A_410 = tpu.memref_slice %arg3[%add3A_10] : memref<550528xi32, #tpu.memory_space<hbm>> -> memref<1664xi32, #tpu.memory_space<hbm>>
      tpu.enqueue_dma source(%dma_start3A_410 : memref<1664xi32, #tpu.memory_space<hbm>>) target(%dma_start3A_409 : memref<1664xi32, #tpu.memory_space<vmem>>) target_semaphore(%run_scoped3A : memref<!tpu.dma_semaphore, #tpu.memory_space<semaphore_mem>>)
      %dma_wait3A_411 = arith.constant 3328 : i32
      %dma_wait3A_412 = tpu.memref_slice %arg5[%dma_wait3A_411] : memref<18304xi32, #tpu.memory_space<vmem>> -> memref<1664xi32, #tpu.memory_space<vmem>>
      %dma_wait3A_413 = tpu.memref_slice %arg3[%add3A_10] : memref<550528xi32, #tpu.memory_space<hbm>> -> memref<1664xi32, #tpu.memory_space<hbm>>
      %dma_wait3A_414 = arith.constant 3328 : i32
      %dma_wait3A_415 = tpu.memref_slice %arg5[%dma_wait3A_414] : memref<18304xi32, #tpu.memory_space<vmem>> -> memref<1664xi32, #tpu.memory_space<vmem>>
      %dma_wait3A_416 = tpu.memref_slice %arg3[%add3A_10] : memref<550528xi32, #tpu.memory_space<hbm>> -> memref<1664xi32, #tpu.memory_space<hbm>>
      tpu.wait_dma2 semaphore(%run_scoped3A : memref<!tpu.dma_semaphore, #tpu.memory_space<semaphore_mem>>) src(%dma_wait3A_416 : memref<1664xi32, #tpu.memory_space<hbm>>) dst(%dma_wait3A_415 : memref<1664xi32, #tpu.memory_space<vmem>>)
      tpu.yield
    }) : () -> ()
    %add3A_11 = arith.constant 150144 : i32
    %add3A_12 = arith.addi %add3A_11, %min3A_4 : i32
    "tpu.region"() ({
      %run_scoped3A = tpu.sem_alloc : memref<!tpu.dma_semaphore, #tpu.memory_space<semaphore_mem>>
      %dma_start3A_405 = arith.constant 4992 : i32
      %dma_start3A_406 = tpu.memref_slice %arg5[%dma_start3A_405] : memref<18304xi32, #tpu.memory_space<vmem>> -> memref<1664xi32, #tpu.memory_space<vmem>>
      %dma_start3A_407 = tpu.memref_slice %arg3[%add3A_12] : memref<550528xi32, #tpu.memory_space<hbm>> -> memref<1664xi32, #tpu.memory_space<hbm>>
      %dma_start3A_408 = arith.constant 4992 : i32
      %dma_start3A_409 = tpu.memref_slice %arg5[%dma_start3A_408] : memref<18304xi32, #tpu.memory_space<vmem>> -> memref<1664xi32, #tpu.memory_space<vmem>>
      %dma_start3A_410 = tpu.memref_slice %arg3[%add3A_12] : memref<550528xi32, #tpu.memory_space<hbm>> -> memref<1664xi32, #tpu.memory_space<hbm>>
      tpu.enqueue_dma source(%dma_start3A_410 : memref<1664xi32, #tpu.memory_space<hbm>>) target(%dma_start3A_409 : memref<1664xi32, #tpu.memory_space<vmem>>) target_semaphore(%run_scoped3A : memref<!tpu.dma_semaphore, #tpu.memory_space<semaphore_mem>>)
      %dma_wait3A_411 = arith.constant 4992 : i32
      %dma_wait3A_412 = tpu.memref_slice %arg5[%dma_wait3A_411] : memref<18304xi32, #tpu.memory_space<vmem>> -> memref<1664xi32, #tpu.memory_space<vmem>>
      %dma_wait3A_413 = tpu.memref_slice %arg3[%add3A_12] : memref<550528xi32, #tpu.memory_space<hbm>> -> memref<1664xi32, #tpu.memory_space<hbm>>
      %dma_wait3A_414 = arith.constant 4992 : i32
      %dma_wait3A_415 = tpu.memref_slice %arg5[%dma_wait3A_414] : memref<18304xi32, #tpu.memory_space<vmem>> -> memref<1664xi32, #tpu.memory_space<vmem>>
      %dma_wait3A_416 = tpu.memref_slice %arg3[%add3A_12] : memref<550528xi32, #tpu.memory_space<hbm>> -> memref<1664xi32, #tpu.memory_space<hbm>>
      tpu.wait_dma2 semaphore(%run_scoped3A : memref<!tpu.dma_semaphore, #tpu.memory_space<semaphore_mem>>) src(%dma_wait3A_416 : memref<1664xi32, #tpu.memory_space<hbm>>) dst(%dma_wait3A_415 : memref<1664xi32, #tpu.memory_space<vmem>>)
      tpu.yield
    }) : () -> ()
    %add3A_13 = arith.constant 200192 : i32
    %add3A_14 = arith.addi %add3A_13, %min3A_4 : i32
    "tpu.region"() ({
      %run_scoped3A = tpu.sem_alloc : memref<!tpu.dma_semaphore, #tpu.memory_space<semaphore_mem>>
      %dma_start3A_405 = arith.constant 6656 : i32
      %dma_start3A_406 = tpu.memref_slice %arg5[%dma_start3A_405] : memref<18304xi32, #tpu.memory_space<vmem>> -> memref<1664xi32, #tpu.memory_space<vmem>>
      %dma_start3A_407 = tpu.memref_slice %arg3[%add3A_14] : memref<550528xi32, #tpu.memory_space<hbm>> -> memref<1664xi32, #tpu.memory_space<hbm>>
      %dma_start3A_408 = arith.constant 6656 : i32
      %dma_start3A_409 = tpu.memref_slice %arg5[%dma_start3A_408] : memref<18304xi32, #tpu.memory_space<vmem>> -> memref<1664xi32, #tpu.memory_space<vmem>>
      %dma_start3A_410 = tpu.memref_slice %arg3[%add3A_14] : memref<550528xi32, #tpu.memory_space<hbm>> -> memref<1664xi32, #tpu.memory_space<hbm>>
      tpu.enqueue_dma source(%dma_start3A_410 : memref<1664xi32, #tpu.memory_space<hbm>>) target(%dma_start3A_409 : memref<1664xi32, #tpu.memory_space<vmem>>) target_semaphore(%run_scoped3A : memref<!tpu.dma_semaphore, #tpu.memory_space<semaphore_mem>>)
      %dma_wait3A_411 = arith.constant 6656 : i32
      %dma_wait3A_412 = tpu.memref_slice %arg5[%dma_wait3A_411] : memref<18304xi32, #tpu.memory_space<vmem>> -> memref<1664xi32, #tpu.memory_space<vmem>>
      %dma_wait3A_413 = tpu.memref_slice %arg3[%add3A_14] : memref<550528xi32, #tpu.memory_space<hbm>> -> memref<1664xi32, #tpu.memory_space<hbm>>
      %dma_wait3A_414 = arith.constant 6656 : i32
      %dma_wait3A_415 = tpu.memref_slice %arg5[%dma_wait3A_414] : memref<18304xi32, #tpu.memory_space<vmem>> -> memref<1664xi32, #tpu.memory_space<vmem>>
      %dma_wait3A_416 = tpu.memref_slice %arg3[%add3A_14] : memref<550528xi32, #tpu.memory_space<hbm>> -> memref<1664xi32, #tpu.memory_space<hbm>>
      tpu.wait_dma2 semaphore(%run_scoped3A : memref<!tpu.dma_semaphore, #tpu.memory_space<semaphore_mem>>) src(%dma_wait3A_416 : memref<1664xi32, #tpu.memory_space<hbm>>) dst(%dma_wait3A_415 : memref<1664xi32, #tpu.memory_space<vmem>>)
      tpu.yield
    }) : () -> ()
    %add3A_15 = arith.constant 250240 : i32
    %add3A_16 = arith.addi %add3A_15, %min3A_4 : i32
    "tpu.region"() ({
      %run_scoped3A = tpu.sem_alloc : memref<!tpu.dma_semaphore, #tpu.memory_space<semaphore_mem>>
      %dma_start3A_405 = arith.constant 8320 : i32
      %dma_start3A_406 = tpu.memref_slice %arg5[%dma_start3A_405] : memref<18304xi32, #tpu.memory_space<vmem>> -> memref<1664xi32, #tpu.memory_space<vmem>>
      %dma_start3A_407 = tpu.memref_slice %arg3[%add3A_16] : memref<550528xi32, #tpu.memory_space<hbm>> -> memref<1664xi32, #tpu.memory_space<hbm>>
      %dma_start3A_408 = arith.constant 8320 : i32
      %dma_start3A_409 = tpu.memref_slice %arg5[%dma_start3A_408] : memref<18304xi32, #tpu.memory_space<vmem>> -> memref<1664xi32, #tpu.memory_space<vmem>>
      %dma_start3A_410 = tpu.memref_slice %arg3[%add3A_16] : memref<550528xi32, #tpu.memory_space<hbm>> -> memref<1664xi32, #tpu.memory_space<hbm>>
      tpu.enqueue_dma source(%dma_start3A_410 : memref<1664xi32, #tpu.memory_space<hbm>>) target(%dma_start3A_409 : memref<1664xi32, #tpu.memory_space<vmem>>) target_semaphore(%run_scoped3A : memref<!tpu.dma_semaphore, #tpu.memory_space<semaphore_mem>>)
      %dma_wait3A_411 = arith.constant 8320 : i32
      %dma_wait3A_412 = tpu.memref_slice %arg5[%dma_wait3A_411] : memref<18304xi32, #tpu.memory_space<vmem>> -> memref<1664xi32, #tpu.memory_space<vmem>>
      %dma_wait3A_413 = tpu.memref_slice %arg3[%add3A_16] : memref<550528xi32, #tpu.memory_space<hbm>> -> memref<1664xi32, #tpu.memory_space<hbm>>
      %dma_wait3A_414 = arith.constant 8320 : i32
      %dma_wait3A_415 = tpu.memref_slice %arg5[%dma_wait3A_414] : memref<18304xi32, #tpu.memory_space<vmem>> -> memref<1664xi32, #tpu.memory_space<vmem>>
      %dma_wait3A_416 = tpu.memref_slice %arg3[%add3A_16] : memref<550528xi32, #tpu.memory_space<hbm>> -> memref<1664xi32, #tpu.memory_space<hbm>>
      tpu.wait_dma2 semaphore(%run_scoped3A : memref<!tpu.dma_semaphore, #tpu.memory_space<semaphore_mem>>) src(%dma_wait3A_416 : memref<1664xi32, #tpu.memory_space<hbm>>) dst(%dma_wait3A_415 : memref<1664xi32, #tpu.memory_space<vmem>>)
      tpu.yield
    }) : () -> ()
    %add3A_17 = arith.constant 300288 : i32
    %add3A_18 = arith.addi %add3A_17, %min3A_4 : i32
    "tpu.region"() ({
      %run_scoped3A = tpu.sem_alloc : memref<!tpu.dma_semaphore, #tpu.memory_space<semaphore_mem>>
      %dma_start3A_405 = arith.constant 9984 : i32
      %dma_start3A_406 = tpu.memref_slice %arg5[%dma_start3A_405] : memref<18304xi32, #tpu.memory_space<vmem>> -> memref<1664xi32, #tpu.memory_space<vmem>>
      %dma_start3A_407 = tpu.memref_slice %arg3[%add3A_18] : memref<550528xi32, #tpu.memory_space<hbm>> -> memref<1664xi32, #tpu.memory_space<hbm>>
      %dma_start3A_408 = arith.constant 9984 : i32
      %dma_start3A_409 = tpu.memref_slice %arg5[%dma_start3A_408] : memref<18304xi32, #tpu.memory_space<vmem>> -> memref<1664xi32, #tpu.memory_space<vmem>>
      %dma_start3A_410 = tpu.memref_slice %arg3[%add3A_18] : memref<550528xi32, #tpu.memory_space<hbm>> -> memref<1664xi32, #tpu.memory_space<hbm>>
      tpu.enqueue_dma source(%dma_start3A_410 : memref<1664xi32, #tpu.memory_space<hbm>>) target(%dma_start3A_409 : memref<1664xi32, #tpu.memory_space<vmem>>) target_semaphore(%run_scoped3A : memref<!tpu.dma_semaphore, #tpu.memory_space<semaphore_mem>>)
      %dma_wait3A_411 = arith.constant 9984 : i32
      %dma_wait3A_412 = tpu.memref_slice %arg5[%dma_wait3A_411] : memref<18304xi32, #tpu.memory_space<vmem>> -> memref<1664xi32, #tpu.memory_space<vmem>>
      %dma_wait3A_413 = tpu.memref_slice %arg3[%add3A_18] : memref<550528xi32, #tpu.memory_space<hbm>> -> memref<1664xi32, #tpu.memory_space<hbm>>
      %dma_wait3A_414 = arith.constant 9984 : i32
      %dma_wait3A_415 = tpu.memref_slice %arg5[%dma_wait3A_414] : memref<18304xi32, #tpu.memory_space<vmem>> -> memref<1664xi32, #tpu.memory_space<vmem>>
      %dma_wait3A_416 = tpu.memref_slice %arg3[%add3A_18] : memref<550528xi32, #tpu.memory_space<hbm>> -> memref<1664xi32, #tpu.memory_space<hbm>>
      tpu.wait_dma2 semaphore(%run_scoped3A : memref<!tpu.dma_semaphore, #tpu.memory_space<semaphore_mem>>) src(%dma_wait3A_416 : memref<1664xi32, #tpu.memory_space<hbm>>) dst(%dma_wait3A_415 : memref<1664xi32, #tpu.memory_space<vmem>>)
      tpu.yield
    }) : () -> ()
    %add3A_19 = arith.constant 350336 : i32
    %add3A_20 = arith.addi %add3A_19, %min3A_4 : i32
    "tpu.region"() ({
      %run_scoped3A = tpu.sem_alloc : memref<!tpu.dma_semaphore, #tpu.memory_space<semaphore_mem>>
      %dma_start3A_405 = arith.constant 11648 : i32
      %dma_start3A_406 = tpu.memref_slice %arg5[%dma_start3A_405] : memref<18304xi32, #tpu.memory_space<vmem>> -> memref<1664xi32, #tpu.memory_space<vmem>>
      %dma_start3A_407 = tpu.memref_slice %arg3[%add3A_20] : memref<550528xi32, #tpu.memory_space<hbm>> -> memref<1664xi32, #tpu.memory_space<hbm>>
      %dma_start3A_408 = arith.constant 11648 : i32
      %dma_start3A_409 = tpu.memref_slice %arg5[%dma_start3A_408] : memref<18304xi32, #tpu.memory_space<vmem>> -> memref<1664xi32, #tpu.memory_space<vmem>>
      %dma_start3A_410 = tpu.memref_slice %arg3[%add3A_20] : memref<550528xi32, #tpu.memory_space<hbm>> -> memref<1664xi32, #tpu.memory_space<hbm>>
      tpu.enqueue_dma source(%dma_start3A_410 : memref<1664xi32, #tpu.memory_space<hbm>>) target(%dma_start3A_409 : memref<1664xi32, #tpu.memory_space<vmem>>) target_semaphore(%run_scoped3A : memref<!tpu.dma_semaphore, #tpu.memory_space<semaphore_mem>>)
      %dma_wait3A_411 = arith.constant 11648 : i32
      %dma_wait3A_412 = tpu.memref_slice %arg5[%dma_wait3A_411] : memref<18304xi32, #tpu.memory_space<vmem>> -> memref<1664xi32, #tpu.memory_space<vmem>>
      %dma_wait3A_413 = tpu.memref_slice %arg3[%add3A_20] : memref<550528xi32, #tpu.memory_space<hbm>> -> memref<1664xi32, #tpu.memory_space<hbm>>
      %dma_wait3A_414 = arith.constant 11648 : i32
      %dma_wait3A_415 = tpu.memref_slice %arg5[%dma_wait3A_414] : memref<18304xi32, #tpu.memory_space<vmem>> -> memref<1664xi32, #tpu.memory_space<vmem>>
      %dma_wait3A_416 = tpu.memref_slice %arg3[%add3A_20] : memref<550528xi32, #tpu.memory_space<hbm>> -> memref<1664xi32, #tpu.memory_space<hbm>>
      tpu.wait_dma2 semaphore(%run_scoped3A : memref<!tpu.dma_semaphore, #tpu.memory_space<semaphore_mem>>) src(%dma_wait3A_416 : memref<1664xi32, #tpu.memory_space<hbm>>) dst(%dma_wait3A_415 : memref<1664xi32, #tpu.memory_space<vmem>>)
      tpu.yield
    }) : () -> ()
    %add3A_21 = arith.constant 400384 : i32
    %add3A_22 = arith.addi %add3A_21, %min3A_4 : i32
    "tpu.region"() ({
      %run_scoped3A = tpu.sem_alloc : memref<!tpu.dma_semaphore, #tpu.memory_space<semaphore_mem>>
      %dma_start3A_405 = arith.constant 13312 : i32
      %dma_start3A_406 = tpu.memref_slice %arg5[%dma_start3A_405] : memref<18304xi32, #tpu.memory_space<vmem>> -> memref<1664xi32, #tpu.memory_space<vmem>>
      %dma_start3A_407 = tpu.memref_slice %arg3[%add3A_22] : memref<550528xi32, #tpu.memory_space<hbm>> -> memref<1664xi32, #tpu.memory_space<hbm>>
      %dma_start3A_408 = arith.constant 13312 : i32
      %dma_start3A_409 = tpu.memref_slice %arg5[%dma_start3A_408] : memref<18304xi32, #tpu.memory_space<vmem>> -> memref<1664xi32, #tpu.memory_space<vmem>>
      %dma_start3A_410 = tpu.memref_slice %arg3[%add3A_22] : memref<550528xi32, #tpu.memory_space<hbm>> -> memref<1664xi32, #tpu.memory_space<hbm>>
      tpu.enqueue_dma source(%dma_start3A_410 : memref<1664xi32, #tpu.memory_space<hbm>>) target(%dma_start3A_409 : memref<1664xi32, #tpu.memory_space<vmem>>) target_semaphore(%run_scoped3A : memref<!tpu.dma_semaphore, #tpu.memory_space<semaphore_mem>>)
      %dma_wait3A_411 = arith.constant 13312 : i32
      %dma_wait3A_412 = tpu.memref_slice %arg5[%dma_wait3A_411] : memref<18304xi32, #tpu.memory_space<vmem>> -> memref<1664xi32, #tpu.memory_space<vmem>>
      %dma_wait3A_413 = tpu.memref_slice %arg3[%add3A_22] : memref<550528xi32, #tpu.memory_space<hbm>> -> memref<1664xi32, #tpu.memory_space<hbm>>
      %dma_wait3A_414 = arith.constant 13312 : i32
      %dma_wait3A_415 = tpu.memref_slice %arg5[%dma_wait3A_414] : memref<18304xi32, #tpu.memory_space<vmem>> -> memref<1664xi32, #tpu.memory_space<vmem>>
      %dma_wait3A_416 = tpu.memref_slice %arg3[%add3A_22] : memref<550528xi32, #tpu.memory_space<hbm>> -> memref<1664xi32, #tpu.memory_space<hbm>>
      tpu.wait_dma2 semaphore(%run_scoped3A : memref<!tpu.dma_semaphore, #tpu.memory_space<semaphore_mem>>) src(%dma_wait3A_416 : memref<1664xi32, #tpu.memory_space<hbm>>) dst(%dma_wait3A_415 : memref<1664xi32, #tpu.memory_space<vmem>>)
      tpu.yield
    }) : () -> ()
    %add3A_23 = arith.constant 450432 : i32
    %add3A_24 = arith.addi %add3A_23, %min3A_4 : i32
    "tpu.region"() ({
      %run_scoped3A = tpu.sem_alloc : memref<!tpu.dma_semaphore, #tpu.memory_space<semaphore_mem>>
      %dma_start3A_405 = arith.constant 14976 : i32
      %dma_start3A_406 = tpu.memref_slice %arg5[%dma_start3A_405] : memref<18304xi32, #tpu.memory_space<vmem>> -> memref<1664xi32, #tpu.memory_space<vmem>>
      %dma_start3A_407 = tpu.memref_slice %arg3[%add3A_24] : memref<550528xi32, #tpu.memory_space<hbm>> -> memref<1664xi32, #tpu.memory_space<hbm>>
      %dma_start3A_408 = arith.constant 14976 : i32
      %dma_start3A_409 = tpu.memref_slice %arg5[%dma_start3A_408] : memref<18304xi32, #tpu.memory_space<vmem>> -> memref<1664xi32, #tpu.memory_space<vmem>>
      %dma_start3A_410 = tpu.memref_slice %arg3[%add3A_24] : memref<550528xi32, #tpu.memory_space<hbm>> -> memref<1664xi32, #tpu.memory_space<hbm>>
      tpu.enqueue_dma source(%dma_start3A_410 : memref<1664xi32, #tpu.memory_space<hbm>>) target(%dma_start3A_409 : memref<1664xi32, #tpu.memory_space<vmem>>) target_semaphore(%run_scoped3A : memref<!tpu.dma_semaphore, #tpu.memory_space<semaphore_mem>>)
      %dma_wait3A_411 = arith.constant 14976 : i32
      %dma_wait3A_412 = tpu.memref_slice %arg5[%dma_wait3A_411] : memref<18304xi32, #tpu.memory_space<vmem>> -> memref<1664xi32, #tpu.memory_space<vmem>>
      %dma_wait3A_413 = tpu.memref_slice %arg3[%add3A_24] : memref<550528xi32, #tpu.memory_space<hbm>> -> memref<1664xi32, #tpu.memory_space<hbm>>
      %dma_wait3A_414 = arith.constant 14976 : i32
      %dma_wait3A_415 = tpu.memref_slice %arg5[%dma_wait3A_414] : memref<18304xi32, #tpu.memory_space<vmem>> -> memref<1664xi32, #tpu.memory_space<vmem>>
      %dma_wait3A_416 = tpu.memref_slice %arg3[%add3A_24] : memref<550528xi32, #tpu.memory_space<hbm>> -> memref<1664xi32, #tpu.memory_space<hbm>>
      tpu.wait_dma2 semaphore(%run_scoped3A : memref<!tpu.dma_semaphore, #tpu.memory_space<semaphore_mem>>) src(%dma_wait3A_416 : memref<1664xi32, #tpu.memory_space<hbm>>) dst(%dma_wait3A_415 : memref<1664xi32, #tpu.memory_space<vmem>>)
      tpu.yield
    }) : () -> ()
    %add3A_25 = arith.constant 500480 : i32
    %add3A_26 = arith.addi %add3A_25, %min3A_4 : i32
    "tpu.region"() ({
      %run_scoped3A = tpu.sem_alloc : memref<!tpu.dma_semaphore, #tpu.memory_space<semaphore_mem>>
      %dma_start3A_405 = arith.constant 16640 : i32
      %dma_start3A_406 = tpu.memref_slice %arg5[%dma_start3A_405] : memref<18304xi32, #tpu.memory_space<vmem>> -> memref<1664xi32, #tpu.memory_space<vmem>>
      %dma_start3A_407 = tpu.memref_slice %arg3[%add3A_26] : memref<550528xi32, #tpu.memory_space<hbm>> -> memref<1664xi32, #tpu.memory_space<hbm>>
      %dma_start3A_408 = arith.constant 16640 : i32
      %dma_start3A_409 = tpu.memref_slice %arg5[%dma_start3A_408] : memref<18304xi32, #tpu.memory_space<vmem>> -> memref<1664xi32, #tpu.memory_space<vmem>>
      %dma_start3A_410 = tpu.memref_slice %arg3[%add3A_26] : memref<550528xi32, #tpu.memory_space<hbm>> -> memref<1664xi32, #tpu.memory_space<hbm>>
      tpu.enqueue_dma source(%dma_start3A_410 : memref<1664xi32, #tpu.memory_space<hbm>>) target(%dma_start3A_409 : memref<1664xi32, #tpu.memory_space<vmem>>) target_semaphore(%run_scoped3A : memref<!tpu.dma_semaphore, #tpu.memory_space<semaphore_mem>>)
      %dma_wait3A_411 = arith.constant 16640 : i32
      %dma_wait3A_412 = tpu.memref_slice %arg5[%dma_wait3A_411] : memref<18304xi32, #tpu.memory_space<vmem>> -> memref<1664xi32, #tpu.memory_space<vmem>>
      %dma_wait3A_413 = tpu.memref_slice %arg3[%add3A_26] : memref<550528xi32, #tpu.memory_space<hbm>> -> memref<1664xi32, #tpu.memory_space<hbm>>
      %dma_wait3A_414 = arith.constant 16640 : i32
      %dma_wait3A_415 = tpu.memref_slice %arg5[%dma_wait3A_414] : memref<18304xi32, #tpu.memory_space<vmem>> -> memref<1664xi32, #tpu.memory_space<vmem>>
      %dma_wait3A_416 = tpu.memref_slice %arg3[%add3A_26] : memref<550528xi32, #tpu.memory_space<hbm>> -> memref<1664xi32, #tpu.memory_space<hbm>>
      tpu.wait_dma2 semaphore(%run_scoped3A : memref<!tpu.dma_semaphore, #tpu.memory_space<semaphore_mem>>) src(%dma_wait3A_416 : memref<1664xi32, #tpu.memory_space<hbm>>) dst(%dma_wait3A_415 : memref<1664xi32, #tpu.memory_space<vmem>>)
      tpu.yield
    }) : () -> ()
    %scan3A = arith.constant 0 : i32
    %scan3A_27 = arith.constant 128 : i32
    %scan3A_28 = arith.addi %scan3A, %scan3A_27 : i32
    %scan3A_29 = arith.constant 1 : i32
    scf.for %scan3A_405 = %scan3A to %scan3A_28 step %scan3A_29  : i32 {
      %swap3A = arith.constant 0 : i32
      %swap3A_406 = arith.index_cast %swap3A : i32 to index
      %swap3A_407 = arith.index_cast %scan3A_405 : i32 to index
      %swap3A_408 = arith.constant 0 : index
      %swap3A_409 = tpu.vector_load %arg6[%swap3A_406, %swap3A_407, %swap3A_408] {strides = array<i32>} : memref<2x128x128xf32, #tpu.memory_space<vmem>>, vector<1x1x16xf32>,
      %swap3A_410 = vector.shape_cast %swap3A_409 : vector<1x1x16xf32> to vector<16xf32>
      %swap3A_411 = vector.shape_cast %broadcast_in_dim3A_1 : vector<16xf32> to vector<1x1x16xf32>
      tpu.vector_store %arg6[%swap3A_406, %swap3A_407, %swap3A_408], %swap3A_411 {strides = array<i32>} : memref<2x128x128xf32, #tpu.memory_space<vmem>>, vector<1x1x16xf32>,
      %swap3A_412 = arith.constant 0 : i32
      %swap3A_413 = arith.index_cast %swap3A_412 : i32 to index
      %swap3A_414 = arith.index_cast %scan3A_405 : i32 to index
      %swap3A_415 = arith.constant 16 : index
      %swap3A_416 = tpu.vector_load %arg6[%swap3A_413, %swap3A_414, %swap3A_415] {strides = array<i32>} : memref<2x128x128xf32, #tpu.memory_space<vmem>>, vector<1x1x16xf32>,
      %swap3A_417 = vector.shape_cast %swap3A_416 : vector<1x1x16xf32> to vector<16xf32>
      %swap3A_418 = vector.shape_cast %broadcast_in_dim3A_1 : vector<16xf32> to vector<1x1x16xf32>
      tpu.vector_store %arg6[%swap3A_413, %swap3A_414, %swap3A_415], %swap3A_418 {strides = array<i32>} : memref<2x128x128xf32, #tpu.memory_space<vmem>>, vector<1x1x16xf32>,
      %swap3A_419 = arith.constant 0 : i32
      %swap3A_420 = arith.index_cast %swap3A_419 : i32 to index
      %swap3A_421 = arith.index_cast %scan3A_405 : i32 to index
      %swap3A_422 = arith.constant 32 : index
      %swap3A_423 = tpu.vector_load %arg6[%swap3A_420, %swap3A_421, %swap3A_422] {strides = array<i32>} : memref<2x128x128xf32, #tpu.memory_space<vmem>>, vector<1x1x16xf32>,
      %swap3A_424 = vector.shape_cast %swap3A_423 : vector<1x1x16xf32> to vector<16xf32>
      %swap3A_425 = vector.shape_cast %broadcast_in_dim3A_1 : vector<16xf32> to vector<1x1x16xf32>
      tpu.vector_store %arg6[%swap3A_420, %swap3A_421, %swap3A_422], %swap3A_425 {strides = array<i32>} : memref<2x128x128xf32, #tpu.memory_space<vmem>>, vector<1x1x16xf32>,
      %swap3A_426 = arith.constant 0 : i32
      %swap3A_427 = arith.index_cast %swap3A_426 : i32 to index
      %swap3A_428 = arith.index_cast %scan3A_405 : i32 to index
      %swap3A_429 = arith.constant 48 : index
      %swap3A_430 = tpu.vector_load %arg6[%swap3A_427, %swap3A_428, %swap3A_429] {strides = array<i32>} : memref<2x128x128xf32, #tpu.memory_space<vmem>>, vector<1x1x16xf32>,
      %swap3A_431 = vector.shape_cast %swap3A_430 : vector<1x1x16xf32> to vector<16xf32>
      %swap3A_432 = vector.shape_cast %broadcast_in_dim3A_1 : vector<16xf32> to vector<1x1x16xf32>
      tpu.vector_store %arg6[%swap3A_427, %swap3A_428, %swap3A_429], %swap3A_432 {strides = array<i32>} : memref<2x128x128xf32, #tpu.memory_space<vmem>>, vector<1x1x16xf32>,
      %swap3A_433 = arith.constant 0 : i32
      %swap3A_434 = arith.index_cast %swap3A_433 : i32 to index
      %swap3A_435 = arith.index_cast %scan3A_405 : i32 to index
      %swap3A_436 = arith.constant 64 : index
      %swap3A_437 = tpu.vector_load %arg6[%swap3A_434, %swap3A_435, %swap3A_436] {strides = array<i32>} : memref<2x128x128xf32, #tpu.memory_space<vmem>>, vector<1x1x16xf32>,
      %swap3A_438 = vector.shape_cast %swap3A_437 : vector<1x1x16xf32> to vector<16xf32>
      %swap3A_439 = vector.shape_cast %broadcast_in_dim3A_1 : vector<16xf32> to vector<1x1x16xf32>
      tpu.vector_store %arg6[%swap3A_434, %swap3A_435, %swap3A_436], %swap3A_439 {strides = array<i32>} : memref<2x128x128xf32, #tpu.memory_space<vmem>>, vector<1x1x16xf32>,
      %swap3A_440 = arith.constant 0 : i32
      %swap3A_441 = arith.index_cast %swap3A_440 : i32 to index
      %swap3A_442 = arith.index_cast %scan3A_405 : i32 to index
      %swap3A_443 = arith.constant 80 : index
      %swap3A_444 = tpu.vector_load %arg6[%swap3A_441, %swap3A_442, %swap3A_443] {strides = array<i32>} : memref<2x128x128xf32, #tpu.memory_space<vmem>>, vector<1x1x16xf32>,
      %swap3A_445 = vector.shape_cast %swap3A_444 : vector<1x1x16xf32> to vector<16xf32>
      %swap3A_446 = vector.shape_cast %broadcast_in_dim3A_1 : vector<16xf32> to vector<1x1x16xf32>
      tpu.vector_store %arg6[%swap3A_441, %swap3A_442, %swap3A_443], %swap3A_446 {strides = array<i32>} : memref<2x128x128xf32, #tpu.memory_space<vmem>>, vector<1x1x16xf32>,
      %swap3A_447 = arith.constant 0 : i32
      %swap3A_448 = arith.index_cast %swap3A_447 : i32 to index
      %swap3A_449 = arith.index_cast %scan3A_405 : i32 to index
      %swap3A_450 = arith.constant 96 : index
      %swap3A_451 = tpu.vector_load %arg6[%swap3A_448, %swap3A_449, %swap3A_450] {strides = array<i32>} : memref<2x128x128xf32, #tpu.memory_space<vmem>>, vector<1x1x16xf32>,
      %swap3A_452 = vector.shape_cast %swap3A_451 : vector<1x1x16xf32> to vector<16xf32>
      %swap3A_453 = vector.shape_cast %broadcast_in_dim3A_1 : vector<16xf32> to vector<1x1x16xf32>
      tpu.vector_store %arg6[%swap3A_448, %swap3A_449, %swap3A_450], %swap3A_453 {strides = array<i32>} : memref<2x128x128xf32, #tpu.memory_space<vmem>>, vector<1x1x16xf32>,
      %swap3A_454 = arith.constant 0 : i32
      %swap3A_455 = arith.index_cast %swap3A_454 : i32 to index
      %swap3A_456 = arith.index_cast %scan3A_405 : i32 to index
      %swap3A_457 = arith.constant 112 : index
      %swap3A_458 = tpu.vector_load %arg6[%swap3A_455, %swap3A_456, %swap3A_457] {strides = array<i32>} : memref<2x128x128xf32, #tpu.memory_space<vmem>>, vector<1x1x16xf32>,
      %swap3A_459 = vector.shape_cast %swap3A_458 : vector<1x1x16xf32> to vector<16xf32>
      %swap3A_460 = vector.shape_cast %broadcast_in_dim3A_1 : vector<16xf32> to vector<1x1x16xf32>
      tpu.vector_store %arg6[%swap3A_455, %swap3A_456, %swap3A_457], %swap3A_460 {strides = array<i32>} : memref<2x128x128xf32, #tpu.memory_space<vmem>>, vector<1x1x16xf32>,
    }
    %scan3A_30 = arith.constant 128 : i32
    %scan3A_31 = arith.constant 0 : i32
    %scan3A_32 = arith.constant 128 : i32
    %scan3A_33 = arith.addi %scan3A_31, %scan3A_32 : i32
    %scan3A_34 = arith.constant 1 : i32
    scf.for %scan3A_405 = %scan3A_31 to %scan3A_33 step %scan3A_34  : i32 {
      %swap3A = arith.constant 1 : i32
      %swap3A_406 = arith.index_cast %swap3A : i32 to index
      %swap3A_407 = arith.index_cast %scan3A_405 : i32 to index
      %swap3A_408 = arith.constant 0 : index
      %swap3A_409 = tpu.vector_load %arg6[%swap3A_406, %swap3A_407, %swap3A_408] {strides = array<i32>} : memref<2x128x128xf32, #tpu.memory_space<vmem>>, vector<1x1x16xf32>,
      %swap3A_410 = vector.shape_cast %swap3A_409 : vector<1x1x16xf32> to vector<16xf32>
      %swap3A_411 = vector.shape_cast %broadcast_in_dim3A_1 : vector<16xf32> to vector<1x1x16xf32>
      tpu.vector_store %arg6[%swap3A_406, %swap3A_407, %swap3A_408], %swap3A_411 {strides = array<i32>} : memref<2x128x128xf32, #tpu.memory_space<vmem>>, vector<1x1x16xf32>,
      %swap3A_412 = arith.constant 1 : i32
      %swap3A_413 = arith.index_cast %swap3A_412 : i32 to index
      %swap3A_414 = arith.index_cast %scan3A_405 : i32 to index
      %swap3A_415 = arith.constant 16 : index
      %swap3A_416 = tpu.vector_load %arg6[%swap3A_413, %swap3A_414, %swap3A_415] {strides = array<i32>} : memref<2x128x128xf32, #tpu.memory_space<vmem>>, vector<1x1x16xf32>,
      %swap3A_417 = vector.shape_cast %swap3A_416 : vector<1x1x16xf32> to vector<16xf32>
      %swap3A_418 = vector.shape_cast %broadcast_in_dim3A_1 : vector<16xf32> to vector<1x1x16xf32>
      tpu.vector_store %arg6[%swap3A_413, %swap3A_414, %swap3A_415], %swap3A_418 {strides = array<i32>} : memref<2x128x128xf32, #tpu.memory_space<vmem>>, vector<1x1x16xf32>,
      %swap3A_419 = arith.constant 1 : i32
      %swap3A_420 = arith.index_cast %swap3A_419 : i32 to index
      %swap3A_421 = arith.index_cast %scan3A_405 : i32 to index
      %swap3A_422 = arith.constant 32 : index
      %swap3A_423 = tpu.vector_load %arg6[%swap3A_420, %swap3A_421, %swap3A_422] {strides = array<i32>} : memref<2x128x128xf32, #tpu.memory_space<vmem>>, vector<1x1x16xf32>,
      %swap3A_424 = vector.shape_cast %swap3A_423 : vector<1x1x16xf32> to vector<16xf32>
      %swap3A_425 = vector.shape_cast %broadcast_in_dim3A_1 : vector<16xf32> to vector<1x1x16xf32>
      tpu.vector_store %arg6[%swap3A_420, %swap3A_421, %swap3A_422], %swap3A_425 {strides = array<i32>} : memref<2x128x128xf32, #tpu.memory_space<vmem>>, vector<1x1x16xf32>,
      %swap3A_426 = arith.constant 1 : i32
      %swap3A_427 = arith.index_cast %swap3A_426 : i32 to index
      %swap3A_428 = arith.index_cast %scan3A_405 : i32 to index
      %swap3A_429 = arith.constant 48 : index
      %swap3A_430 = tpu.vector_load %arg6[%swap3A_427, %swap3A_428, %swap3A_429] {strides = array<i32>} : memref<2x128x128xf32, #tpu.memory_space<vmem>>, vector<1x1x16xf32>,
      %swap3A_431 = vector.shape_cast %swap3A_430 : vector<1x1x16xf32> to vector<16xf32>
      %swap3A_432 = vector.shape_cast %broadcast_in_dim3A_1 : vector<16xf32> to vector<1x1x16xf32>
      tpu.vector_store %arg6[%swap3A_427, %swap3A_428, %swap3A_429], %swap3A_432 {strides = array<i32>} : memref<2x128x128xf32, #tpu.memory_space<vmem>>, vector<1x1x16xf32>,
      %swap3A_433 = arith.constant 1 : i32
      %swap3A_434 = arith.index_cast %swap3A_433 : i32 to index
      %swap3A_435 = arith.index_cast %scan3A_405 : i32 to index
      %swap3A_436 = arith.constant 64 : index
      %swap3A_437 = tpu.vector_load %arg6[%swap3A_434, %swap3A_435, %swap3A_436] {strides = array<i32>} : memref<2x128x128xf32, #tpu.memory_space<vmem>>, vector<1x1x16xf32>,
      %swap3A_438 = vector.shape_cast %swap3A_437 : vector<1x1x16xf32> to vector<16xf32>
      %swap3A_439 = vector.shape_cast %broadcast_in_dim3A_1 : vector<16xf32> to vector<1x1x16xf32>
      tpu.vector_store %arg6[%swap3A_434, %swap3A_435, %swap3A_436], %swap3A_439 {strides = array<i32>} : memref<2x128x128xf32, #tpu.memory_space<vmem>>, vector<1x1x16xf32>,
      %swap3A_440 = arith.constant 1 : i32
      %swap3A_441 = arith.index_cast %swap3A_440 : i32 to index
      %swap3A_442 = arith.index_cast %scan3A_405 : i32 to index
      %swap3A_443 = arith.constant 80 : index
      %swap3A_444 = tpu.vector_load %arg6[%swap3A_441, %swap3A_442, %swap3A_443] {strides = array<i32>} : memref<2x128x128xf32, #tpu.memory_space<vmem>>, vector<1x1x16xf32>,
      %swap3A_445 = vector.shape_cast %swap3A_444 : vector<1x1x16xf32> to vector<16xf32>
      %swap3A_446 = vector.shape_cast %broadcast_in_dim3A_1 : vector<16xf32> to vector<1x1x16xf32>
      tpu.vector_store %arg6[%swap3A_441, %swap3A_442, %swap3A_443], %swap3A_446 {strides = array<i32>} : memref<2x128x128xf32, #tpu.memory_space<vmem>>, vector<1x1x16xf32>,
      %swap3A_447 = arith.constant 1 : i32
      %swap3A_448 = arith.index_cast %swap3A_447 : i32 to index
      %swap3A_449 = arith.index_cast %scan3A_405 : i32 to index
      %swap3A_450 = arith.constant 96 : index
      %swap3A_451 = tpu.vector_load %arg6[%swap3A_448, %swap3A_449, %swap3A_450] {strides = array<i32>} : memref<2x128x128xf32, #tpu.memory_space<vmem>>, vector<1x1x16xf32>,
      %swap3A_452 = vector.shape_cast %swap3A_451 : vector<1x1x16xf32> to vector<16xf32>
      %swap3A_453 = vector.shape_cast %broadcast_in_dim3A_1 : vector<16xf32> to vector<1x1x16xf32>
      tpu.vector_store %arg6[%swap3A_448, %swap3A_449, %swap3A_450], %swap3A_453 {strides = array<i32>} : memref<2x128x128xf32, #tpu.memory_space<vmem>>, vector<1x1x16xf32>,
      %swap3A_454 = arith.constant 1 : i32
      %swap3A_455 = arith.index_cast %swap3A_454 : i32 to index
      %swap3A_456 = arith.index_cast %scan3A_405 : i32 to index
      %swap3A_457 = arith.constant 112 : index
      %swap3A_458 = tpu.vector_load %arg6[%swap3A_455, %swap3A_456, %swap3A_457] {strides = array<i32>} : memref<2x128x128xf32, #tpu.memory_space<vmem>>, vector<1x1x16xf32>,
      %swap3A_459 = vector.shape_cast %swap3A_458 : vector<1x1x16xf32> to vector<16xf32>
      %swap3A_460 = vector.shape_cast %broadcast_in_dim3A_1 : vector<16xf32> to vector<1x1x16xf32>
      tpu.vector_store %arg6[%swap3A_455, %swap3A_456, %swap3A_457], %swap3A_460 {strides = array<i32>} : memref<2x128x128xf32, #tpu.memory_space<vmem>>, vector<1x1x16xf32>,
    }
    %scan3A_35 = arith.constant 128 : i32
    %mul3A_36 = arith.constant 13 : i32
    %mul3A_37 = arith.muli %add3A, %mul3A_36 : i32
    %add3A_38 = arith.constant 0 : i32
    %add3A_39 = arith.addi %mul3A_37, %add3A_38 : i32
    %mul3A_40 = arith.constant 128 : i32
    %mul3A_41 = arith.muli %add3A_39, %mul3A_40 : i32
    %min3A_42 = arith.constant 49872 : i32
    %min3A_43 = arith.minsi %mul3A_41, %min3A_42 : i32
    %sub3A = arith.subi %min3A_43, %min3A_4 : i32
    %add3A_44 = arith.constant 0 : i32
    %add3A_45 = arith.addi %add3A_44, %sub3A : i32
    %dma_start3A = arith.constant 0 : i32
    %dma_start3A_46 = arith.constant 0 : i32
    %dma_start3A_47 = arith.constant 0 : i32
    %dma_start3A_48 = tpu.memref_slice %arg6[%dma_start3A, %dma_start3A_46, %dma_start3A_47] : memref<2x128x128xf32, #tpu.memory_space<vmem>> -> memref<1x128x128xf32, #tpu.memory_space<vmem>>
    %dma_start3A_49 = tpu.memref_squeeze %dma_start3A_48 : memref<1x128x128xf32, #tpu.memory_space<vmem>> -> memref<128x128xf32, #tpu.memory_space<vmem>>
    %dma_start3A_50 = tpu.memref_slice %arg5[%add3A_45] : memref<18304xi32, #tpu.memory_space<vmem>> -> memref<128xi32, #tpu.memory_space<vmem>>
    %dma_start3A_51 = arith.constant 0 : i32
    %dma_start3A_52 = arith.constant 0 : i32
    %dma_start3A_53 = tpu.memref_slice %arg2[%dma_start3A_51, %dma_start3A_52] : memref<100000x128xf32, #tpu.memory_space<hbm>> -> memref<100000x128xf32, #tpu.memory_space<hbm>>
    tpu.enqueue_indirect_dma source(%dma_start3A_53 : memref<100000x128xf32, #tpu.memory_space<hbm>>) target(%dma_start3A_49 : memref<128x128xf32, #tpu.memory_space<vmem>>) offsets(%dma_start3A_50 : memref<128xi32, #tpu.memory_space<vmem>>) semaphore(%arg8 : memref<!tpu.dma_semaphore, #tpu.memory_space<semaphore_mem>>) {add = true}
    %add3A_54 = arith.constant 1664 : i32
    %add3A_55 = arith.addi %add3A_54, %sub3A : i32
    %dma_start3A_56 = arith.constant 0 : i32
    %dma_start3A_57 = arith.constant 0 : i32
    %dma_start3A_58 = arith.constant 0 : i32
    %dma_start3A_59 = tpu.memref_slice %arg6[%dma_start3A_56, %dma_start3A_57, %dma_start3A_58] : memref<2x128x128xf32, #tpu.memory_space<vmem>> -> memref<1x128x128xf32, #tpu.memory_space<vmem>>
    %dma_start3A_60 = tpu.memref_squeeze %dma_start3A_59 : memref<1x128x128xf32, #tpu.memory_space<vmem>> -> memref<128x128xf32, #tpu.memory_space<vmem>>
    %dma_start3A_61 = tpu.memref_slice %arg5[%add3A_55] : memref<18304xi32, #tpu.memory_space<vmem>> -> memref<128xi32, #tpu.memory_space<vmem>>
    %dma_start3A_62 = arith.constant 0 : i32
    %dma_start3A_63 = arith.constant 0 : i32
    %dma_start3A_64 = tpu.memref_slice %arg2[%dma_start3A_62, %dma_start3A_63] : memref<100000x128xf32, #tpu.memory_space<hbm>> -> memref<100000x128xf32, #tpu.memory_space<hbm>>
    tpu.enqueue_indirect_dma source(%dma_start3A_64 : memref<100000x128xf32, #tpu.memory_space<hbm>>) target(%dma_start3A_60 : memref<128x128xf32, #tpu.memory_space<vmem>>) offsets(%dma_start3A_61 : memref<128xi32, #tpu.memory_space<vmem>>) semaphore(%arg8 : memref<!tpu.dma_semaphore, #tpu.memory_space<semaphore_mem>>) {add = true}
    %add3A_65 = arith.constant 3328 : i32
    %add3A_66 = arith.addi %add3A_65, %sub3A : i32
    %dma_start3A_67 = arith.constant 0 : i32
    %dma_start3A_68 = arith.constant 0 : i32
    %dma_start3A_69 = arith.constant 0 : i32
    %dma_start3A_70 = tpu.memref_slice %arg6[%dma_start3A_67, %dma_start3A_68, %dma_start3A_69] : memref<2x128x128xf32, #tpu.memory_space<vmem>> -> memref<1x128x128xf32, #tpu.memory_space<vmem>>
    %dma_start3A_71 = tpu.memref_squeeze %dma_start3A_70 : memref<1x128x128xf32, #tpu.memory_space<vmem>> -> memref<128x128xf32, #tpu.memory_space<vmem>>
    %dma_start3A_72 = tpu.memref_slice %arg5[%add3A_66] : memref<18304xi32, #tpu.memory_space<vmem>> -> memref<128xi32, #tpu.memory_space<vmem>>
    %dma_start3A_73 = arith.constant 0 : i32
    %dma_start3A_74 = arith.constant 0 : i32
    %dma_start3A_75 = tpu.memref_slice %arg2[%dma_start3A_73, %dma_start3A_74] : memref<100000x128xf32, #tpu.memory_space<hbm>> -> memref<100000x128xf32, #tpu.memory_space<hbm>>
    tpu.enqueue_indirect_dma source(%dma_start3A_75 : memref<100000x128xf32, #tpu.memory_space<hbm>>) target(%dma_start3A_71 : memref<128x128xf32, #tpu.memory_space<vmem>>) offsets(%dma_start3A_72 : memref<128xi32, #tpu.memory_space<vmem>>) semaphore(%arg8 : memref<!tpu.dma_semaphore, #tpu.memory_space<semaphore_mem>>) {add = true}
    %add3A_76 = arith.constant 4992 : i32
    %add3A_77 = arith.addi %add3A_76, %sub3A : i32
    %dma_start3A_78 = arith.constant 0 : i32
    %dma_start3A_79 = arith.constant 0 : i32
    %dma_start3A_80 = arith.constant 0 : i32
    %dma_start3A_81 = tpu.memref_slice %arg6[%dma_start3A_78, %dma_start3A_79, %dma_start3A_80] : memref<2x128x128xf32, #tpu.memory_space<vmem>> -> memref<1x128x128xf32, #tpu.memory_space<vmem>>
    %dma_start3A_82 = tpu.memref_squeeze %dma_start3A_81 : memref<1x128x128xf32, #tpu.memory_space<vmem>> -> memref<128x128xf32, #tpu.memory_space<vmem>>
    %dma_start3A_83 = tpu.memref_slice %arg5[%add3A_77] : memref<18304xi32, #tpu.memory_space<vmem>> -> memref<128xi32, #tpu.memory_space<vmem>>
    %dma_start3A_84 = arith.constant 0 : i32
    %dma_start3A_85 = arith.constant 0 : i32
    %dma_start3A_86 = tpu.memref_slice %arg2[%dma_start3A_84, %dma_start3A_85] : memref<100000x128xf32, #tpu.memory_space<hbm>> -> memref<100000x128xf32, #tpu.memory_space<hbm>>
    tpu.enqueue_indirect_dma source(%dma_start3A_86 : memref<100000x128xf32, #tpu.memory_space<hbm>>) target(%dma_start3A_82 : memref<128x128xf32, #tpu.memory_space<vmem>>) offsets(%dma_start3A_83 : memref<128xi32, #tpu.memory_space<vmem>>) semaphore(%arg8 : memref<!tpu.dma_semaphore, #tpu.memory_space<semaphore_mem>>) {add = true}
    %add3A_87 = arith.constant 6656 : i32
    %add3A_88 = arith.addi %add3A_87, %sub3A : i32
    %dma_start3A_89 = arith.constant 0 : i32
    %dma_start3A_90 = arith.constant 0 : i32
    %dma_start3A_91 = arith.constant 0 : i32
    %dma_start3A_92 = tpu.memref_slice %arg6[%dma_start3A_89, %dma_start3A_90, %dma_start3A_91] : memref<2x128x128xf32, #tpu.memory_space<vmem>> -> memref<1x128x128xf32, #tpu.memory_space<vmem>>
    %dma_start3A_93 = tpu.memref_squeeze %dma_start3A_92 : memref<1x128x128xf32, #tpu.memory_space<vmem>> -> memref<128x128xf32, #tpu.memory_space<vmem>>
    %dma_start3A_94 = tpu.memref_slice %arg5[%add3A_88] : memref<18304xi32, #tpu.memory_space<vmem>> -> memref<128xi32, #tpu.memory_space<vmem>>
    %dma_start3A_95 = arith.constant 0 : i32
    %dma_start3A_96 = arith.constant 0 : i32
    %dma_start3A_97 = tpu.memref_slice %arg2[%dma_start3A_95, %dma_start3A_96] : memref<100000x128xf32, #tpu.memory_space<hbm>> -> memref<100000x128xf32, #tpu.memory_space<hbm>>
    tpu.enqueue_indirect_dma source(%dma_start3A_97 : memref<100000x128xf32, #tpu.memory_space<hbm>>) target(%dma_start3A_93 : memref<128x128xf32, #tpu.memory_space<vmem>>) offsets(%dma_start3A_94 : memref<128xi32, #tpu.memory_space<vmem>>) semaphore(%arg8 : memref<!tpu.dma_semaphore, #tpu.memory_space<semaphore_mem>>) {add = true}
    %add3A_98 = arith.constant 8320 : i32
    %add3A_99 = arith.addi %add3A_98, %sub3A : i32
    %dma_start3A_100 = arith.constant 0 : i32
    %dma_start3A_101 = arith.constant 0 : i32
    %dma_start3A_102 = arith.constant 0 : i32
    %dma_start3A_103 = tpu.memref_slice %arg6[%dma_start3A_100, %dma_start3A_101, %dma_start3A_102] : memref<2x128x128xf32, #tpu.memory_space<vmem>> -> memref<1x128x128xf32, #tpu.memory_space<vmem>>
    %dma_start3A_104 = tpu.memref_squeeze %dma_start3A_103 : memref<1x128x128xf32, #tpu.memory_space<vmem>> -> memref<128x128xf32, #tpu.memory_space<vmem>>
    %dma_start3A_105 = tpu.memref_slice %arg5[%add3A_99] : memref<18304xi32, #tpu.memory_space<vmem>> -> memref<128xi32, #tpu.memory_space<vmem>>
    %dma_start3A_106 = arith.constant 0 : i32
    %dma_start3A_107 = arith.constant 0 : i32
    %dma_start3A_108 = tpu.memref_slice %arg2[%dma_start3A_106, %dma_start3A_107] : memref<100000x128xf32, #tpu.memory_space<hbm>> -> memref<100000x128xf32, #tpu.memory_space<hbm>>
    tpu.enqueue_indirect_dma source(%dma_start3A_108 : memref<100000x128xf32, #tpu.memory_space<hbm>>) target(%dma_start3A_104 : memref<128x128xf32, #tpu.memory_space<vmem>>) offsets(%dma_start3A_105 : memref<128xi32, #tpu.memory_space<vmem>>) semaphore(%arg8 : memref<!tpu.dma_semaphore, #tpu.memory_space<semaphore_mem>>) {add = true}
    %add3A_109 = arith.constant 9984 : i32
    %add3A_110 = arith.addi %add3A_109, %sub3A : i32
    %dma_start3A_111 = arith.constant 0 : i32
    %dma_start3A_112 = arith.constant 0 : i32
    %dma_start3A_113 = arith.constant 0 : i32
    %dma_start3A_114 = tpu.memref_slice %arg6[%dma_start3A_111, %dma_start3A_112, %dma_start3A_113] : memref<2x128x128xf32, #tpu.memory_space<vmem>> -> memref<1x128x128xf32, #tpu.memory_space<vmem>>
    %dma_start3A_115 = tpu.memref_squeeze %dma_start3A_114 : memref<1x128x128xf32, #tpu.memory_space<vmem>> -> memref<128x128xf32, #tpu.memory_space<vmem>>
    %dma_start3A_116 = tpu.memref_slice %arg5[%add3A_110] : memref<18304xi32, #tpu.memory_space<vmem>> -> memref<128xi32, #tpu.memory_space<vmem>>
    %dma_start3A_117 = arith.constant 0 : i32
    %dma_start3A_118 = arith.constant 0 : i32
    %dma_start3A_119 = tpu.memref_slice %arg2[%dma_start3A_117, %dma_start3A_118] : memref<100000x128xf32, #tpu.memory_space<hbm>> -> memref<100000x128xf32, #tpu.memory_space<hbm>>
    tpu.enqueue_indirect_dma source(%dma_start3A_119 : memref<100000x128xf32, #tpu.memory_space<hbm>>) target(%dma_start3A_115 : memref<128x128xf32, #tpu.memory_space<vmem>>) offsets(%dma_start3A_116 : memref<128xi32, #tpu.memory_space<vmem>>) semaphore(%arg8 : memref<!tpu.dma_semaphore, #tpu.memory_space<semaphore_mem>>) {add = true}
    %add3A_120 = arith.constant 11648 : i32
    %add3A_121 = arith.addi %add3A_120, %sub3A : i32
    %dma_start3A_122 = arith.constant 0 : i32
    %dma_start3A_123 = arith.constant 0 : i32
    %dma_start3A_124 = arith.constant 0 : i32
    %dma_start3A_125 = tpu.memref_slice %arg6[%dma_start3A_122, %dma_start3A_123, %dma_start3A_124] : memref<2x128x128xf32, #tpu.memory_space<vmem>> -> memref<1x128x128xf32, #tpu.memory_space<vmem>>
    %dma_start3A_126 = tpu.memref_squeeze %dma_start3A_125 : memref<1x128x128xf32, #tpu.memory_space<vmem>> -> memref<128x128xf32, #tpu.memory_space<vmem>>
    %dma_start3A_127 = tpu.memref_slice %arg5[%add3A_121] : memref<18304xi32, #tpu.memory_space<vmem>> -> memref<128xi32, #tpu.memory_space<vmem>>
    %dma_start3A_128 = arith.constant 0 : i32
    %dma_start3A_129 = arith.constant 0 : i32
    %dma_start3A_130 = tpu.memref_slice %arg2[%dma_start3A_128, %dma_start3A_129] : memref<100000x128xf32, #tpu.memory_space<hbm>> -> memref<100000x128xf32, #tpu.memory_space<hbm>>
    tpu.enqueue_indirect_dma source(%dma_start3A_130 : memref<100000x128xf32, #tpu.memory_space<hbm>>) target(%dma_start3A_126 : memref<128x128xf32, #tpu.memory_space<vmem>>) offsets(%dma_start3A_127 : memref<128xi32, #tpu.memory_space<vmem>>) semaphore(%arg8 : memref<!tpu.dma_semaphore, #tpu.memory_space<semaphore_mem>>) {add = true}
    %add3A_131 = arith.constant 13312 : i32
    %add3A_132 = arith.addi %add3A_131, %sub3A : i32
    %dma_start3A_133 = arith.constant 0 : i32
    %dma_start3A_134 = arith.constant 0 : i32
    %dma_start3A_135 = arith.constant 0 : i32
    %dma_start3A_136 = tpu.memref_slice %arg6[%dma_start3A_133, %dma_start3A_134, %dma_start3A_135] : memref<2x128x128xf32, #tpu.memory_space<vmem>> -> memref<1x128x128xf32, #tpu.memory_space<vmem>>
    %dma_start3A_137 = tpu.memref_squeeze %dma_start3A_136 : memref<1x128x128xf32, #tpu.memory_space<vmem>> -> memref<128x128xf32, #tpu.memory_space<vmem>>
    %dma_start3A_138 = tpu.memref_slice %arg5[%add3A_132] : memref<18304xi32, #tpu.memory_space<vmem>> -> memref<128xi32, #tpu.memory_space<vmem>>
    %dma_start3A_139 = arith.constant 0 : i32
    %dma_start3A_140 = arith.constant 0 : i32
    %dma_start3A_141 = tpu.memref_slice %arg2[%dma_start3A_139, %dma_start3A_140] : memref<100000x128xf32, #tpu.memory_space<hbm>> -> memref<100000x128xf32, #tpu.memory_space<hbm>>
    tpu.enqueue_indirect_dma source(%dma_start3A_141 : memref<100000x128xf32, #tpu.memory_space<hbm>>) target(%dma_start3A_137 : memref<128x128xf32, #tpu.memory_space<vmem>>) offsets(%dma_start3A_138 : memref<128xi32, #tpu.memory_space<vmem>>) semaphore(%arg8 : memref<!tpu.dma_semaphore, #tpu.memory_space<semaphore_mem>>) {add = true}
    %add3A_142 = arith.constant 14976 : i32
    %add3A_143 = arith.addi %add3A_142, %sub3A : i32
    %dma_start3A_144 = arith.constant 0 : i32
    %dma_start3A_145 = arith.constant 0 : i32
    %dma_start3A_146 = arith.constant 0 : i32
    %dma_start3A_147 = tpu.memref_slice %arg6[%dma_start3A_144, %dma_start3A_145, %dma_start3A_146] : memref<2x128x128xf32, #tpu.memory_space<vmem>> -> memref<1x128x128xf32, #tpu.memory_space<vmem>>
    %dma_start3A_148 = tpu.memref_squeeze %dma_start3A_147 : memref<1x128x128xf32, #tpu.memory_space<vmem>> -> memref<128x128xf32, #tpu.memory_space<vmem>>
    %dma_start3A_149 = tpu.memref_slice %arg5[%add3A_143] : memref<18304xi32, #tpu.memory_space<vmem>> -> memref<128xi32, #tpu.memory_space<vmem>>
    %dma_start3A_150 = arith.constant 0 : i32
    %dma_start3A_151 = arith.constant 0 : i32
    %dma_start3A_152 = tpu.memref_slice %arg2[%dma_start3A_150, %dma_start3A_151] : memref<100000x128xf32, #tpu.memory_space<hbm>> -> memref<100000x128xf32, #tpu.memory_space<hbm>>
    tpu.enqueue_indirect_dma source(%dma_start3A_152 : memref<100000x128xf32, #tpu.memory_space<hbm>>) target(%dma_start3A_148 : memref<128x128xf32, #tpu.memory_space<vmem>>) offsets(%dma_start3A_149 : memref<128xi32, #tpu.memory_space<vmem>>) semaphore(%arg8 : memref<!tpu.dma_semaphore, #tpu.memory_space<semaphore_mem>>) {add = true}
    %add3A_153 = arith.constant 16640 : i32
    %add3A_154 = arith.addi %add3A_153, %sub3A : i32
    %dma_start3A_155 = arith.constant 0 : i32
    %dma_start3A_156 = arith.constant 0 : i32
    %dma_start3A_157 = arith.constant 0 : i32
    %dma_start3A_158 = tpu.memref_slice %arg6[%dma_start3A_155, %dma_start3A_156, %dma_start3A_157] : memref<2x128x128xf32, #tpu.memory_space<vmem>> -> memref<1x128x128xf32, #tpu.memory_space<vmem>>
    %dma_start3A_159 = tpu.memref_squeeze %dma_start3A_158 : memref<1x128x128xf32, #tpu.memory_space<vmem>> -> memref<128x128xf32, #tpu.memory_space<vmem>>
    %dma_start3A_160 = tpu.memref_slice %arg5[%add3A_154] : memref<18304xi32, #tpu.memory_space<vmem>> -> memref<128xi32, #tpu.memory_space<vmem>>
    %dma_start3A_161 = arith.constant 0 : i32
    %dma_start3A_162 = arith.constant 0 : i32
    %dma_start3A_163 = tpu.memref_slice %arg2[%dma_start3A_161, %dma_start3A_162] : memref<100000x128xf32, #tpu.memory_space<hbm>> -> memref<100000x128xf32, #tpu.memory_space<hbm>>
    tpu.enqueue_indirect_dma source(%dma_start3A_163 : memref<100000x128xf32, #tpu.memory_space<hbm>>) target(%dma_start3A_159 : memref<128x128xf32, #tpu.memory_space<vmem>>) offsets(%dma_start3A_160 : memref<128xi32, #tpu.memory_space<vmem>>) semaphore(%arg8 : memref<!tpu.dma_semaphore, #tpu.memory_space<semaphore_mem>>) {add = true}
    %scan3A_164 = arith.constant 0 : i32
    %scan3A_165 = arith.constant 6 : i32
    %scan3A_166 = arith.addi %scan3A_164, %scan3A_165 : i32
    %scan3A_167 = arith.constant 1 : i32
    scf.for %scan3A_405 = %scan3A_164 to %scan3A_166 step %scan3A_167  : i32 {
      %mul3A_406 = arith.constant 2 : i32
      %mul3A_407 = arith.muli %mul3A_406, %scan3A_405 : i32
      %add3A_408 = arith.constant 1 : i32
      %add3A_409 = arith.addi %mul3A_407, %add3A_408 : i32
      %mul3A_410 = arith.constant 13 : i32
      %mul3A_411 = arith.muli %add3A, %mul3A_410 : i32
      %add3A_412 = arith.addi %mul3A_411, %add3A_409 : i32
      %mul3A_413 = arith.constant 128 : i32
      %mul3A_414 = arith.muli %add3A_412, %mul3A_413 : i32
      %min3A_415 = arith.constant 49872 : i32
      %min3A_416 = arith.minsi %mul3A_414, %min3A_415 : i32
      %sub3A_417 = arith.subi %min3A_416, %min3A_4 : i32
      %add3A_418 = arith.constant 0 : i32
      %add3A_419 = arith.addi %add3A_418, %sub3A_417 : i32
      %dma_start3A_420 = arith.constant 1 : i32
      %dma_start3A_421 = arith.constant 0 : i32
      %dma_start3A_422 = arith.constant 0 : i32
      %dma_start3A_423 = tpu.memref_slice %arg6[%dma_start3A_420, %dma_start3A_421, %dma_start3A_422] : memref<2x128x128xf32, #tpu.memory_space<vmem>> -> memref<1x128x128xf32, #tpu.memory_space<vmem>>
      %dma_start3A_424 = tpu.memref_squeeze %dma_start3A_423 : memref<1x128x128xf32, #tpu.memory_space<vmem>> -> memref<128x128xf32, #tpu.memory_space<vmem>>
      %dma_start3A_425 = tpu.memref_slice %arg5[%add3A_419] : memref<18304xi32, #tpu.memory_space<vmem>> -> memref<128xi32, #tpu.memory_space<vmem>>
      %dma_start3A_426 = arith.constant 0 : i32
      %dma_start3A_427 = arith.constant 0 : i32
      %dma_start3A_428 = tpu.memref_slice %arg2[%dma_start3A_426, %dma_start3A_427] : memref<100000x128xf32, #tpu.memory_space<hbm>> -> memref<100000x128xf32, #tpu.memory_space<hbm>>
      tpu.enqueue_indirect_dma source(%dma_start3A_428 : memref<100000x128xf32, #tpu.memory_space<hbm>>) target(%dma_start3A_424 : memref<128x128xf32, #tpu.memory_space<vmem>>) offsets(%dma_start3A_425 : memref<128xi32, #tpu.memory_space<vmem>>) semaphore(%arg9 : memref<!tpu.dma_semaphore, #tpu.memory_space<semaphore_mem>>) {add = true}
      %add3A_429 = arith.constant 1664 : i32
      %add3A_430 = arith.addi %add3A_429, %sub3A_417 : i32
      %dma_start3A_431 = arith.constant 1 : i32
      %dma_start3A_432 = arith.constant 0 : i32
      %dma_start3A_433 = arith.constant 0 : i32
      %dma_start3A_434 = tpu.memref_slice %arg6[%dma_start3A_431, %dma_start3A_432, %dma_start3A_433] : memref<2x128x128xf32, #tpu.memory_space<vmem>> -> memref<1x128x128xf32, #tpu.memory_space<vmem>>
      %dma_start3A_435 = tpu.memref_squeeze %dma_start3A_434 : memref<1x128x128xf32, #tpu.memory_space<vmem>> -> memref<128x128xf32, #tpu.memory_space<vmem>>
      %dma_start3A_436 = tpu.memref_slice %arg5[%add3A_430] : memref<18304xi32, #tpu.memory_space<vmem>> -> memref<128xi32, #tpu.memory_space<vmem>>
      %dma_start3A_437 = arith.constant 0 : i32
      %dma_start3A_438 = arith.constant 0 : i32
      %dma_start3A_439 = tpu.memref_slice %arg2[%dma_start3A_437, %dma_start3A_438] : memref<100000x128xf32, #tpu.memory_space<hbm>> -> memref<100000x128xf32, #tpu.memory_space<hbm>>
      tpu.enqueue_indirect_dma source(%dma_start3A_439 : memref<100000x128xf32, #tpu.memory_space<hbm>>) target(%dma_start3A_435 : memref<128x128xf32, #tpu.memory_space<vmem>>) offsets(%dma_start3A_436 : memref<128xi32, #tpu.memory_space<vmem>>) semaphore(%arg9 : memref<!tpu.dma_semaphore, #tpu.memory_space<semaphore_mem>>) {add = true}
      %add3A_440 = arith.constant 3328 : i32
      %add3A_441 = arith.addi %add3A_440, %sub3A_417 : i32
      %dma_start3A_442 = arith.constant 1 : i32
      %dma_start3A_443 = arith.constant 0 : i32
      %dma_start3A_444 = arith.constant 0 : i32
      %dma_start3A_445 = tpu.memref_slice %arg6[%dma_start3A_442, %dma_start3A_443, %dma_start3A_444] : memref<2x128x128xf32, #tpu.memory_space<vmem>> -> memref<1x128x128xf32, #tpu.memory_space<vmem>>
      %dma_start3A_446 = tpu.memref_squeeze %dma_start3A_445 : memref<1x128x128xf32, #tpu.memory_space<vmem>> -> memref<128x128xf32, #tpu.memory_space<vmem>>
      %dma_start3A_447 = tpu.memref_slice %arg5[%add3A_441] : memref<18304xi32, #tpu.memory_space<vmem>> -> memref<128xi32, #tpu.memory_space<vmem>>
      %dma_start3A_448 = arith.constant 0 : i32
      %dma_start3A_449 = arith.constant 0 : i32
      %dma_start3A_450 = tpu.memref_slice %arg2[%dma_start3A_448, %dma_start3A_449] : memref<100000x128xf32, #tpu.memory_space<hbm>> -> memref<100000x128xf32, #tpu.memory_space<hbm>>
      tpu.enqueue_indirect_dma source(%dma_start3A_450 : memref<100000x128xf32, #tpu.memory_space<hbm>>) target(%dma_start3A_446 : memref<128x128xf32, #tpu.memory_space<vmem>>) offsets(%dma_start3A_447 : memref<128xi32, #tpu.memory_space<vmem>>) semaphore(%arg9 : memref<!tpu.dma_semaphore, #tpu.memory_space<semaphore_mem>>) {add = true}
      %add3A_451 = arith.constant 4992 : i32
      %add3A_452 = arith.addi %add3A_451, %sub3A_417 : i32
      %dma_start3A_453 = arith.constant 1 : i32
      %dma_start3A_454 = arith.constant 0 : i32
      %dma_start3A_455 = arith.constant 0 : i32
      %dma_start3A_456 = tpu.memref_slice %arg6[%dma_start3A_453, %dma_start3A_454, %dma_start3A_455] : memref<2x128x128xf32, #tpu.memory_space<vmem>> -> memref<1x128x128xf32, #tpu.memory_space<vmem>>
      %dma_start3A_457 = tpu.memref_squeeze %dma_start3A_456 : memref<1x128x128xf32, #tpu.memory_space<vmem>> -> memref<128x128xf32, #tpu.memory_space<vmem>>
      %dma_start3A_458 = tpu.memref_slice %arg5[%add3A_452] : memref<18304xi32, #tpu.memory_space<vmem>> -> memref<128xi32, #tpu.memory_space<vmem>>
      %dma_start3A_459 = arith.constant 0 : i32
      %dma_start3A_460 = arith.constant 0 : i32
      %dma_start3A_461 = tpu.memref_slice %arg2[%dma_start3A_459, %dma_start3A_460] : memref<100000x128xf32, #tpu.memory_space<hbm>> -> memref<100000x128xf32, #tpu.memory_space<hbm>>
      tpu.enqueue_indirect_dma source(%dma_start3A_461 : memref<100000x128xf32, #tpu.memory_space<hbm>>) target(%dma_start3A_457 : memref<128x128xf32, #tpu.memory_space<vmem>>) offsets(%dma_start3A_458 : memref<128xi32, #tpu.memory_space<vmem>>) semaphore(%arg9 : memref<!tpu.dma_semaphore, #tpu.memory_space<semaphore_mem>>) {add = true}
      %add3A_462 = arith.constant 6656 : i32
      %add3A_463 = arith.addi %add3A_462, %sub3A_417 : i32
      %dma_start3A_464 = arith.constant 1 : i32
      %dma_start3A_465 = arith.constant 0 : i32
      %dma_start3A_466 = arith.constant 0 : i32
      %dma_start3A_467 = tpu.memref_slice %arg6[%dma_start3A_464, %dma_start3A_465, %dma_start3A_466] : memref<2x128x128xf32, #tpu.memory_space<vmem>> -> memref<1x128x128xf32, #tpu.memory_space<vmem>>
      %dma_start3A_468 = tpu.memref_squeeze %dma_start3A_467 : memref<1x128x128xf32, #tpu.memory_space<vmem>> -> memref<128x128xf32, #tpu.memory_space<vmem>>
      %dma_start3A_469 = tpu.memref_slice %arg5[%add3A_463] : memref<18304xi32, #tpu.memory_space<vmem>> -> memref<128xi32, #tpu.memory_space<vmem>>
      %dma_start3A_470 = arith.constant 0 : i32
      %dma_start3A_471 = arith.constant 0 : i32
      %dma_start3A_472 = tpu.memref_slice %arg2[%dma_start3A_470, %dma_start3A_471] : memref<100000x128xf32, #tpu.memory_space<hbm>> -> memref<100000x128xf32, #tpu.memory_space<hbm>>
      tpu.enqueue_indirect_dma source(%dma_start3A_472 : memref<100000x128xf32, #tpu.memory_space<hbm>>) target(%dma_start3A_468 : memref<128x128xf32, #tpu.memory_space<vmem>>) offsets(%dma_start3A_469 : memref<128xi32, #tpu.memory_space<vmem>>) semaphore(%arg9 : memref<!tpu.dma_semaphore, #tpu.memory_space<semaphore_mem>>) {add = true}
      %add3A_473 = arith.constant 8320 : i32
      %add3A_474 = arith.addi %add3A_473, %sub3A_417 : i32
      %dma_start3A_475 = arith.constant 1 : i32
      %dma_start3A_476 = arith.constant 0 : i32
      %dma_start3A_477 = arith.constant 0 : i32
      %dma_start3A_478 = tpu.memref_slice %arg6[%dma_start3A_475, %dma_start3A_476, %dma_start3A_477] : memref<2x128x128xf32, #tpu.memory_space<vmem>> -> memref<1x128x128xf32, #tpu.memory_space<vmem>>
      %dma_start3A_479 = tpu.memref_squeeze %dma_start3A_478 : memref<1x128x128xf32, #tpu.memory_space<vmem>> -> memref<128x128xf32, #tpu.memory_space<vmem>>
      %dma_start3A_480 = tpu.memref_slice %arg5[%add3A_474] : memref<18304xi32, #tpu.memory_space<vmem>> -> memref<128xi32, #tpu.memory_space<vmem>>
      %dma_start3A_481 = arith.constant 0 : i32
      %dma_start3A_482 = arith.constant 0 : i32
      %dma_start3A_483 = tpu.memref_slice %arg2[%dma_start3A_481, %dma_start3A_482] : memref<100000x128xf32, #tpu.memory_space<hbm>> -> memref<100000x128xf32, #tpu.memory_space<hbm>>
      tpu.enqueue_indirect_dma source(%dma_start3A_483 : memref<100000x128xf32, #tpu.memory_space<hbm>>) target(%dma_start3A_479 : memref<128x128xf32, #tpu.memory_space<vmem>>) offsets(%dma_start3A_480 : memref<128xi32, #tpu.memory_space<vmem>>) semaphore(%arg9 : memref<!tpu.dma_semaphore, #tpu.memory_space<semaphore_mem>>) {add = true}
      %add3A_484 = arith.constant 9984 : i32
      %add3A_485 = arith.addi %add3A_484, %sub3A_417 : i32
      %dma_start3A_486 = arith.constant 1 : i32
      %dma_start3A_487 = arith.constant 0 : i32
      %dma_start3A_488 = arith.constant 0 : i32
      %dma_start3A_489 = tpu.memref_slice %arg6[%dma_start3A_486, %dma_start3A_487, %dma_start3A_488] : memref<2x128x128xf32, #tpu.memory_space<vmem>> -> memref<1x128x128xf32, #tpu.memory_space<vmem>>
      %dma_start3A_490 = tpu.memref_squeeze %dma_start3A_489 : memref<1x128x128xf32, #tpu.memory_space<vmem>> -> memref<128x128xf32, #tpu.memory_space<vmem>>
      %dma_start3A_491 = tpu.memref_slice %arg5[%add3A_485] : memref<18304xi32, #tpu.memory_space<vmem>> -> memref<128xi32, #tpu.memory_space<vmem>>
      %dma_start3A_492 = arith.constant 0 : i32
      %dma_start3A_493 = arith.constant 0 : i32
      %dma_start3A_494 = tpu.memref_slice %arg2[%dma_start3A_492, %dma_start3A_493] : memref<100000x128xf32, #tpu.memory_space<hbm>> -> memref<100000x128xf32, #tpu.memory_space<hbm>>
      tpu.enqueue_indirect_dma source(%dma_start3A_494 : memref<100000x128xf32, #tpu.memory_space<hbm>>) target(%dma_start3A_490 : memref<128x128xf32, #tpu.memory_space<vmem>>) offsets(%dma_start3A_491 : memref<128xi32, #tpu.memory_space<vmem>>) semaphore(%arg9 : memref<!tpu.dma_semaphore, #tpu.memory_space<semaphore_mem>>) {add = true}
      %add3A_495 = arith.constant 11648 : i32
      %add3A_496 = arith.addi %add3A_495, %sub3A_417 : i32
      %dma_start3A_497 = arith.constant 1 : i32
      %dma_start3A_498 = arith.constant 0 : i32
      %dma_start3A_499 = arith.constant 0 : i32
      %dma_start3A_500 = tpu.memref_slice %arg6[%dma_start3A_497, %dma_start3A_498, %dma_start3A_499] : memref<2x128x128xf32, #tpu.memory_space<vmem>> -> memref<1x128x128xf32, #tpu.memory_space<vmem>>
      %dma_start3A_501 = tpu.memref_squeeze %dma_start3A_500 : memref<1x128x128xf32, #tpu.memory_space<vmem>> -> memref<128x128xf32, #tpu.memory_space<vmem>>
      %dma_start3A_502 = tpu.memref_slice %arg5[%add3A_496] : memref<18304xi32, #tpu.memory_space<vmem>> -> memref<128xi32, #tpu.memory_space<vmem>>
      %dma_start3A_503 = arith.constant 0 : i32
      %dma_start3A_504 = arith.constant 0 : i32
      %dma_start3A_505 = tpu.memref_slice %arg2[%dma_start3A_503, %dma_start3A_504] : memref<100000x128xf32, #tpu.memory_space<hbm>> -> memref<100000x128xf32, #tpu.memory_space<hbm>>
      tpu.enqueue_indirect_dma source(%dma_start3A_505 : memref<100000x128xf32, #tpu.memory_space<hbm>>) target(%dma_start3A_501 : memref<128x128xf32, #tpu.memory_space<vmem>>) offsets(%dma_start3A_502 : memref<128xi32, #tpu.memory_space<vmem>>) semaphore(%arg9 : memref<!tpu.dma_semaphore, #tpu.memory_space<semaphore_mem>>) {add = true}
      %add3A_506 = arith.constant 13312 : i32
      %add3A_507 = arith.addi %add3A_506, %sub3A_417 : i32
      %dma_start3A_508 = arith.constant 1 : i32
      %dma_start3A_509 = arith.constant 0 : i32
      %dma_start3A_510 = arith.constant 0 : i32
      %dma_start3A_511 = tpu.memref_slice %arg6[%dma_start3A_508, %dma_start3A_509, %dma_start3A_510] : memref<2x128x128xf32, #tpu.memory_space<vmem>> -> memref<1x128x128xf32, #tpu.memory_space<vmem>>
      %dma_start3A_512 = tpu.memref_squeeze %dma_start3A_511 : memref<1x128x128xf32, #tpu.memory_space<vmem>> -> memref<128x128xf32, #tpu.memory_space<vmem>>
      %dma_start3A_513 = tpu.memref_slice %arg5[%add3A_507] : memref<18304xi32, #tpu.memory_space<vmem>> -> memref<128xi32, #tpu.memory_space<vmem>>
      %dma_start3A_514 = arith.constant 0 : i32
      %dma_start3A_515 = arith.constant 0 : i32
      %dma_start3A_516 = tpu.memref_slice %arg2[%dma_start3A_514, %dma_start3A_515] : memref<100000x128xf32, #tpu.memory_space<hbm>> -> memref<100000x128xf32, #tpu.memory_space<hbm>>
      tpu.enqueue_indirect_dma source(%dma_start3A_516 : memref<100000x128xf32, #tpu.memory_space<hbm>>) target(%dma_start3A_512 : memref<128x128xf32, #tpu.memory_space<vmem>>) offsets(%dma_start3A_513 : memref<128xi32, #tpu.memory_space<vmem>>) semaphore(%arg9 : memref<!tpu.dma_semaphore, #tpu.memory_space<semaphore_mem>>) {add = true}
      %add3A_517 = arith.constant 14976 : i32
      %add3A_518 = arith.addi %add3A_517, %sub3A_417 : i32
      %dma_start3A_519 = arith.constant 1 : i32
      %dma_start3A_520 = arith.constant 0 : i32
      %dma_start3A_521 = arith.constant 0 : i32
      %dma_start3A_522 = tpu.memref_slice %arg6[%dma_start3A_519, %dma_start3A_520, %dma_start3A_521] : memref<2x128x128xf32, #tpu.memory_space<vmem>> -> memref<1x128x128xf32, #tpu.memory_space<vmem>>
      %dma_start3A_523 = tpu.memref_squeeze %dma_start3A_522 : memref<1x128x128xf32, #tpu.memory_space<vmem>> -> memref<128x128xf32, #tpu.memory_space<vmem>>
      %dma_start3A_524 = tpu.memref_slice %arg5[%add3A_518] : memref<18304xi32, #tpu.memory_space<vmem>> -> memref<128xi32, #tpu.memory_space<vmem>>
      %dma_start3A_525 = arith.constant 0 : i32
      %dma_start3A_526 = arith.constant 0 : i32
      %dma_start3A_527 = tpu.memref_slice %arg2[%dma_start3A_525, %dma_start3A_526] : memref<100000x128xf32, #tpu.memory_space<hbm>> -> memref<100000x128xf32, #tpu.memory_space<hbm>>
      tpu.enqueue_indirect_dma source(%dma_start3A_527 : memref<100000x128xf32, #tpu.memory_space<hbm>>) target(%dma_start3A_523 : memref<128x128xf32, #tpu.memory_space<vmem>>) offsets(%dma_start3A_524 : memref<128xi32, #tpu.memory_space<vmem>>) semaphore(%arg9 : memref<!tpu.dma_semaphore, #tpu.memory_space<semaphore_mem>>) {add = true}
      %add3A_528 = arith.constant 16640 : i32
      %add3A_529 = arith.addi %add3A_528, %sub3A_417 : i32
      %dma_start3A_530 = arith.constant 1 : i32
      %dma_start3A_531 = arith.constant 0 : i32
      %dma_start3A_532 = arith.constant 0 : i32
      %dma_start3A_533 = tpu.memref_slice %arg6[%dma_start3A_530, %dma_start3A_531, %dma_start3A_532] : memref<2x128x128xf32, #tpu.memory_space<vmem>> -> memref<1x128x128xf32, #tpu.memory_space<vmem>>
      %dma_start3A_534 = tpu.memref_squeeze %dma_start3A_533 : memref<1x128x128xf32, #tpu.memory_space<vmem>> -> memref<128x128xf32, #tpu.memory_space<vmem>>
      %dma_start3A_535 = tpu.memref_slice %arg5[%add3A_529] : memref<18304xi32, #tpu.memory_space<vmem>> -> memref<128xi32, #tpu.memory_space<vmem>>
      %dma_start3A_536 = arith.constant 0 : i32
      %dma_start3A_537 = arith.constant 0 : i32
      %dma_start3A_538 = tpu.memref_slice %arg2[%dma_start3A_536, %dma_start3A_537] : memref<100000x128xf32, #tpu.memory_space<hbm>> -> memref<100000x128xf32, #tpu.memory_space<hbm>>
      tpu.enqueue_indirect_dma source(%dma_start3A_538 : memref<100000x128xf32, #tpu.memory_space<hbm>>) target(%dma_start3A_534 : memref<128x128xf32, #tpu.memory_space<vmem>>) offsets(%dma_start3A_535 : memref<128xi32, #tpu.memory_space<vmem>>) semaphore(%arg9 : memref<!tpu.dma_semaphore, #tpu.memory_space<semaphore_mem>>) {add = true}
      %dma_wait3A_539 = arith.constant 0 : i32
      %dma_wait3A_540 = arith.constant 0 : i32
      %dma_wait3A_541 = arith.constant 0 : i32
      %dma_wait3A_542 = tpu.memref_slice %arg6[%dma_wait3A_539, %dma_wait3A_540, %dma_wait3A_541] : memref<2x128x128xf32, #tpu.memory_space<vmem>> -> memref<1x128x128xf32, #tpu.memory_space<vmem>>
      %dma_wait3A_543 = tpu.memref_squeeze %dma_wait3A_542 : memref<1x128x128xf32, #tpu.memory_space<vmem>> -> memref<128x128xf32, #tpu.memory_space<vmem>>
      %dma_wait3A_544 = arith.constant 0 : i32
      %dma_wait3A_545 = arith.constant 0 : i32
      %dma_wait3A_546 = tpu.memref_slice %arg2[%dma_wait3A_544, %dma_wait3A_545] : memref<100000x128xf32, #tpu.memory_space<hbm>> -> memref<128x128xf32, #tpu.memory_space<hbm>>
      %dma_wait3A_547 = arith.constant 0 : i32
      %dma_wait3A_548 = arith.constant 0 : i32
      %dma_wait3A_549 = tpu.memref_slice %arg6[%dma_wait3A_539, %dma_wait3A_547, %dma_wait3A_548] : memref<2x128x128xf32, #tpu.memory_space<vmem>> -> memref<1x128x128xf32, #tpu.memory_space<vmem>>
      %dma_wait3A_550 = tpu.memref_squeeze %dma_wait3A_549 : memref<1x128x128xf32, #tpu.memory_space<vmem>> -> memref<128x128xf32, #tpu.memory_space<vmem>>
      %dma_wait3A_551 = arith.constant 0 : i32
      %dma_wait3A_552 = arith.constant 0 : i32
      %dma_wait3A_553 = tpu.memref_slice %arg2[%dma_wait3A_551, %dma_wait3A_552] : memref<100000x128xf32, #tpu.memory_space<hbm>> -> memref<128x128xf32, #tpu.memory_space<hbm>>
      tpu.wait_dma2 semaphore(%arg8 : memref<!tpu.dma_semaphore, #tpu.memory_space<semaphore_mem>>) src(%dma_wait3A_553 : memref<128x128xf32, #tpu.memory_space<hbm>>) dst(%dma_wait3A_550 : memref<128x128xf32, #tpu.memory_space<vmem>>)
      %dma_wait3A_554 = arith.constant 0 : i32
      %dma_wait3A_555 = arith.constant 0 : i32
      %dma_wait3A_556 = arith.constant 0 : i32
      %dma_wait3A_557 = tpu.memref_slice %arg6[%dma_wait3A_554, %dma_wait3A_555, %dma_wait3A_556] : memref<2x128x128xf32, #tpu.memory_space<vmem>> -> memref<1x128x128xf32, #tpu.memory_space<vmem>>
      %dma_wait3A_558 = tpu.memref_squeeze %dma_wait3A_557 : memref<1x128x128xf32, #tpu.memory_space<vmem>> -> memref<128x128xf32, #tpu.memory_space<vmem>>
      %dma_wait3A_559 = arith.constant 0 : i32
      %dma_wait3A_560 = arith.constant 0 : i32
      %dma_wait3A_561 = tpu.memref_slice %arg2[%dma_wait3A_559, %dma_wait3A_560] : memref<100000x128xf32, #tpu.memory_space<hbm>> -> memref<128x128xf32, #tpu.memory_space<hbm>>
      %dma_wait3A_562 = arith.constant 0 : i32
      %dma_wait3A_563 = arith.constant 0 : i32
      %dma_wait3A_564 = tpu.memref_slice %arg6[%dma_wait3A_554, %dma_wait3A_562, %dma_wait3A_563] : memref<2x128x128xf32, #tpu.memory_space<vmem>> -> memref<1x128x128xf32, #tpu.memory_space<vmem>>
      %dma_wait3A_565 = tpu.memref_squeeze %dma_wait3A_564 : memref<1x128x128xf32, #tpu.memory_space<vmem>> -> memref<128x128xf32, #tpu.memory_space<vmem>>
      %dma_wait3A_566 = arith.constant 0 : i32
      %dma_wait3A_567 = arith.constant 0 : i32
      %dma_wait3A_568 = tpu.memref_slice %arg2[%dma_wait3A_566, %dma_wait3A_567] : memref<100000x128xf32, #tpu.memory_space<hbm>> -> memref<128x128xf32, #tpu.memory_space<hbm>>
      tpu.wait_dma2 semaphore(%arg8 : memref<!tpu.dma_semaphore, #tpu.memory_space<semaphore_mem>>) src(%dma_wait3A_568 : memref<128x128xf32, #tpu.memory_space<hbm>>) dst(%dma_wait3A_565 : memref<128x128xf32, #tpu.memory_space<vmem>>)
      %dma_wait3A_569 = arith.constant 0 : i32
      %dma_wait3A_570 = arith.constant 0 : i32
      %dma_wait3A_571 = arith.constant 0 : i32
      %dma_wait3A_572 = tpu.memref_slice %arg6[%dma_wait3A_569, %dma_wait3A_570, %dma_wait3A_571] : memref<2x128x128xf32, #tpu.memory_space<vmem>> -> memref<1x128x128xf32, #tpu.memory_space<vmem>>
      %dma_wait3A_573 = tpu.memref_squeeze %dma_wait3A_572 : memref<1x128x128xf32, #tpu.memory_space<vmem>> -> memref<128x128xf32, #tpu.memory_space<vmem>>
      %dma_wait3A_574 = arith.constant 0 : i32
      %dma_wait3A_575 = arith.constant 0 : i32
      %dma_wait3A_576 = tpu.memref_slice %arg2[%dma_wait3A_574, %dma_wait3A_575] : memref<100000x128xf32, #tpu.memory_space<hbm>> -> memref<128x128xf32, #tpu.memory_space<hbm>>
      %dma_wait3A_577 = arith.constant 0 : i32
      %dma_wait3A_578 = arith.constant 0 : i32
      %dma_wait3A_579 = tpu.memref_slice %arg6[%dma_wait3A_569, %dma_wait3A_577, %dma_wait3A_578] : memref<2x128x128xf32, #tpu.memory_space<vmem>> -> memref<1x128x128xf32, #tpu.memory_space<vmem>>
      %dma_wait3A_580 = tpu.memref_squeeze %dma_wait3A_579 : memref<1x128x128xf32, #tpu.memory_space<vmem>> -> memref<128x128xf32, #tpu.memory_space<vmem>>
      %dma_wait3A_581 = arith.constant 0 : i32
      %dma_wait3A_582 = arith.constant 0 : i32
      %dma_wait3A_583 = tpu.memref_slice %arg2[%dma_wait3A_581, %dma_wait3A_582] : memref<100000x128xf32, #tpu.memory_space<hbm>> -> memref<128x128xf32, #tpu.memory_space<hbm>>
      tpu.wait_dma2 semaphore(%arg8 : memref<!tpu.dma_semaphore, #tpu.memory_space<semaphore_mem>>) src(%dma_wait3A_583 : memref<128x128xf32, #tpu.memory_space<hbm>>) dst(%dma_wait3A_580 : memref<128x128xf32, #tpu.memory_space<vmem>>)
      %dma_wait3A_584 = arith.constant 0 : i32
      %dma_wait3A_585 = arith.constant 0 : i32
      %dma_wait3A_586 = arith.constant 0 : i32
      %dma_wait3A_587 = tpu.memref_slice %arg6[%dma_wait3A_584, %dma_wait3A_585, %dma_wait3A_586] : memref<2x128x128xf32, #tpu.memory_space<vmem>> -> memref<1x128x128xf32, #tpu.memory_space<vmem>>
      %dma_wait3A_588 = tpu.memref_squeeze %dma_wait3A_587 : memref<1x128x128xf32, #tpu.memory_space<vmem>> -> memref<128x128xf32, #tpu.memory_space<vmem>>
      %dma_wait3A_589 = arith.constant 0 : i32
      %dma_wait3A_590 = arith.constant 0 : i32
      %dma_wait3A_591 = tpu.memref_slice %arg2[%dma_wait3A_589, %dma_wait3A_590] : memref<100000x128xf32, #tpu.memory_space<hbm>> -> memref<128x128xf32, #tpu.memory_space<hbm>>
      %dma_wait3A_592 = arith.constant 0 : i32
      %dma_wait3A_593 = arith.constant 0 : i32
      %dma_wait3A_594 = tpu.memref_slice %arg6[%dma_wait3A_584, %dma_wait3A_592, %dma_wait3A_593] : memref<2x128x128xf32, #tpu.memory_space<vmem>> -> memref<1x128x128xf32, #tpu.memory_space<vmem>>
      %dma_wait3A_595 = tpu.memref_squeeze %dma_wait3A_594 : memref<1x128x128xf32, #tpu.memory_space<vmem>> -> memref<128x128xf32, #tpu.memory_space<vmem>>
      %dma_wait3A_596 = arith.constant 0 : i32
      %dma_wait3A_597 = arith.constant 0 : i32
      %dma_wait3A_598 = tpu.memref_slice %arg2[%dma_wait3A_596, %dma_wait3A_597] : memref<100000x128xf32, #tpu.memory_space<hbm>> -> memref<128x128xf32, #tpu.memory_space<hbm>>
      tpu.wait_dma2 semaphore(%arg8 : memref<!tpu.dma_semaphore, #tpu.memory_space<semaphore_mem>>) src(%dma_wait3A_598 : memref<128x128xf32, #tpu.memory_space<hbm>>) dst(%dma_wait3A_595 : memref<128x128xf32, #tpu.memory_space<vmem>>)
      %dma_wait3A_599 = arith.constant 0 : i32
      %dma_wait3A_600 = arith.constant 0 : i32
      %dma_wait3A_601 = arith.constant 0 : i32
      %dma_wait3A_602 = tpu.memref_slice %arg6[%dma_wait3A_599, %dma_wait3A_600, %dma_wait3A_601] : memref<2x128x128xf32, #tpu.memory_space<vmem>> -> memref<1x128x128xf32, #tpu.memory_space<vmem>>
      %dma_wait3A_603 = tpu.memref_squeeze %dma_wait3A_602 : memref<1x128x128xf32, #tpu.memory_space<vmem>> -> memref<128x128xf32, #tpu.memory_space<vmem>>
      %dma_wait3A_604 = arith.constant 0 : i32
      %dma_wait3A_605 = arith.constant 0 : i32
      %dma_wait3A_606 = tpu.memref_slice %arg2[%dma_wait3A_604, %dma_wait3A_605] : memref<100000x128xf32, #tpu.memory_space<hbm>> -> memref<128x128xf32, #tpu.memory_space<hbm>>
      %dma_wait3A_607 = arith.constant 0 : i32
      %dma_wait3A_608 = arith.constant 0 : i32
      %dma_wait3A_609 = tpu.memref_slice %arg6[%dma_wait3A_599, %dma_wait3A_607, %dma_wait3A_608] : memref<2x128x128xf32, #tpu.memory_space<vmem>> -> memref<1x128x128xf32, #tpu.memory_space<vmem>>
      %dma_wait3A_610 = tpu.memref_squeeze %dma_wait3A_609 : memref<1x128x128xf32, #tpu.memory_space<vmem>> -> memref<128x128xf32, #tpu.memory_space<vmem>>
      %dma_wait3A_611 = arith.constant 0 : i32
      %dma_wait3A_612 = arith.constant 0 : i32
      %dma_wait3A_613 = tpu.memref_slice %arg2[%dma_wait3A_611, %dma_wait3A_612] : memref<100000x128xf32, #tpu.memory_space<hbm>> -> memref<128x128xf32, #tpu.memory_space<hbm>>
      tpu.wait_dma2 semaphore(%arg8 : memref<!tpu.dma_semaphore, #tpu.memory_space<semaphore_mem>>) src(%dma_wait3A_613 : memref<128x128xf32, #tpu.memory_space<hbm>>) dst(%dma_wait3A_610 : memref<128x128xf32, #tpu.memory_space<vmem>>)
      %dma_wait3A_614 = arith.constant 0 : i32
      %dma_wait3A_615 = arith.constant 0 : i32
      %dma_wait3A_616 = arith.constant 0 : i32
      %dma_wait3A_617 = tpu.memref_slice %arg6[%dma_wait3A_614, %dma_wait3A_615, %dma_wait3A_616] : memref<2x128x128xf32, #tpu.memory_space<vmem>> -> memref<1x128x128xf32, #tpu.memory_space<vmem>>
      %dma_wait3A_618 = tpu.memref_squeeze %dma_wait3A_617 : memref<1x128x128xf32, #tpu.memory_space<vmem>> -> memref<128x128xf32, #tpu.memory_space<vmem>>
      %dma_wait3A_619 = arith.constant 0 : i32
      %dma_wait3A_620 = arith.constant 0 : i32
      %dma_wait3A_621 = tpu.memref_slice %arg2[%dma_wait3A_619, %dma_wait3A_620] : memref<100000x128xf32, #tpu.memory_space<hbm>> -> memref<128x128xf32, #tpu.memory_space<hbm>>
      %dma_wait3A_622 = arith.constant 0 : i32
      %dma_wait3A_623 = arith.constant 0 : i32
      %dma_wait3A_624 = tpu.memref_slice %arg6[%dma_wait3A_614, %dma_wait3A_622, %dma_wait3A_623] : memref<2x128x128xf32, #tpu.memory_space<vmem>> -> memref<1x128x128xf32, #tpu.memory_space<vmem>>
      %dma_wait3A_625 = tpu.memref_squeeze %dma_wait3A_624 : memref<1x128x128xf32, #tpu.memory_space<vmem>> -> memref<128x128xf32, #tpu.memory_space<vmem>>
      %dma_wait3A_626 = arith.constant 0 : i32
      %dma_wait3A_627 = arith.constant 0 : i32
      %dma_wait3A_628 = tpu.memref_slice %arg2[%dma_wait3A_626, %dma_wait3A_627] : memref<100000x128xf32, #tpu.memory_space<hbm>> -> memref<128x128xf32, #tpu.memory_space<hbm>>
      tpu.wait_dma2 semaphore(%arg8 : memref<!tpu.dma_semaphore, #tpu.memory_space<semaphore_mem>>) src(%dma_wait3A_628 : memref<128x128xf32, #tpu.memory_space<hbm>>) dst(%dma_wait3A_625 : memref<128x128xf32, #tpu.memory_space<vmem>>)
      %dma_wait3A_629 = arith.constant 0 : i32
      %dma_wait3A_630 = arith.constant 0 : i32
      %dma_wait3A_631 = arith.constant 0 : i32
      %dma_wait3A_632 = tpu.memref_slice %arg6[%dma_wait3A_629, %dma_wait3A_630, %dma_wait3A_631] : memref<2x128x128xf32, #tpu.memory_space<vmem>> -> memref<1x128x128xf32, #tpu.memory_space<vmem>>
      %dma_wait3A_633 = tpu.memref_squeeze %dma_wait3A_632 : memref<1x128x128xf32, #tpu.memory_space<vmem>> -> memref<128x128xf32, #tpu.memory_space<vmem>>
      %dma_wait3A_634 = arith.constant 0 : i32
      %dma_wait3A_635 = arith.constant 0 : i32
      %dma_wait3A_636 = tpu.memref_slice %arg2[%dma_wait3A_634, %dma_wait3A_635] : memref<100000x128xf32, #tpu.memory_space<hbm>> -> memref<128x128xf32, #tpu.memory_space<hbm>>
      %dma_wait3A_637 = arith.constant 0 : i32
      %dma_wait3A_638 = arith.constant 0 : i32
      %dma_wait3A_639 = tpu.memref_slice %arg6[%dma_wait3A_629, %dma_wait3A_637, %dma_wait3A_638] : memref<2x128x128xf32, #tpu.memory_space<vmem>> -> memref<1x128x128xf32, #tpu.memory_space<vmem>>
      %dma_wait3A_640 = tpu.memref_squeeze %dma_wait3A_639 : memref<1x128x128xf32, #tpu.memory_space<vmem>> -> memref<128x128xf32, #tpu.memory_space<vmem>>
      %dma_wait3A_641 = arith.constant 0 : i32
      %dma_wait3A_642 = arith.constant 0 : i32
      %dma_wait3A_643 = tpu.memref_slice %arg2[%dma_wait3A_641, %dma_wait3A_642] : memref<100000x128xf32, #tpu.memory_space<hbm>> -> memref<128x128xf32, #tpu.memory_space<hbm>>
      tpu.wait_dma2 semaphore(%arg8 : memref<!tpu.dma_semaphore, #tpu.memory_space<semaphore_mem>>) src(%dma_wait3A_643 : memref<128x128xf32, #tpu.memory_space<hbm>>) dst(%dma_wait3A_640 : memref<128x128xf32, #tpu.memory_space<vmem>>)
      %dma_wait3A_644 = arith.constant 0 : i32
      %dma_wait3A_645 = arith.constant 0 : i32
      %dma_wait3A_646 = arith.constant 0 : i32
      %dma_wait3A_647 = tpu.memref_slice %arg6[%dma_wait3A_644, %dma_wait3A_645, %dma_wait3A_646] : memref<2x128x128xf32, #tpu.memory_space<vmem>> -> memref<1x128x128xf32, #tpu.memory_space<vmem>>
      %dma_wait3A_648 = tpu.memref_squeeze %dma_wait3A_647 : memref<1x128x128xf32, #tpu.memory_space<vmem>> -> memref<128x128xf32, #tpu.memory_space<vmem>>
      %dma_wait3A_649 = arith.constant 0 : i32
      %dma_wait3A_650 = arith.constant 0 : i32
      %dma_wait3A_651 = tpu.memref_slice %arg2[%dma_wait3A_649, %dma_wait3A_650] : memref<100000x128xf32, #tpu.memory_space<hbm>> -> memref<128x128xf32, #tpu.memory_space<hbm>>
      %dma_wait3A_652 = arith.constant 0 : i32
      %dma_wait3A_653 = arith.constant 0 : i32
      %dma_wait3A_654 = tpu.memref_slice %arg6[%dma_wait3A_644, %dma_wait3A_652, %dma_wait3A_653] : memref<2x128x128xf32, #tpu.memory_space<vmem>> -> memref<1x128x128xf32, #tpu.memory_space<vmem>>
      %dma_wait3A_655 = tpu.memref_squeeze %dma_wait3A_654 : memref<1x128x128xf32, #tpu.memory_space<vmem>> -> memref<128x128xf32, #tpu.memory_space<vmem>>
      %dma_wait3A_656 = arith.constant 0 : i32
      %dma_wait3A_657 = arith.constant 0 : i32
      %dma_wait3A_658 = tpu.memref_slice %arg2[%dma_wait3A_656, %dma_wait3A_657] : memref<100000x128xf32, #tpu.memory_space<hbm>> -> memref<128x128xf32, #tpu.memory_space<hbm>>
      tpu.wait_dma2 semaphore(%arg8 : memref<!tpu.dma_semaphore, #tpu.memory_space<semaphore_mem>>) src(%dma_wait3A_658 : memref<128x128xf32, #tpu.memory_space<hbm>>) dst(%dma_wait3A_655 : memref<128x128xf32, #tpu.memory_space<vmem>>)
      %dma_wait3A_659 = arith.constant 0 : i32
      %dma_wait3A_660 = arith.constant 0 : i32
      %dma_wait3A_661 = arith.constant 0 : i32
      %dma_wait3A_662 = tpu.memref_slice %arg6[%dma_wait3A_659, %dma_wait3A_660, %dma_wait3A_661] : memref<2x128x128xf32, #tpu.memory_space<vmem>> -> memref<1x128x128xf32, #tpu.memory_space<vmem>>
      %dma_wait3A_663 = tpu.memref_squeeze %dma_wait3A_662 : memref<1x128x128xf32, #tpu.memory_space<vmem>> -> memref<128x128xf32, #tpu.memory_space<vmem>>
      %dma_wait3A_664 = arith.constant 0 : i32
      %dma_wait3A_665 = arith.constant 0 : i32
      %dma_wait3A_666 = tpu.memref_slice %arg2[%dma_wait3A_664, %dma_wait3A_665] : memref<100000x128xf32, #tpu.memory_space<hbm>> -> memref<128x128xf32, #tpu.memory_space<hbm>>
      %dma_wait3A_667 = arith.constant 0 : i32
      %dma_wait3A_668 = arith.constant 0 : i32
      %dma_wait3A_669 = tpu.memref_slice %arg6[%dma_wait3A_659, %dma_wait3A_667, %dma_wait3A_668] : memref<2x128x128xf32, #tpu.memory_space<vmem>> -> memref<1x128x128xf32, #tpu.memory_space<vmem>>
      %dma_wait3A_670 = tpu.memref_squeeze %dma_wait3A_669 : memref<1x128x128xf32, #tpu.memory_space<vmem>> -> memref<128x128xf32, #tpu.memory_space<vmem>>
      %dma_wait3A_671 = arith.constant 0 : i32
      %dma_wait3A_672 = arith.constant 0 : i32
      %dma_wait3A_673 = tpu.memref_slice %arg2[%dma_wait3A_671, %dma_wait3A_672] : memref<100000x128xf32, #tpu.memory_space<hbm>> -> memref<128x128xf32, #tpu.memory_space<hbm>>
      tpu.wait_dma2 semaphore(%arg8 : memref<!tpu.dma_semaphore, #tpu.memory_space<semaphore_mem>>) src(%dma_wait3A_673 : memref<128x128xf32, #tpu.memory_space<hbm>>) dst(%dma_wait3A_670 : memref<128x128xf32, #tpu.memory_space<vmem>>)
      %dma_wait3A_674 = arith.constant 0 : i32
      %dma_wait3A_675 = arith.constant 0 : i32
      %dma_wait3A_676 = arith.constant 0 : i32
      %dma_wait3A_677 = tpu.memref_slice %arg6[%dma_wait3A_674, %dma_wait3A_675, %dma_wait3A_676] : memref<2x128x128xf32, #tpu.memory_space<vmem>> -> memref<1x128x128xf32, #tpu.memory_space<vmem>>
      %dma_wait3A_678 = tpu.memref_squeeze %dma_wait3A_677 : memref<1x128x128xf32, #tpu.memory_space<vmem>> -> memref<128x128xf32, #tpu.memory_space<vmem>>
      %dma_wait3A_679 = arith.constant 0 : i32
      %dma_wait3A_680 = arith.constant 0 : i32
      %dma_wait3A_681 = tpu.memref_slice %arg2[%dma_wait3A_679, %dma_wait3A_680] : memref<100000x128xf32, #tpu.memory_space<hbm>> -> memref<128x128xf32, #tpu.memory_space<hbm>>
      %dma_wait3A_682 = arith.constant 0 : i32
      %dma_wait3A_683 = arith.constant 0 : i32
      %dma_wait3A_684 = tpu.memref_slice %arg6[%dma_wait3A_674, %dma_wait3A_682, %dma_wait3A_683] : memref<2x128x128xf32, #tpu.memory_space<vmem>> -> memref<1x128x128xf32, #tpu.memory_space<vmem>>
      %dma_wait3A_685 = tpu.memref_squeeze %dma_wait3A_684 : memref<1x128x128xf32, #tpu.memory_space<vmem>> -> memref<128x128xf32, #tpu.memory_space<vmem>>
      %dma_wait3A_686 = arith.constant 0 : i32
      %dma_wait3A_687 = arith.constant 0 : i32
      %dma_wait3A_688 = tpu.memref_slice %arg2[%dma_wait3A_686, %dma_wait3A_687] : memref<100000x128xf32, #tpu.memory_space<hbm>> -> memref<128x128xf32, #tpu.memory_space<hbm>>
      tpu.wait_dma2 semaphore(%arg8 : memref<!tpu.dma_semaphore, #tpu.memory_space<semaphore_mem>>) src(%dma_wait3A_688 : memref<128x128xf32, #tpu.memory_space<hbm>>) dst(%dma_wait3A_685 : memref<128x128xf32, #tpu.memory_space<vmem>>)
      %dma_wait3A_689 = arith.constant 0 : i32
      %dma_wait3A_690 = arith.constant 0 : i32
      %dma_wait3A_691 = arith.constant 0 : i32
      %dma_wait3A_692 = tpu.memref_slice %arg6[%dma_wait3A_689, %dma_wait3A_690, %dma_wait3A_691] : memref<2x128x128xf32, #tpu.memory_space<vmem>> -> memref<1x128x128xf32, #tpu.memory_space<vmem>>
      %dma_wait3A_693 = tpu.memref_squeeze %dma_wait3A_692 : memref<1x128x128xf32, #tpu.memory_space<vmem>> -> memref<128x128xf32, #tpu.memory_space<vmem>>
      %dma_wait3A_694 = arith.constant 0 : i32
      %dma_wait3A_695 = arith.constant 0 : i32
      %dma_wait3A_696 = tpu.memref_slice %arg2[%dma_wait3A_694, %dma_wait3A_695] : memref<100000x128xf32, #tpu.memory_space<hbm>> -> memref<128x128xf32, #tpu.memory_space<hbm>>
      %dma_wait3A_697 = arith.constant 0 : i32
      %dma_wait3A_698 = arith.constant 0 : i32
      %dma_wait3A_699 = tpu.memref_slice %arg6[%dma_wait3A_689, %dma_wait3A_697, %dma_wait3A_698] : memref<2x128x128xf32, #tpu.memory_space<vmem>> -> memref<1x128x128xf32, #tpu.memory_space<vmem>>
      %dma_wait3A_700 = tpu.memref_squeeze %dma_wait3A_699 : memref<1x128x128xf32, #tpu.memory_space<vmem>> -> memref<128x128xf32, #tpu.memory_space<vmem>>
      %dma_wait3A_701 = arith.constant 0 : i32
      %dma_wait3A_702 = arith.constant 0 : i32
      %dma_wait3A_703 = tpu.memref_slice %arg2[%dma_wait3A_701, %dma_wait3A_702] : memref<100000x128xf32, #tpu.memory_space<hbm>> -> memref<128x128xf32, #tpu.memory_space<hbm>>
      tpu.wait_dma2 semaphore(%arg8 : memref<!tpu.dma_semaphore, #tpu.memory_space<semaphore_mem>>) src(%dma_wait3A_703 : memref<128x128xf32, #tpu.memory_space<hbm>>) dst(%dma_wait3A_700 : memref<128x128xf32, #tpu.memory_space<vmem>>)
      %mul3A_704 = arith.constant 13 : i32
      %mul3A_705 = arith.muli %add3A, %mul3A_704 : i32
      %add3A_706 = arith.addi %mul3A_705, %mul3A_407 : i32
      %mul3A_707 = arith.constant 128 : i32
      %mul3A_708 = arith.muli %add3A_706, %mul3A_707 : i32
      %min3A_709 = arith.constant 49872 : i32
      %min3A_710 = arith.minsi %mul3A_708, %min3A_709 : i32
      %sub3A_711 = arith.subi %min3A_710, %min3A_4 : i32
      %ge3A = arith.constant 2 : i32
      %ge3A_712 = arith.cmpi sge, %mul3A_407, %ge3A : i32
      %convert_element_type3A = arith.extui %ge3A_712 : i1 to i32
      %cond3A = arith.constant 0 : i32
      %cond3A_713 = arith.cmpi ne, %convert_element_type3A, %cond3A : i32
      scf.if %cond3A_713 {
        %dma_wait3A_1061 = arith.constant 0 : i32
        %dma_wait3A_1062 = arith.constant 0 : i32
        %dma_wait3A_1063 = arith.constant 0 : i32
        %dma_wait3A_1064 = tpu.memref_slice %arg7[%dma_wait3A_1061, %dma_wait3A_1062, %dma_wait3A_1063] : memref<2x128x128xf32, #tpu.memory_space<vmem>> -> memref<1x128x128xf32, #tpu.memory_space<vmem>>
        %dma_wait3A_1065 = tpu.memref_squeeze %dma_wait3A_1064 : memref<1x128x128xf32, #tpu.memory_space<vmem>> -> memref<128x128xf32, #tpu.memory_space<vmem>>
        %dma_wait3A_1066 = arith.constant 0 : i32
        %dma_wait3A_1067 = arith.constant 0 : i32
        %dma_wait3A_1068 = tpu.memref_slice %arg4[%dma_wait3A_1066, %dma_wait3A_1067] : memref<50000x128xf32, #tpu.memory_space<hbm>> -> memref<128x128xf32, #tpu.memory_space<hbm>>
        %dma_wait3A_1069 = arith.constant 0 : i32
        %dma_wait3A_1070 = arith.constant 0 : i32
        %dma_wait3A_1071 = tpu.memref_slice %arg4[%dma_wait3A_1069, %dma_wait3A_1070] : memref<50000x128xf32, #tpu.memory_space<hbm>> -> memref<128x128xf32, #tpu.memory_space<hbm>>
        %dma_wait3A_1072 = arith.constant 0 : i32
        %dma_wait3A_1073 = arith.constant 0 : i32
        %dma_wait3A_1074 = tpu.memref_slice %arg7[%dma_wait3A_1061, %dma_wait3A_1072, %dma_wait3A_1073] : memref<2x128x128xf32, #tpu.memory_space<vmem>> -> memref<1x128x128xf32, #tpu.memory_space<vmem>>
        %dma_wait3A_1075 = tpu.memref_squeeze %dma_wait3A_1074 : memref<1x128x128xf32, #tpu.memory_space<vmem>> -> memref<128x128xf32, #tpu.memory_space<vmem>>
        tpu.wait_dma2 semaphore(%arg10 : memref<!tpu.dma_semaphore, #tpu.memory_space<semaphore_mem>>) src(%dma_wait3A_1075 : memref<128x128xf32, #tpu.memory_space<vmem>>) dst(%dma_wait3A_1071 : memref<128x128xf32, #tpu.memory_space<hbm>>)
      } else {
      }
      %scan3A_714 = arith.constant 0 : i32
      %scan3A_715 = arith.constant 128 : i32
      %scan3A_716 = arith.addi %scan3A_714, %scan3A_715 : i32
      %scan3A_717 = arith.constant 1 : i32
      scf.for %scan3A_1061 = %scan3A_714 to %scan3A_716 step %scan3A_717  : i32 {
        %get3A = arith.constant 0 : i32
        %get3A_1062 = arith.index_cast %get3A : i32 to index
        %get3A_1063 = arith.index_cast %scan3A_1061 : i32 to index
        %get3A_1064 = arith.constant 0 : index
        %get3A_1065 = tpu.vector_load %arg6[%get3A_1062, %get3A_1063, %get3A_1064] {strides = array<i32>} : memref<2x128x128xf32, #tpu.memory_space<vmem>>, vector<1x1x16xf32>,
        %get3A_1066 = vector.shape_cast %get3A_1065 : vector<1x1x16xf32> to vector<16xf32>
        %mul3A_1067 = arith.constant 0.0909090936 : f32
        %mul3A_1068 = vector.broadcast %mul3A_1067 : f32 to vector<16xf32>
        %mul3A_1069 = arith.mulf %get3A_1066, %mul3A_1068 : vector<16xf32>
        %swap3A = arith.constant 0 : i32
        %swap3A_1070 = arith.index_cast %swap3A : i32 to index
        %swap3A_1071 = arith.index_cast %scan3A_1061 : i32 to index
        %swap3A_1072 = arith.constant 0 : index
        %swap3A_1073 = tpu.vector_load %arg7[%swap3A_1070, %swap3A_1071, %swap3A_1072] {strides = array<i32>} : memref<2x128x128xf32, #tpu.memory_space<vmem>>, vector<1x1x16xf32>,
        %swap3A_1074 = vector.shape_cast %swap3A_1073 : vector<1x1x16xf32> to vector<16xf32>
        %swap3A_1075 = vector.shape_cast %mul3A_1069 : vector<16xf32> to vector<1x1x16xf32>
        tpu.vector_store %arg7[%swap3A_1070, %swap3A_1071, %swap3A_1072], %swap3A_1075 {strides = array<i32>} : memref<2x128x128xf32, #tpu.memory_space<vmem>>, vector<1x1x16xf32>,
        %swap3A_1076 = arith.constant 0 : i32
        %swap3A_1077 = arith.index_cast %swap3A_1076 : i32 to index
        %swap3A_1078 = arith.index_cast %scan3A_1061 : i32 to index
        %swap3A_1079 = arith.constant 0 : index
        %swap3A_1080 = tpu.vector_load %arg6[%swap3A_1077, %swap3A_1078, %swap3A_1079] {strides = array<i32>} : memref<2x128x128xf32, #tpu.memory_space<vmem>>, vector<1x1x16xf32>,
        %swap3A_1081 = vector.shape_cast %swap3A_1080 : vector<1x1x16xf32> to vector<16xf32>
        %swap3A_1082 = vector.shape_cast %broadcast_in_dim3A_1 : vector<16xf32> to vector<1x1x16xf32>
        tpu.vector_store %arg6[%swap3A_1077, %swap3A_1078, %swap3A_1079], %swap3A_1082 {strides = array<i32>} : memref<2x128x128xf32, #tpu.memory_space<vmem>>, vector<1x1x16xf32>,
        %get3A_1083 = arith.constant 0 : i32
        %get3A_1084 = arith.index_cast %get3A_1083 : i32 to index
        %get3A_1085 = arith.index_cast %scan3A_1061 : i32 to index
        %get3A_1086 = arith.constant 16 : index
        %get3A_1087 = tpu.vector_load %arg6[%get3A_1084, %get3A_1085, %get3A_1086] {strides = array<i32>} : memref<2x128x128xf32, #tpu.memory_space<vmem>>, vector<1x1x16xf32>,
        %get3A_1088 = vector.shape_cast %get3A_1087 : vector<1x1x16xf32> to vector<16xf32>
        %mul3A_1089 = arith.constant 0.0909090936 : f32
        %mul3A_1090 = vector.broadcast %mul3A_1089 : f32 to vector<16xf32>
        %mul3A_1091 = arith.mulf %get3A_1088, %mul3A_1090 : vector<16xf32>
        %swap3A_1092 = arith.constant 0 : i32
        %swap3A_1093 = arith.index_cast %swap3A_1092 : i32 to index
        %swap3A_1094 = arith.index_cast %scan3A_1061 : i32 to index
        %swap3A_1095 = arith.constant 16 : index
        %swap3A_1096 = tpu.vector_load %arg7[%swap3A_1093, %swap3A_1094, %swap3A_1095] {strides = array<i32>} : memref<2x128x128xf32, #tpu.memory_space<vmem>>, vector<1x1x16xf32>,
        %swap3A_1097 = vector.shape_cast %swap3A_1096 : vector<1x1x16xf32> to vector<16xf32>
        %swap3A_1098 = vector.shape_cast %mul3A_1091 : vector<16xf32> to vector<1x1x16xf32>
        tpu.vector_store %arg7[%swap3A_1093, %swap3A_1094, %swap3A_1095], %swap3A_1098 {strides = array<i32>} : memref<2x128x128xf32, #tpu.memory_space<vmem>>, vector<1x1x16xf32>,
        %swap3A_1099 = arith.constant 0 : i32
        %swap3A_1100 = arith.index_cast %swap3A_1099 : i32 to index
        %swap3A_1101 = arith.index_cast %scan3A_1061 : i32 to index
        %swap3A_1102 = arith.constant 16 : index
        %swap3A_1103 = tpu.vector_load %arg6[%swap3A_1100, %swap3A_1101, %swap3A_1102] {strides = array<i32>} : memref<2x128x128xf32, #tpu.memory_space<vmem>>, vector<1x1x16xf32>,
        %swap3A_1104 = vector.shape_cast %swap3A_1103 : vector<1x1x16xf32> to vector<16xf32>
        %swap3A_1105 = vector.shape_cast %broadcast_in_dim3A_1 : vector<16xf32> to vector<1x1x16xf32>
        tpu.vector_store %arg6[%swap3A_1100, %swap3A_1101, %swap3A_1102], %swap3A_1105 {strides = array<i32>} : memref<2x128x128xf32, #tpu.memory_space<vmem>>, vector<1x1x16xf32>,
        %get3A_1106 = arith.constant 0 : i32
        %get3A_1107 = arith.index_cast %get3A_1106 : i32 to index
        %get3A_1108 = arith.index_cast %scan3A_1061 : i32 to index
        %get3A_1109 = arith.constant 32 : index
        %get3A_1110 = tpu.vector_load %arg6[%get3A_1107, %get3A_1108, %get3A_1109] {strides = array<i32>} : memref<2x128x128xf32, #tpu.memory_space<vmem>>, vector<1x1x16xf32>,
        %get3A_1111 = vector.shape_cast %get3A_1110 : vector<1x1x16xf32> to vector<16xf32>
        %mul3A_1112 = arith.constant 0.0909090936 : f32
        %mul3A_1113 = vector.broadcast %mul3A_1112 : f32 to vector<16xf32>
        %mul3A_1114 = arith.mulf %get3A_1111, %mul3A_1113 : vector<16xf32>
        %swap3A_1115 = arith.constant 0 : i32
        %swap3A_1116 = arith.index_cast %swap3A_1115 : i32 to index
        %swap3A_1117 = arith.index_cast %scan3A_1061 : i32 to index
        %swap3A_1118 = arith.constant 32 : index
        %swap3A_1119 = tpu.vector_load %arg7[%swap3A_1116, %swap3A_1117, %swap3A_1118] {strides = array<i32>} : memref<2x128x128xf32, #tpu.memory_space<vmem>>, vector<1x1x16xf32>,
        %swap3A_1120 = vector.shape_cast %swap3A_1119 : vector<1x1x16xf32> to vector<16xf32>
        %swap3A_1121 = vector.shape_cast %mul3A_1114 : vector<16xf32> to vector<1x1x16xf32>
        tpu.vector_store %arg7[%swap3A_1116, %swap3A_1117, %swap3A_1118], %swap3A_1121 {strides = array<i32>} : memref<2x128x128xf32, #tpu.memory_space<vmem>>, vector<1x1x16xf32>,
        %swap3A_1122 = arith.constant 0 : i32
        %swap3A_1123 = arith.index_cast %swap3A_1122 : i32 to index
        %swap3A_1124 = arith.index_cast %scan3A_1061 : i32 to index
        %swap3A_1125 = arith.constant 32 : index
        %swap3A_1126 = tpu.vector_load %arg6[%swap3A_1123, %swap3A_1124, %swap3A_1125] {strides = array<i32>} : memref<2x128x128xf32, #tpu.memory_space<vmem>>, vector<1x1x16xf32>,
        %swap3A_1127 = vector.shape_cast %swap3A_1126 : vector<1x1x16xf32> to vector<16xf32>
        %swap3A_1128 = vector.shape_cast %broadcast_in_dim3A_1 : vector<16xf32> to vector<1x1x16xf32>
        tpu.vector_store %arg6[%swap3A_1123, %swap3A_1124, %swap3A_1125], %swap3A_1128 {strides = array<i32>} : memref<2x128x128xf32, #tpu.memory_space<vmem>>, vector<1x1x16xf32>,
        %get3A_1129 = arith.constant 0 : i32
        %get3A_1130 = arith.index_cast %get3A_1129 : i32 to index
        %get3A_1131 = arith.index_cast %scan3A_1061 : i32 to index
        %get3A_1132 = arith.constant 48 : index
        %get3A_1133 = tpu.vector_load %arg6[%get3A_1130, %get3A_1131, %get3A_1132] {strides = array<i32>} : memref<2x128x128xf32, #tpu.memory_space<vmem>>, vector<1x1x16xf32>,
        %get3A_1134 = vector.shape_cast %get3A_1133 : vector<1x1x16xf32> to vector<16xf32>
        %mul3A_1135 = arith.constant 0.0909090936 : f32
        %mul3A_1136 = vector.broadcast %mul3A_1135 : f32 to vector<16xf32>
        %mul3A_1137 = arith.mulf %get3A_1134, %mul3A_1136 : vector<16xf32>
        %swap3A_1138 = arith.constant 0 : i32
        %swap3A_1139 = arith.index_cast %swap3A_1138 : i32 to index
        %swap3A_1140 = arith.index_cast %scan3A_1061 : i32 to index
        %swap3A_1141 = arith.constant 48 : index
        %swap3A_1142 = tpu.vector_load %arg7[%swap3A_1139, %swap3A_1140, %swap3A_1141] {strides = array<i32>} : memref<2x128x128xf32, #tpu.memory_space<vmem>>, vector<1x1x16xf32>,
        %swap3A_1143 = vector.shape_cast %swap3A_1142 : vector<1x1x16xf32> to vector<16xf32>
        %swap3A_1144 = vector.shape_cast %mul3A_1137 : vector<16xf32> to vector<1x1x16xf32>
        tpu.vector_store %arg7[%swap3A_1139, %swap3A_1140, %swap3A_1141], %swap3A_1144 {strides = array<i32>} : memref<2x128x128xf32, #tpu.memory_space<vmem>>, vector<1x1x16xf32>,
        %swap3A_1145 = arith.constant 0 : i32
        %swap3A_1146 = arith.index_cast %swap3A_1145 : i32 to index
        %swap3A_1147 = arith.index_cast %scan3A_1061 : i32 to index
        %swap3A_1148 = arith.constant 48 : index
        %swap3A_1149 = tpu.vector_load %arg6[%swap3A_1146, %swap3A_1147, %swap3A_1148] {strides = array<i32>} : memref<2x128x128xf32, #tpu.memory_space<vmem>>, vector<1x1x16xf32>,
        %swap3A_1150 = vector.shape_cast %swap3A_1149 : vector<1x1x16xf32> to vector<16xf32>
        %swap3A_1151 = vector.shape_cast %broadcast_in_dim3A_1 : vector<16xf32> to vector<1x1x16xf32>
        tpu.vector_store %arg6[%swap3A_1146, %swap3A_1147, %swap3A_1148], %swap3A_1151 {strides = array<i32>} : memref<2x128x128xf32, #tpu.memory_space<vmem>>, vector<1x1x16xf32>,
        %get3A_1152 = arith.constant 0 : i32
        %get3A_1153 = arith.index_cast %get3A_1152 : i32 to index
        %get3A_1154 = arith.index_cast %scan3A_1061 : i32 to index
        %get3A_1155 = arith.constant 64 : index
        %get3A_1156 = tpu.vector_load %arg6[%get3A_1153, %get3A_1154, %get3A_1155] {strides = array<i32>} : memref<2x128x128xf32, #tpu.memory_space<vmem>>, vector<1x1x16xf32>,
        %get3A_1157 = vector.shape_cast %get3A_1156 : vector<1x1x16xf32> to vector<16xf32>
        %mul3A_1158 = arith.constant 0.0909090936 : f32
        %mul3A_1159 = vector.broadcast %mul3A_1158 : f32 to vector<16xf32>
        %mul3A_1160 = arith.mulf %get3A_1157, %mul3A_1159 : vector<16xf32>
        %swap3A_1161 = arith.constant 0 : i32
        %swap3A_1162 = arith.index_cast %swap3A_1161 : i32 to index
        %swap3A_1163 = arith.index_cast %scan3A_1061 : i32 to index
        %swap3A_1164 = arith.constant 64 : index
        %swap3A_1165 = tpu.vector_load %arg7[%swap3A_1162, %swap3A_1163, %swap3A_1164] {strides = array<i32>} : memref<2x128x128xf32, #tpu.memory_space<vmem>>, vector<1x1x16xf32>,
        %swap3A_1166 = vector.shape_cast %swap3A_1165 : vector<1x1x16xf32> to vector<16xf32>
        %swap3A_1167 = vector.shape_cast %mul3A_1160 : vector<16xf32> to vector<1x1x16xf32>
        tpu.vector_store %arg7[%swap3A_1162, %swap3A_1163, %swap3A_1164], %swap3A_1167 {strides = array<i32>} : memref<2x128x128xf32, #tpu.memory_space<vmem>>, vector<1x1x16xf32>,
        %swap3A_1168 = arith.constant 0 : i32
        %swap3A_1169 = arith.index_cast %swap3A_1168 : i32 to index
        %swap3A_1170 = arith.index_cast %scan3A_1061 : i32 to index
        %swap3A_1171 = arith.constant 64 : index
        %swap3A_1172 = tpu.vector_load %arg6[%swap3A_1169, %swap3A_1170, %swap3A_1171] {strides = array<i32>} : memref<2x128x128xf32, #tpu.memory_space<vmem>>, vector<1x1x16xf32>,
        %swap3A_1173 = vector.shape_cast %swap3A_1172 : vector<1x1x16xf32> to vector<16xf32>
        %swap3A_1174 = vector.shape_cast %broadcast_in_dim3A_1 : vector<16xf32> to vector<1x1x16xf32>
        tpu.vector_store %arg6[%swap3A_1169, %swap3A_1170, %swap3A_1171], %swap3A_1174 {strides = array<i32>} : memref<2x128x128xf32, #tpu.memory_space<vmem>>, vector<1x1x16xf32>,
        %get3A_1175 = arith.constant 0 : i32
        %get3A_1176 = arith.index_cast %get3A_1175 : i32 to index
        %get3A_1177 = arith.index_cast %scan3A_1061 : i32 to index
        %get3A_1178 = arith.constant 80 : index
        %get3A_1179 = tpu.vector_load %arg6[%get3A_1176, %get3A_1177, %get3A_1178] {strides = array<i32>} : memref<2x128x128xf32, #tpu.memory_space<vmem>>, vector<1x1x16xf32>,
        %get3A_1180 = vector.shape_cast %get3A_1179 : vector<1x1x16xf32> to vector<16xf32>
        %mul3A_1181 = arith.constant 0.0909090936 : f32
        %mul3A_1182 = vector.broadcast %mul3A_1181 : f32 to vector<16xf32>
        %mul3A_1183 = arith.mulf %get3A_1180, %mul3A_1182 : vector<16xf32>
        %swap3A_1184 = arith.constant 0 : i32
        %swap3A_1185 = arith.index_cast %swap3A_1184 : i32 to index
        %swap3A_1186 = arith.index_cast %scan3A_1061 : i32 to index
        %swap3A_1187 = arith.constant 80 : index
        %swap3A_1188 = tpu.vector_load %arg7[%swap3A_1185, %swap3A_1186, %swap3A_1187] {strides = array<i32>} : memref<2x128x128xf32, #tpu.memory_space<vmem>>, vector<1x1x16xf32>,
        %swap3A_1189 = vector.shape_cast %swap3A_1188 : vector<1x1x16xf32> to vector<16xf32>
        %swap3A_1190 = vector.shape_cast %mul3A_1183 : vector<16xf32> to vector<1x1x16xf32>
        tpu.vector_store %arg7[%swap3A_1185, %swap3A_1186, %swap3A_1187], %swap3A_1190 {strides = array<i32>} : memref<2x128x128xf32, #tpu.memory_space<vmem>>, vector<1x1x16xf32>,
        %swap3A_1191 = arith.constant 0 : i32
        %swap3A_1192 = arith.index_cast %swap3A_1191 : i32 to index
        %swap3A_1193 = arith.index_cast %scan3A_1061 : i32 to index
        %swap3A_1194 = arith.constant 80 : index
        %swap3A_1195 = tpu.vector_load %arg6[%swap3A_1192, %swap3A_1193, %swap3A_1194] {strides = array<i32>} : memref<2x128x128xf32, #tpu.memory_space<vmem>>, vector<1x1x16xf32>,
        %swap3A_1196 = vector.shape_cast %swap3A_1195 : vector<1x1x16xf32> to vector<16xf32>
        %swap3A_1197 = vector.shape_cast %broadcast_in_dim3A_1 : vector<16xf32> to vector<1x1x16xf32>
        tpu.vector_store %arg6[%swap3A_1192, %swap3A_1193, %swap3A_1194], %swap3A_1197 {strides = array<i32>} : memref<2x128x128xf32, #tpu.memory_space<vmem>>, vector<1x1x16xf32>,
        %get3A_1198 = arith.constant 0 : i32
        %get3A_1199 = arith.index_cast %get3A_1198 : i32 to index
        %get3A_1200 = arith.index_cast %scan3A_1061 : i32 to index
        %get3A_1201 = arith.constant 96 : index
        %get3A_1202 = tpu.vector_load %arg6[%get3A_1199, %get3A_1200, %get3A_1201] {strides = array<i32>} : memref<2x128x128xf32, #tpu.memory_space<vmem>>, vector<1x1x16xf32>,
        %get3A_1203 = vector.shape_cast %get3A_1202 : vector<1x1x16xf32> to vector<16xf32>
        %mul3A_1204 = arith.constant 0.0909090936 : f32
        %mul3A_1205 = vector.broadcast %mul3A_1204 : f32 to vector<16xf32>
        %mul3A_1206 = arith.mulf %get3A_1203, %mul3A_1205 : vector<16xf32>
        %swap3A_1207 = arith.constant 0 : i32
        %swap3A_1208 = arith.index_cast %swap3A_1207 : i32 to index
        %swap3A_1209 = arith.index_cast %scan3A_1061 : i32 to index
        %swap3A_1210 = arith.constant 96 : index
        %swap3A_1211 = tpu.vector_load %arg7[%swap3A_1208, %swap3A_1209, %swap3A_1210] {strides = array<i32>} : memref<2x128x128xf32, #tpu.memory_space<vmem>>, vector<1x1x16xf32>,
        %swap3A_1212 = vector.shape_cast %swap3A_1211 : vector<1x1x16xf32> to vector<16xf32>
        %swap3A_1213 = vector.shape_cast %mul3A_1206 : vector<16xf32> to vector<1x1x16xf32>
        tpu.vector_store %arg7[%swap3A_1208, %swap3A_1209, %swap3A_1210], %swap3A_1213 {strides = array<i32>} : memref<2x128x128xf32, #tpu.memory_space<vmem>>, vector<1x1x16xf32>,
        %swap3A_1214 = arith.constant 0 : i32
        %swap3A_1215 = arith.index_cast %swap3A_1214 : i32 to index
        %swap3A_1216 = arith.index_cast %scan3A_1061 : i32 to index
        %swap3A_1217 = arith.constant 96 : index
        %swap3A_1218 = tpu.vector_load %arg6[%swap3A_1215, %swap3A_1216, %swap3A_1217] {strides = array<i32>} : memref<2x128x128xf32, #tpu.memory_space<vmem>>, vector<1x1x16xf32>,
        %swap3A_1219 = vector.shape_cast %swap3A_1218 : vector<1x1x16xf32> to vector<16xf32>
        %swap3A_1220 = vector.shape_cast %broadcast_in_dim3A_1 : vector<16xf32> to vector<1x1x16xf32>
        tpu.vector_store %arg6[%swap3A_1215, %swap3A_1216, %swap3A_1217], %swap3A_1220 {strides = array<i32>} : memref<2x128x128xf32, #tpu.memory_space<vmem>>, vector<1x1x16xf32>,
        %get3A_1221 = arith.constant 0 : i32
        %get3A_1222 = arith.index_cast %get3A_1221 : i32 to index
        %get3A_1223 = arith.index_cast %scan3A_1061 : i32 to index
        %get3A_1224 = arith.constant 112 : index
        %get3A_1225 = tpu.vector_load %arg6[%get3A_1222, %get3A_1223, %get3A_1224] {strides = array<i32>} : memref<2x128x128xf32, #tpu.memory_space<vmem>>, vector<1x1x16xf32>,
        %get3A_1226 = vector.shape_cast %get3A_1225 : vector<1x1x16xf32> to vector<16xf32>
        %mul3A_1227 = arith.constant 0.0909090936 : f32
        %mul3A_1228 = vector.broadcast %mul3A_1227 : f32 to vector<16xf32>
        %mul3A_1229 = arith.mulf %get3A_1226, %mul3A_1228 : vector<16xf32>
        %swap3A_1230 = arith.constant 0 : i32
        %swap3A_1231 = arith.index_cast %swap3A_1230 : i32 to index
        %swap3A_1232 = arith.index_cast %scan3A_1061 : i32 to index
        %swap3A_1233 = arith.constant 112 : index
        %swap3A_1234 = tpu.vector_load %arg7[%swap3A_1231, %swap3A_1232, %swap3A_1233] {strides = array<i32>} : memref<2x128x128xf32, #tpu.memory_space<vmem>>, vector<1x1x16xf32>,
        %swap3A_1235 = vector.shape_cast %swap3A_1234 : vector<1x1x16xf32> to vector<16xf32>
        %swap3A_1236 = vector.shape_cast %mul3A_1229 : vector<16xf32> to vector<1x1x16xf32>
        tpu.vector_store %arg7[%swap3A_1231, %swap3A_1232, %swap3A_1233], %swap3A_1236 {strides = array<i32>} : memref<2x128x128xf32, #tpu.memory_space<vmem>>, vector<1x1x16xf32>,
        %swap3A_1237 = arith.constant 0 : i32
        %swap3A_1238 = arith.index_cast %swap3A_1237 : i32 to index
        %swap3A_1239 = arith.index_cast %scan3A_1061 : i32 to index
        %swap3A_1240 = arith.constant 112 : index
        %swap3A_1241 = tpu.vector_load %arg6[%swap3A_1238, %swap3A_1239, %swap3A_1240] {strides = array<i32>} : memref<2x128x128xf32, #tpu.memory_space<vmem>>, vector<1x1x16xf32>,
        %swap3A_1242 = vector.shape_cast %swap3A_1241 : vector<1x1x16xf32> to vector<16xf32>
        %swap3A_1243 = vector.shape_cast %broadcast_in_dim3A_1 : vector<16xf32> to vector<1x1x16xf32>
        tpu.vector_store %arg6[%swap3A_1238, %swap3A_1239, %swap3A_1240], %swap3A_1243 {strides = array<i32>} : memref<2x128x128xf32, #tpu.memory_space<vmem>>, vector<1x1x16xf32>,
      }
      %scan3A_718 = arith.constant 128 : i32
      %dma_start3A_719 = arith.constant 0 : i32
      %dma_start3A_720 = arith.constant 0 : i32
      %dma_start3A_721 = arith.constant 0 : i32
      %dma_start3A_722 = tpu.memref_slice %arg7[%dma_start3A_719, %dma_start3A_720, %dma_start3A_721] : memref<2x128x128xf32, #tpu.memory_space<vmem>> -> memref<1x128x128xf32, #tpu.memory_space<vmem>>
      %dma_start3A_723 = tpu.memref_squeeze %dma_start3A_722 : memref<1x128x128xf32, #tpu.memory_space<vmem>> -> memref<128x128xf32, #tpu.memory_space<vmem>>
      %dma_start3A_724 = arith.constant 0 : i32
      %dma_start3A_725 = tpu.memref_slice %arg4[%min3A_710, %dma_start3A_724] : memref<50000x128xf32, #tpu.memory_space<hbm>> -> memref<128x128xf32, #tpu.memory_space<hbm>>
      %dma_start3A_726 = arith.constant 0 : i32
      %dma_start3A_727 = tpu.memref_slice %arg4[%min3A_710, %dma_start3A_726] : memref<50000x128xf32, #tpu.memory_space<hbm>> -> memref<128x128xf32, #tpu.memory_space<hbm>>
      %dma_start3A_728 = arith.constant 0 : i32
      %dma_start3A_729 = arith.constant 0 : i32
      %dma_start3A_730 = tpu.memref_slice %arg7[%dma_start3A_719, %dma_start3A_728, %dma_start3A_729] : memref<2x128x128xf32, #tpu.memory_space<vmem>> -> memref<1x128x128xf32, #tpu.memory_space<vmem>>
      %dma_start3A_731 = tpu.memref_squeeze %dma_start3A_730 : memref<1x128x128xf32, #tpu.memory_space<vmem>> -> memref<128x128xf32, #tpu.memory_space<vmem>>
      tpu.enqueue_dma source(%dma_start3A_731 : memref<128x128xf32, #tpu.memory_space<vmem>>) target(%dma_start3A_727 : memref<128x128xf32, #tpu.memory_space<hbm>>) target_semaphore(%arg10 : memref<!tpu.dma_semaphore, #tpu.memory_space<semaphore_mem>>)
      %add3A_732 = arith.constant 2 : i32
      %add3A_733 = arith.addi %mul3A_407, %add3A_732 : i32
      %mul3A_734 = arith.constant 13 : i32
      %mul3A_735 = arith.muli %add3A, %mul3A_734 : i32
      %add3A_736 = arith.addi %mul3A_735, %add3A_733 : i32
      %mul3A_737 = arith.constant 128 : i32
      %mul3A_738 = arith.muli %add3A_736, %mul3A_737 : i32
      %min3A_739 = arith.constant 49872 : i32
      %min3A_740 = arith.minsi %mul3A_738, %min3A_739 : i32
      %sub3A_741 = arith.subi %min3A_740, %min3A_4 : i32
      %add3A_742 = arith.constant 0 : i32
      %add3A_743 = arith.addi %add3A_742, %sub3A_741 : i32
      %dma_start3A_744 = arith.constant 0 : i32
      %dma_start3A_745 = arith.constant 0 : i32
      %dma_start3A_746 = arith.constant 0 : i32
      %dma_start3A_747 = tpu.memref_slice %arg6[%dma_start3A_744, %dma_start3A_745, %dma_start3A_746] : memref<2x128x128xf32, #tpu.memory_space<vmem>> -> memref<1x128x128xf32, #tpu.memory_space<vmem>>
      %dma_start3A_748 = tpu.memref_squeeze %dma_start3A_747 : memref<1x128x128xf32, #tpu.memory_space<vmem>> -> memref<128x128xf32, #tpu.memory_space<vmem>>
      %dma_start3A_749 = tpu.memref_slice %arg5[%add3A_743] : memref<18304xi32, #tpu.memory_space<vmem>> -> memref<128xi32, #tpu.memory_space<vmem>>
      %dma_start3A_750 = arith.constant 0 : i32
      %dma_start3A_751 = arith.constant 0 : i32
      %dma_start3A_752 = tpu.memref_slice %arg2[%dma_start3A_750, %dma_start3A_751] : memref<100000x128xf32, #tpu.memory_space<hbm>> -> memref<100000x128xf32, #tpu.memory_space<hbm>>
      tpu.enqueue_indirect_dma source(%dma_start3A_752 : memref<100000x128xf32, #tpu.memory_space<hbm>>) target(%dma_start3A_748 : memref<128x128xf32, #tpu.memory_space<vmem>>) offsets(%dma_start3A_749 : memref<128xi32, #tpu.memory_space<vmem>>) semaphore(%arg8 : memref<!tpu.dma_semaphore, #tpu.memory_space<semaphore_mem>>) {add = true}
      %add3A_753 = arith.constant 1664 : i32
      %add3A_754 = arith.addi %add3A_753, %sub3A_741 : i32
      %dma_start3A_755 = arith.constant 0 : i32
      %dma_start3A_756 = arith.constant 0 : i32
      %dma_start3A_757 = arith.constant 0 : i32
      %dma_start3A_758 = tpu.memref_slice %arg6[%dma_start3A_755, %dma_start3A_756, %dma_start3A_757] : memref<2x128x128xf32, #tpu.memory_space<vmem>> -> memref<1x128x128xf32, #tpu.memory_space<vmem>>
      %dma_start3A_759 = tpu.memref_squeeze %dma_start3A_758 : memref<1x128x128xf32, #tpu.memory_space<vmem>> -> memref<128x128xf32, #tpu.memory_space<vmem>>
      %dma_start3A_760 = tpu.memref_slice %arg5[%add3A_754] : memref<18304xi32, #tpu.memory_space<vmem>> -> memref<128xi32, #tpu.memory_space<vmem>>
      %dma_start3A_761 = arith.constant 0 : i32
      %dma_start3A_762 = arith.constant 0 : i32
      %dma_start3A_763 = tpu.memref_slice %arg2[%dma_start3A_761, %dma_start3A_762] : memref<100000x128xf32, #tpu.memory_space<hbm>> -> memref<100000x128xf32, #tpu.memory_space<hbm>>
      tpu.enqueue_indirect_dma source(%dma_start3A_763 : memref<100000x128xf32, #tpu.memory_space<hbm>>) target(%dma_start3A_759 : memref<128x128xf32, #tpu.memory_space<vmem>>) offsets(%dma_start3A_760 : memref<128xi32, #tpu.memory_space<vmem>>) semaphore(%arg8 : memref<!tpu.dma_semaphore, #tpu.memory_space<semaphore_mem>>) {add = true}
      %add3A_764 = arith.constant 3328 : i32
      %add3A_765 = arith.addi %add3A_764, %sub3A_741 : i32
      %dma_start3A_766 = arith.constant 0 : i32
      %dma_start3A_767 = arith.constant 0 : i32
      %dma_start3A_768 = arith.constant 0 : i32
      %dma_start3A_769 = tpu.memref_slice %arg6[%dma_start3A_766, %dma_start3A_767, %dma_start3A_768] : memref<2x128x128xf32, #tpu.memory_space<vmem>> -> memref<1x128x128xf32, #tpu.memory_space<vmem>>
      %dma_start3A_770 = tpu.memref_squeeze %dma_start3A_769 : memref<1x128x128xf32, #tpu.memory_space<vmem>> -> memref<128x128xf32, #tpu.memory_space<vmem>>
      %dma_start3A_771 = tpu.memref_slice %arg5[%add3A_765] : memref<18304xi32, #tpu.memory_space<vmem>> -> memref<128xi32, #tpu.memory_space<vmem>>
      %dma_start3A_772 = arith.constant 0 : i32
      %dma_start3A_773 = arith.constant 0 : i32
      %dma_start3A_774 = tpu.memref_slice %arg2[%dma_start3A_772, %dma_start3A_773] : memref<100000x128xf32, #tpu.memory_space<hbm>> -> memref<100000x128xf32, #tpu.memory_space<hbm>>
      tpu.enqueue_indirect_dma source(%dma_start3A_774 : memref<100000x128xf32, #tpu.memory_space<hbm>>) target(%dma_start3A_770 : memref<128x128xf32, #tpu.memory_space<vmem>>) offsets(%dma_start3A_771 : memref<128xi32, #tpu.memory_space<vmem>>) semaphore(%arg8 : memref<!tpu.dma_semaphore, #tpu.memory_space<semaphore_mem>>) {add = true}
      %add3A_775 = arith.constant 4992 : i32
      %add3A_776 = arith.addi %add3A_775, %sub3A_741 : i32
      %dma_start3A_777 = arith.constant 0 : i32
      %dma_start3A_778 = arith.constant 0 : i32
      %dma_start3A_779 = arith.constant 0 : i32
      %dma_start3A_780 = tpu.memref_slice %arg6[%dma_start3A_777, %dma_start3A_778, %dma_start3A_779] : memref<2x128x128xf32, #tpu.memory_space<vmem>> -> memref<1x128x128xf32, #tpu.memory_space<vmem>>
      %dma_start3A_781 = tpu.memref_squeeze %dma_start3A_780 : memref<1x128x128xf32, #tpu.memory_space<vmem>> -> memref<128x128xf32, #tpu.memory_space<vmem>>
      %dma_start3A_782 = tpu.memref_slice %arg5[%add3A_776] : memref<18304xi32, #tpu.memory_space<vmem>> -> memref<128xi32, #tpu.memory_space<vmem>>
      %dma_start3A_783 = arith.constant 0 : i32
      %dma_start3A_784 = arith.constant 0 : i32
      %dma_start3A_785 = tpu.memref_slice %arg2[%dma_start3A_783, %dma_start3A_784] : memref<100000x128xf32, #tpu.memory_space<hbm>> -> memref<100000x128xf32, #tpu.memory_space<hbm>>
      tpu.enqueue_indirect_dma source(%dma_start3A_785 : memref<100000x128xf32, #tpu.memory_space<hbm>>) target(%dma_start3A_781 : memref<128x128xf32, #tpu.memory_space<vmem>>) offsets(%dma_start3A_782 : memref<128xi32, #tpu.memory_space<vmem>>) semaphore(%arg8 : memref<!tpu.dma_semaphore, #tpu.memory_space<semaphore_mem>>) {add = true}
      %add3A_786 = arith.constant 6656 : i32
      %add3A_787 = arith.addi %add3A_786, %sub3A_741 : i32
      %dma_start3A_788 = arith.constant 0 : i32
      %dma_start3A_789 = arith.constant 0 : i32
      %dma_start3A_790 = arith.constant 0 : i32
      %dma_start3A_791 = tpu.memref_slice %arg6[%dma_start3A_788, %dma_start3A_789, %dma_start3A_790] : memref<2x128x128xf32, #tpu.memory_space<vmem>> -> memref<1x128x128xf32, #tpu.memory_space<vmem>>
      %dma_start3A_792 = tpu.memref_squeeze %dma_start3A_791 : memref<1x128x128xf32, #tpu.memory_space<vmem>> -> memref<128x128xf32, #tpu.memory_space<vmem>>
      %dma_start3A_793 = tpu.memref_slice %arg5[%add3A_787] : memref<18304xi32, #tpu.memory_space<vmem>> -> memref<128xi32, #tpu.memory_space<vmem>>
      %dma_start3A_794 = arith.constant 0 : i32
      %dma_start3A_795 = arith.constant 0 : i32
      %dma_start3A_796 = tpu.memref_slice %arg2[%dma_start3A_794, %dma_start3A_795] : memref<100000x128xf32, #tpu.memory_space<hbm>> -> memref<100000x128xf32, #tpu.memory_space<hbm>>
      tpu.enqueue_indirect_dma source(%dma_start3A_796 : memref<100000x128xf32, #tpu.memory_space<hbm>>) target(%dma_start3A_792 : memref<128x128xf32, #tpu.memory_space<vmem>>) offsets(%dma_start3A_793 : memref<128xi32, #tpu.memory_space<vmem>>) semaphore(%arg8 : memref<!tpu.dma_semaphore, #tpu.memory_space<semaphore_mem>>) {add = true}
      %add3A_797 = arith.constant 8320 : i32
      %add3A_798 = arith.addi %add3A_797, %sub3A_741 : i32
      %dma_start3A_799 = arith.constant 0 : i32
      %dma_start3A_800 = arith.constant 0 : i32
      %dma_start3A_801 = arith.constant 0 : i32
      %dma_start3A_802 = tpu.memref_slice %arg6[%dma_start3A_799, %dma_start3A_800, %dma_start3A_801] : memref<2x128x128xf32, #tpu.memory_space<vmem>> -> memref<1x128x128xf32, #tpu.memory_space<vmem>>
      %dma_start3A_803 = tpu.memref_squeeze %dma_start3A_802 : memref<1x128x128xf32, #tpu.memory_space<vmem>> -> memref<128x128xf32, #tpu.memory_space<vmem>>
      %dma_start3A_804 = tpu.memref_slice %arg5[%add3A_798] : memref<18304xi32, #tpu.memory_space<vmem>> -> memref<128xi32, #tpu.memory_space<vmem>>
      %dma_start3A_805 = arith.constant 0 : i32
      %dma_start3A_806 = arith.constant 0 : i32
      %dma_start3A_807 = tpu.memref_slice %arg2[%dma_start3A_805, %dma_start3A_806] : memref<100000x128xf32, #tpu.memory_space<hbm>> -> memref<100000x128xf32, #tpu.memory_space<hbm>>
      tpu.enqueue_indirect_dma source(%dma_start3A_807 : memref<100000x128xf32, #tpu.memory_space<hbm>>) target(%dma_start3A_803 : memref<128x128xf32, #tpu.memory_space<vmem>>) offsets(%dma_start3A_804 : memref<128xi32, #tpu.memory_space<vmem>>) semaphore(%arg8 : memref<!tpu.dma_semaphore, #tpu.memory_space<semaphore_mem>>) {add = true}
      %add3A_808 = arith.constant 9984 : i32
      %add3A_809 = arith.addi %add3A_808, %sub3A_741 : i32
      %dma_start3A_810 = arith.constant 0 : i32
      %dma_start3A_811 = arith.constant 0 : i32
      %dma_start3A_812 = arith.constant 0 : i32
      %dma_start3A_813 = tpu.memref_slice %arg6[%dma_start3A_810, %dma_start3A_811, %dma_start3A_812] : memref<2x128x128xf32, #tpu.memory_space<vmem>> -> memref<1x128x128xf32, #tpu.memory_space<vmem>>
      %dma_start3A_814 = tpu.memref_squeeze %dma_start3A_813 : memref<1x128x128xf32, #tpu.memory_space<vmem>> -> memref<128x128xf32, #tpu.memory_space<vmem>>
      %dma_start3A_815 = tpu.memref_slice %arg5[%add3A_809] : memref<18304xi32, #tpu.memory_space<vmem>> -> memref<128xi32, #tpu.memory_space<vmem>>
      %dma_start3A_816 = arith.constant 0 : i32
      %dma_start3A_817 = arith.constant 0 : i32
      %dma_start3A_818 = tpu.memref_slice %arg2[%dma_start3A_816, %dma_start3A_817] : memref<100000x128xf32, #tpu.memory_space<hbm>> -> memref<100000x128xf32, #tpu.memory_space<hbm>>
      tpu.enqueue_indirect_dma source(%dma_start3A_818 : memref<100000x128xf32, #tpu.memory_space<hbm>>) target(%dma_start3A_814 : memref<128x128xf32, #tpu.memory_space<vmem>>) offsets(%dma_start3A_815 : memref<128xi32, #tpu.memory_space<vmem>>) semaphore(%arg8 : memref<!tpu.dma_semaphore, #tpu.memory_space<semaphore_mem>>) {add = true}
      %add3A_819 = arith.constant 11648 : i32
      %add3A_820 = arith.addi %add3A_819, %sub3A_741 : i32
      %dma_start3A_821 = arith.constant 0 : i32
      %dma_start3A_822 = arith.constant 0 : i32
      %dma_start3A_823 = arith.constant 0 : i32
      %dma_start3A_824 = tpu.memref_slice %arg6[%dma_start3A_821, %dma_start3A_822, %dma_start3A_823] : memref<2x128x128xf32, #tpu.memory_space<vmem>> -> memref<1x128x128xf32, #tpu.memory_space<vmem>>
      %dma_start3A_825 = tpu.memref_squeeze %dma_start3A_824 : memref<1x128x128xf32, #tpu.memory_space<vmem>> -> memref<128x128xf32, #tpu.memory_space<vmem>>
      %dma_start3A_826 = tpu.memref_slice %arg5[%add3A_820] : memref<18304xi32, #tpu.memory_space<vmem>> -> memref<128xi32, #tpu.memory_space<vmem>>
      %dma_start3A_827 = arith.constant 0 : i32
      %dma_start3A_828 = arith.constant 0 : i32
      %dma_start3A_829 = tpu.memref_slice %arg2[%dma_start3A_827, %dma_start3A_828] : memref<100000x128xf32, #tpu.memory_space<hbm>> -> memref<100000x128xf32, #tpu.memory_space<hbm>>
      tpu.enqueue_indirect_dma source(%dma_start3A_829 : memref<100000x128xf32, #tpu.memory_space<hbm>>) target(%dma_start3A_825 : memref<128x128xf32, #tpu.memory_space<vmem>>) offsets(%dma_start3A_826 : memref<128xi32, #tpu.memory_space<vmem>>) semaphore(%arg8 : memref<!tpu.dma_semaphore, #tpu.memory_space<semaphore_mem>>) {add = true}
      %add3A_830 = arith.constant 13312 : i32
      %add3A_831 = arith.addi %add3A_830, %sub3A_741 : i32
      %dma_start3A_832 = arith.constant 0 : i32
      %dma_start3A_833 = arith.constant 0 : i32
      %dma_start3A_834 = arith.constant 0 : i32
      %dma_start3A_835 = tpu.memref_slice %arg6[%dma_start3A_832, %dma_start3A_833, %dma_start3A_834] : memref<2x128x128xf32, #tpu.memory_space<vmem>> -> memref<1x128x128xf32, #tpu.memory_space<vmem>>
      %dma_start3A_836 = tpu.memref_squeeze %dma_start3A_835 : memref<1x128x128xf32, #tpu.memory_space<vmem>> -> memref<128x128xf32, #tpu.memory_space<vmem>>
      %dma_start3A_837 = tpu.memref_slice %arg5[%add3A_831] : memref<18304xi32, #tpu.memory_space<vmem>> -> memref<128xi32, #tpu.memory_space<vmem>>
      %dma_start3A_838 = arith.constant 0 : i32
      %dma_start3A_839 = arith.constant 0 : i32
      %dma_start3A_840 = tpu.memref_slice %arg2[%dma_start3A_838, %dma_start3A_839] : memref<100000x128xf32, #tpu.memory_space<hbm>> -> memref<100000x128xf32, #tpu.memory_space<hbm>>
      tpu.enqueue_indirect_dma source(%dma_start3A_840 : memref<100000x128xf32, #tpu.memory_space<hbm>>) target(%dma_start3A_836 : memref<128x128xf32, #tpu.memory_space<vmem>>) offsets(%dma_start3A_837 : memref<128xi32, #tpu.memory_space<vmem>>) semaphore(%arg8 : memref<!tpu.dma_semaphore, #tpu.memory_space<semaphore_mem>>) {add = true}
      %add3A_841 = arith.constant 14976 : i32
      %add3A_842 = arith.addi %add3A_841, %sub3A_741 : i32
      %dma_start3A_843 = arith.constant 0 : i32
      %dma_start3A_844 = arith.constant 0 : i32
      %dma_start3A_845 = arith.constant 0 : i32
      %dma_start3A_846 = tpu.memref_slice %arg6[%dma_start3A_843, %dma_start3A_844, %dma_start3A_845] : memref<2x128x128xf32, #tpu.memory_space<vmem>> -> memref<1x128x128xf32, #tpu.memory_space<vmem>>
      %dma_start3A_847 = tpu.memref_squeeze %dma_start3A_846 : memref<1x128x128xf32, #tpu.memory_space<vmem>> -> memref<128x128xf32, #tpu.memory_space<vmem>>
      %dma_start3A_848 = tpu.memref_slice %arg5[%add3A_842] : memref<18304xi32, #tpu.memory_space<vmem>> -> memref<128xi32, #tpu.memory_space<vmem>>
      %dma_start3A_849 = arith.constant 0 : i32
      %dma_start3A_850 = arith.constant 0 : i32
      %dma_start3A_851 = tpu.memref_slice %arg2[%dma_start3A_849, %dma_start3A_850] : memref<100000x128xf32, #tpu.memory_space<hbm>> -> memref<100000x128xf32, #tpu.memory_space<hbm>>
      tpu.enqueue_indirect_dma source(%dma_start3A_851 : memref<100000x128xf32, #tpu.memory_space<hbm>>) target(%dma_start3A_847 : memref<128x128xf32, #tpu.memory_space<vmem>>) offsets(%dma_start3A_848 : memref<128xi32, #tpu.memory_space<vmem>>) semaphore(%arg8 : memref<!tpu.dma_semaphore, #tpu.memory_space<semaphore_mem>>) {add = true}
      %add3A_852 = arith.constant 16640 : i32
      %add3A_853 = arith.addi %add3A_852, %sub3A_741 : i32
      %dma_start3A_854 = arith.constant 0 : i32
      %dma_start3A_855 = arith.constant 0 : i32
      %dma_start3A_856 = arith.constant 0 : i32
      %dma_start3A_857 = tpu.memref_slice %arg6[%dma_start3A_854, %dma_start3A_855, %dma_start3A_856] : memref<2x128x128xf32, #tpu.memory_space<vmem>> -> memref<1x128x128xf32, #tpu.memory_space<vmem>>
      %dma_start3A_858 = tpu.memref_squeeze %dma_start3A_857 : memref<1x128x128xf32, #tpu.memory_space<vmem>> -> memref<128x128xf32, #tpu.memory_space<vmem>>
      %dma_start3A_859 = tpu.memref_slice %arg5[%add3A_853] : memref<18304xi32, #tpu.memory_space<vmem>> -> memref<128xi32, #tpu.memory_space<vmem>>
      %dma_start3A_860 = arith.constant 0 : i32
      %dma_start3A_861 = arith.constant 0 : i32
      %dma_start3A_862 = tpu.memref_slice %arg2[%dma_start3A_860, %dma_start3A_861] : memref<100000x128xf32, #tpu.memory_space<hbm>> -> memref<100000x128xf32, #tpu.memory_space<hbm>>
      tpu.enqueue_indirect_dma source(%dma_start3A_862 : memref<100000x128xf32, #tpu.memory_space<hbm>>) target(%dma_start3A_858 : memref<128x128xf32, #tpu.memory_space<vmem>>) offsets(%dma_start3A_859 : memref<128xi32, #tpu.memory_space<vmem>>) semaphore(%arg8 : memref<!tpu.dma_semaphore, #tpu.memory_space<semaphore_mem>>) {add = true}
      %dma_wait3A_863 = arith.constant 1 : i32
      %dma_wait3A_864 = arith.constant 0 : i32
      %dma_wait3A_865 = arith.constant 0 : i32
      %dma_wait3A_866 = tpu.memref_slice %arg6[%dma_wait3A_863, %dma_wait3A_864, %dma_wait3A_865] : memref<2x128x128xf32, #tpu.memory_space<vmem>> -> memref<1x128x128xf32, #tpu.memory_space<vmem>>
      %dma_wait3A_867 = tpu.memref_squeeze %dma_wait3A_866 : memref<1x128x128xf32, #tpu.memory_space<vmem>> -> memref<128x128xf32, #tpu.memory_space<vmem>>
      %dma_wait3A_868 = arith.constant 0 : i32
      %dma_wait3A_869 = arith.constant 0 : i32
      %dma_wait3A_870 = tpu.memref_slice %arg2[%dma_wait3A_868, %dma_wait3A_869] : memref<100000x128xf32, #tpu.memory_space<hbm>> -> memref<128x128xf32, #tpu.memory_space<hbm>>
      %dma_wait3A_871 = arith.constant 0 : i32
      %dma_wait3A_872 = arith.constant 0 : i32
      %dma_wait3A_873 = tpu.memref_slice %arg6[%dma_wait3A_863, %dma_wait3A_871, %dma_wait3A_872] : memref<2x128x128xf32, #tpu.memory_space<vmem>> -> memref<1x128x128xf32, #tpu.memory_space<vmem>>
      %dma_wait3A_874 = tpu.memref_squeeze %dma_wait3A_873 : memref<1x128x128xf32, #tpu.memory_space<vmem>> -> memref<128x128xf32, #tpu.memory_space<vmem>>
      %dma_wait3A_875 = arith.constant 0 : i32
      %dma_wait3A_876 = arith.constant 0 : i32
      %dma_wait3A_877 = tpu.memref_slice %arg2[%dma_wait3A_875, %dma_wait3A_876] : memref<100000x128xf32, #tpu.memory_space<hbm>> -> memref<128x128xf32, #tpu.memory_space<hbm>>
      tpu.wait_dma2 semaphore(%arg9 : memref<!tpu.dma_semaphore, #tpu.memory_space<semaphore_mem>>) src(%dma_wait3A_877 : memref<128x128xf32, #tpu.memory_space<hbm>>) dst(%dma_wait3A_874 : memref<128x128xf32, #tpu.memory_space<vmem>>)
      %dma_wait3A_878 = arith.constant 1 : i32
      %dma_wait3A_879 = arith.constant 0 : i32
      %dma_wait3A_880 = arith.constant 0 : i32
      %dma_wait3A_881 = tpu.memref_slice %arg6[%dma_wait3A_878, %dma_wait3A_879, %dma_wait3A_880] : memref<2x128x128xf32, #tpu.memory_space<vmem>> -> memref<1x128x128xf32, #tpu.memory_space<vmem>>
      %dma_wait3A_882 = tpu.memref_squeeze %dma_wait3A_881 : memref<1x128x128xf32, #tpu.memory_space<vmem>> -> memref<128x128xf32, #tpu.memory_space<vmem>>
      %dma_wait3A_883 = arith.constant 0 : i32
      %dma_wait3A_884 = arith.constant 0 : i32
      %dma_wait3A_885 = tpu.memref_slice %arg2[%dma_wait3A_883, %dma_wait3A_884] : memref<100000x128xf32, #tpu.memory_space<hbm>> -> memref<128x128xf32, #tpu.memory_space<hbm>>
      %dma_wait3A_886 = arith.constant 0 : i32
      %dma_wait3A_887 = arith.constant 0 : i32
      %dma_wait3A_888 = tpu.memref_slice %arg6[%dma_wait3A_878, %dma_wait3A_886, %dma_wait3A_887] : memref<2x128x128xf32, #tpu.memory_space<vmem>> -> memref<1x128x128xf32, #tpu.memory_space<vmem>>
      %dma_wait3A_889 = tpu.memref_squeeze %dma_wait3A_888 : memref<1x128x128xf32, #tpu.memory_space<vmem>> -> memref<128x128xf32, #tpu.memory_space<vmem>>
      %dma_wait3A_890 = arith.constant 0 : i32
      %dma_wait3A_891 = arith.constant 0 : i32
      %dma_wait3A_892 = tpu.memref_slice %arg2[%dma_wait3A_890, %dma_wait3A_891] : memref<100000x128xf32, #tpu.memory_space<hbm>> -> memref<128x128xf32, #tpu.memory_space<hbm>>
      tpu.wait_dma2 semaphore(%arg9 : memref<!tpu.dma_semaphore, #tpu.memory_space<semaphore_mem>>) src(%dma_wait3A_892 : memref<128x128xf32, #tpu.memory_space<hbm>>) dst(%dma_wait3A_889 : memref<128x128xf32, #tpu.memory_space<vmem>>)
      %dma_wait3A_893 = arith.constant 1 : i32
      %dma_wait3A_894 = arith.constant 0 : i32
      %dma_wait3A_895 = arith.constant 0 : i32
      %dma_wait3A_896 = tpu.memref_slice %arg6[%dma_wait3A_893, %dma_wait3A_894, %dma_wait3A_895] : memref<2x128x128xf32, #tpu.memory_space<vmem>> -> memref<1x128x128xf32, #tpu.memory_space<vmem>>
      %dma_wait3A_897 = tpu.memref_squeeze %dma_wait3A_896 : memref<1x128x128xf32, #tpu.memory_space<vmem>> -> memref<128x128xf32, #tpu.memory_space<vmem>>
      %dma_wait3A_898 = arith.constant 0 : i32
      %dma_wait3A_899 = arith.constant 0 : i32
      %dma_wait3A_900 = tpu.memref_slice %arg2[%dma_wait3A_898, %dma_wait3A_899] : memref<100000x128xf32, #tpu.memory_space<hbm>> -> memref<128x128xf32, #tpu.memory_space<hbm>>
      %dma_wait3A_901 = arith.constant 0 : i32
      %dma_wait3A_902 = arith.constant 0 : i32
      %dma_wait3A_903 = tpu.memref_slice %arg6[%dma_wait3A_893, %dma_wait3A_901, %dma_wait3A_902] : memref<2x128x128xf32, #tpu.memory_space<vmem>> -> memref<1x128x128xf32, #tpu.memory_space<vmem>>
      %dma_wait3A_904 = tpu.memref_squeeze %dma_wait3A_903 : memref<1x128x128xf32, #tpu.memory_space<vmem>> -> memref<128x128xf32, #tpu.memory_space<vmem>>
      %dma_wait3A_905 = arith.constant 0 : i32
      %dma_wait3A_906 = arith.constant 0 : i32
      %dma_wait3A_907 = tpu.memref_slice %arg2[%dma_wait3A_905, %dma_wait3A_906] : memref<100000x128xf32, #tpu.memory_space<hbm>> -> memref<128x128xf32, #tpu.memory_space<hbm>>
      tpu.wait_dma2 semaphore(%arg9 : memref<!tpu.dma_semaphore, #tpu.memory_space<semaphore_mem>>) src(%dma_wait3A_907 : memref<128x128xf32, #tpu.memory_space<hbm>>) dst(%dma_wait3A_904 : memref<128x128xf32, #tpu.memory_space<vmem>>)
      %dma_wait3A_908 = arith.constant 1 : i32
      %dma_wait3A_909 = arith.constant 0 : i32
      %dma_wait3A_910 = arith.constant 0 : i32
      %dma_wait3A_911 = tpu.memref_slice %arg6[%dma_wait3A_908, %dma_wait3A_909, %dma_wait3A_910] : memref<2x128x128xf32, #tpu.memory_space<vmem>> -> memref<1x128x128xf32, #tpu.memory_space<vmem>>
      %dma_wait3A_912 = tpu.memref_squeeze %dma_wait3A_911 : memref<1x128x128xf32, #tpu.memory_space<vmem>> -> memref<128x128xf32, #tpu.memory_space<vmem>>
      %dma_wait3A_913 = arith.constant 0 : i32
      %dma_wait3A_914 = arith.constant 0 : i32
      %dma_wait3A_915 = tpu.memref_slice %arg2[%dma_wait3A_913, %dma_wait3A_914] : memref<100000x128xf32, #tpu.memory_space<hbm>> -> memref<128x128xf32, #tpu.memory_space<hbm>>
      %dma_wait3A_916 = arith.constant 0 : i32
      %dma_wait3A_917 = arith.constant 0 : i32
      %dma_wait3A_918 = tpu.memref_slice %arg6[%dma_wait3A_908, %dma_wait3A_916, %dma_wait3A_917] : memref<2x128x128xf32, #tpu.memory_space<vmem>> -> memref<1x128x128xf32, #tpu.memory_space<vmem>>
      %dma_wait3A_919 = tpu.memref_squeeze %dma_wait3A_918 : memref<1x128x128xf32, #tpu.memory_space<vmem>> -> memref<128x128xf32, #tpu.memory_space<vmem>>
      %dma_wait3A_920 = arith.constant 0 : i32
      %dma_wait3A_921 = arith.constant 0 : i32
      %dma_wait3A_922 = tpu.memref_slice %arg2[%dma_wait3A_920, %dma_wait3A_921] : memref<100000x128xf32, #tpu.memory_space<hbm>> -> memref<128x128xf32, #tpu.memory_space<hbm>>
      tpu.wait_dma2 semaphore(%arg9 : memref<!tpu.dma_semaphore, #tpu.memory_space<semaphore_mem>>) src(%dma_wait3A_922 : memref<128x128xf32, #tpu.memory_space<hbm>>) dst(%dma_wait3A_919 : memref<128x128xf32, #tpu.memory_space<vmem>>)
      %dma_wait3A_923 = arith.constant 1 : i32
      %dma_wait3A_924 = arith.constant 0 : i32
      %dma_wait3A_925 = arith.constant 0 : i32
      %dma_wait3A_926 = tpu.memref_slice %arg6[%dma_wait3A_923, %dma_wait3A_924, %dma_wait3A_925] : memref<2x128x128xf32, #tpu.memory_space<vmem>> -> memref<1x128x128xf32, #tpu.memory_space<vmem>>
      %dma_wait3A_927 = tpu.memref_squeeze %dma_wait3A_926 : memref<1x128x128xf32, #tpu.memory_space<vmem>> -> memref<128x128xf32, #tpu.memory_space<vmem>>
      %dma_wait3A_928 = arith.constant 0 : i32
      %dma_wait3A_929 = arith.constant 0 : i32
      %dma_wait3A_930 = tpu.memref_slice %arg2[%dma_wait3A_928, %dma_wait3A_929] : memref<100000x128xf32, #tpu.memory_space<hbm>> -> memref<128x128xf32, #tpu.memory_space<hbm>>
      %dma_wait3A_931 = arith.constant 0 : i32
      %dma_wait3A_932 = arith.constant 0 : i32
      %dma_wait3A_933 = tpu.memref_slice %arg6[%dma_wait3A_923, %dma_wait3A_931, %dma_wait3A_932] : memref<2x128x128xf32, #tpu.memory_space<vmem>> -> memref<1x128x128xf32, #tpu.memory_space<vmem>>
      %dma_wait3A_934 = tpu.memref_squeeze %dma_wait3A_933 : memref<1x128x128xf32, #tpu.memory_space<vmem>> -> memref<128x128xf32, #tpu.memory_space<vmem>>
      %dma_wait3A_935 = arith.constant 0 : i32
      %dma_wait3A_936 = arith.constant 0 : i32
      %dma_wait3A_937 = tpu.memref_slice %arg2[%dma_wait3A_935, %dma_wait3A_936] : memref<100000x128xf32, #tpu.memory_space<hbm>> -> memref<128x128xf32, #tpu.memory_space<hbm>>
      tpu.wait_dma2 semaphore(%arg9 : memref<!tpu.dma_semaphore, #tpu.memory_space<semaphore_mem>>) src(%dma_wait3A_937 : memref<128x128xf32, #tpu.memory_space<hbm>>) dst(%dma_wait3A_934 : memref<128x128xf32, #tpu.memory_space<vmem>>)
      %dma_wait3A_938 = arith.constant 1 : i32
      %dma_wait3A_939 = arith.constant 0 : i32
      %dma_wait3A_940 = arith.constant 0 : i32
      %dma_wait3A_941 = tpu.memref_slice %arg6[%dma_wait3A_938, %dma_wait3A_939, %dma_wait3A_940] : memref<2x128x128xf32, #tpu.memory_space<vmem>> -> memref<1x128x128xf32, #tpu.memory_space<vmem>>
      %dma_wait3A_942 = tpu.memref_squeeze %dma_wait3A_941 : memref<1x128x128xf32, #tpu.memory_space<vmem>> -> memref<128x128xf32, #tpu.memory_space<vmem>>
      %dma_wait3A_943 = arith.constant 0 : i32
      %dma_wait3A_944 = arith.constant 0 : i32
      %dma_wait3A_945 = tpu.memref_slice %arg2[%dma_wait3A_943, %dma_wait3A_944] : memref<100000x128xf32, #tpu.memory_space<hbm>> -> memref<128x128xf32, #tpu.memory_space<hbm>>
      %dma_wait3A_946 = arith.constant 0 : i32
      %dma_wait3A_947 = arith.constant 0 : i32
      %dma_wait3A_948 = tpu.memref_slice %arg6[%dma_wait3A_938, %dma_wait3A_946, %dma_wait3A_947] : memref<2x128x128xf32, #tpu.memory_space<vmem>> -> memref<1x128x128xf32, #tpu.memory_space<vmem>>
      %dma_wait3A_949 = tpu.memref_squeeze %dma_wait3A_948 : memref<1x128x128xf32, #tpu.memory_space<vmem>> -> memref<128x128xf32, #tpu.memory_space<vmem>>
      %dma_wait3A_950 = arith.constant 0 : i32
      %dma_wait3A_951 = arith.constant 0 : i32
      %dma_wait3A_952 = tpu.memref_slice %arg2[%dma_wait3A_950, %dma_wait3A_951] : memref<100000x128xf32, #tpu.memory_space<hbm>> -> memref<128x128xf32, #tpu.memory_space<hbm>>
      tpu.wait_dma2 semaphore(%arg9 : memref<!tpu.dma_semaphore, #tpu.memory_space<semaphore_mem>>) src(%dma_wait3A_952 : memref<128x128xf32, #tpu.memory_space<hbm>>) dst(%dma_wait3A_949 : memref<128x128xf32, #tpu.memory_space<vmem>>)
      %dma_wait3A_953 = arith.constant 1 : i32
      %dma_wait3A_954 = arith.constant 0 : i32
      %dma_wait3A_955 = arith.constant 0 : i32
      %dma_wait3A_956 = tpu.memref_slice %arg6[%dma_wait3A_953, %dma_wait3A_954, %dma_wait3A_955] : memref<2x128x128xf32, #tpu.memory_space<vmem>> -> memref<1x128x128xf32, #tpu.memory_space<vmem>>
      %dma_wait3A_957 = tpu.memref_squeeze %dma_wait3A_956 : memref<1x128x128xf32, #tpu.memory_space<vmem>> -> memref<128x128xf32, #tpu.memory_space<vmem>>
      %dma_wait3A_958 = arith.constant 0 : i32
      %dma_wait3A_959 = arith.constant 0 : i32
      %dma_wait3A_960 = tpu.memref_slice %arg2[%dma_wait3A_958, %dma_wait3A_959] : memref<100000x128xf32, #tpu.memory_space<hbm>> -> memref<128x128xf32, #tpu.memory_space<hbm>>
      %dma_wait3A_961 = arith.constant 0 : i32
      %dma_wait3A_962 = arith.constant 0 : i32
      %dma_wait3A_963 = tpu.memref_slice %arg6[%dma_wait3A_953, %dma_wait3A_961, %dma_wait3A_962] : memref<2x128x128xf32, #tpu.memory_space<vmem>> -> memref<1x128x128xf32, #tpu.memory_space<vmem>>
      %dma_wait3A_964 = tpu.memref_squeeze %dma_wait3A_963 : memref<1x128x128xf32, #tpu.memory_space<vmem>> -> memref<128x128xf32, #tpu.memory_space<vmem>>
      %dma_wait3A_965 = arith.constant 0 : i32
      %dma_wait3A_966 = arith.constant 0 : i32
      %dma_wait3A_967 = tpu.memref_slice %arg2[%dma_wait3A_965, %dma_wait3A_966] : memref<100000x128xf32, #tpu.memory_space<hbm>> -> memref<128x128xf32, #tpu.memory_space<hbm>>
      tpu.wait_dma2 semaphore(%arg9 : memref<!tpu.dma_semaphore, #tpu.memory_space<semaphore_mem>>) src(%dma_wait3A_967 : memref<128x128xf32, #tpu.memory_space<hbm>>) dst(%dma_wait3A_964 : memref<128x128xf32, #tpu.memory_space<vmem>>)
      %dma_wait3A_968 = arith.constant 1 : i32
      %dma_wait3A_969 = arith.constant 0 : i32
      %dma_wait3A_970 = arith.constant 0 : i32
      %dma_wait3A_971 = tpu.memref_slice %arg6[%dma_wait3A_968, %dma_wait3A_969, %dma_wait3A_970] : memref<2x128x128xf32, #tpu.memory_space<vmem>> -> memref<1x128x128xf32, #tpu.memory_space<vmem>>
      %dma_wait3A_972 = tpu.memref_squeeze %dma_wait3A_971 : memref<1x128x128xf32, #tpu.memory_space<vmem>> -> memref<128x128xf32, #tpu.memory_space<vmem>>
      %dma_wait3A_973 = arith.constant 0 : i32
      %dma_wait3A_974 = arith.constant 0 : i32
      %dma_wait3A_975 = tpu.memref_slice %arg2[%dma_wait3A_973, %dma_wait3A_974] : memref<100000x128xf32, #tpu.memory_space<hbm>> -> memref<128x128xf32, #tpu.memory_space<hbm>>
      %dma_wait3A_976 = arith.constant 0 : i32
      %dma_wait3A_977 = arith.constant 0 : i32
      %dma_wait3A_978 = tpu.memref_slice %arg6[%dma_wait3A_968, %dma_wait3A_976, %dma_wait3A_977] : memref<2x128x128xf32, #tpu.memory_space<vmem>> -> memref<1x128x128xf32, #tpu.memory_space<vmem>>
      %dma_wait3A_979 = tpu.memref_squeeze %dma_wait3A_978 : memref<1x128x128xf32, #tpu.memory_space<vmem>> -> memref<128x128xf32, #tpu.memory_space<vmem>>
      %dma_wait3A_980 = arith.constant 0 : i32
      %dma_wait3A_981 = arith.constant 0 : i32
      %dma_wait3A_982 = tpu.memref_slice %arg2[%dma_wait3A_980, %dma_wait3A_981] : memref<100000x128xf32, #tpu.memory_space<hbm>> -> memref<128x128xf32, #tpu.memory_space<hbm>>
      tpu.wait_dma2 semaphore(%arg9 : memref<!tpu.dma_semaphore, #tpu.memory_space<semaphore_mem>>) src(%dma_wait3A_982 : memref<128x128xf32, #tpu.memory_space<hbm>>) dst(%dma_wait3A_979 : memref<128x128xf32, #tpu.memory_space<vmem>>)
      %dma_wait3A_983 = arith.constant 1 : i32
      %dma_wait3A_984 = arith.constant 0 : i32
      %dma_wait3A_985 = arith.constant 0 : i32
      %dma_wait3A_986 = tpu.memref_slice %arg6[%dma_wait3A_983, %dma_wait3A_984, %dma_wait3A_985] : memref<2x128x128xf32, #tpu.memory_space<vmem>> -> memref<1x128x128xf32, #tpu.memory_space<vmem>>
      %dma_wait3A_987 = tpu.memref_squeeze %dma_wait3A_986 : memref<1x128x128xf32, #tpu.memory_space<vmem>> -> memref<128x128xf32, #tpu.memory_space<vmem>>
      %dma_wait3A_988 = arith.constant 0 : i32
      %dma_wait3A_989 = arith.constant 0 : i32
      %dma_wait3A_990 = tpu.memref_slice %arg2[%dma_wait3A_988, %dma_wait3A_989] : memref<100000x128xf32, #tpu.memory_space<hbm>> -> memref<128x128xf32, #tpu.memory_space<hbm>>
      %dma_wait3A_991 = arith.constant 0 : i32
      %dma_wait3A_992 = arith.constant 0 : i32
      %dma_wait3A_993 = tpu.memref_slice %arg6[%dma_wait3A_983, %dma_wait3A_991, %dma_wait3A_992] : memref<2x128x128xf32, #tpu.memory_space<vmem>> -> memref<1x128x128xf32, #tpu.memory_space<vmem>>
      %dma_wait3A_994 = tpu.memref_squeeze %dma_wait3A_993 : memref<1x128x128xf32, #tpu.memory_space<vmem>> -> memref<128x128xf32, #tpu.memory_space<vmem>>
      %dma_wait3A_995 = arith.constant 0 : i32
      %dma_wait3A_996 = arith.constant 0 : i32
      %dma_wait3A_997 = tpu.memref_slice %arg2[%dma_wait3A_995, %dma_wait3A_996] : memref<100000x128xf32, #tpu.memory_space<hbm>> -> memref<128x128xf32, #tpu.memory_space<hbm>>
      tpu.wait_dma2 semaphore(%arg9 : memref<!tpu.dma_semaphore, #tpu.memory_space<semaphore_mem>>) src(%dma_wait3A_997 : memref<128x128xf32, #tpu.memory_space<hbm>>) dst(%dma_wait3A_994 : memref<128x128xf32, #tpu.memory_space<vmem>>)
      %dma_wait3A_998 = arith.constant 1 : i32
      %dma_wait3A_999 = arith.constant 0 : i32
      %dma_wait3A_1000 = arith.constant 0 : i32
      %dma_wait3A_1001 = tpu.memref_slice %arg6[%dma_wait3A_998, %dma_wait3A_999, %dma_wait3A_1000] : memref<2x128x128xf32, #tpu.memory_space<vmem>> -> memref<1x128x128xf32, #tpu.memory_space<vmem>>
      %dma_wait3A_1002 = tpu.memref_squeeze %dma_wait3A_1001 : memref<1x128x128xf32, #tpu.memory_space<vmem>> -> memref<128x128xf32, #tpu.memory_space<vmem>>
      %dma_wait3A_1003 = arith.constant 0 : i32
      %dma_wait3A_1004 = arith.constant 0 : i32
      %dma_wait3A_1005 = tpu.memref_slice %arg2[%dma_wait3A_1003, %dma_wait3A_1004] : memref<100000x128xf32, #tpu.memory_space<hbm>> -> memref<128x128xf32, #tpu.memory_space<hbm>>
      %dma_wait3A_1006 = arith.constant 0 : i32
      %dma_wait3A_1007 = arith.constant 0 : i32
      %dma_wait3A_1008 = tpu.memref_slice %arg6[%dma_wait3A_998, %dma_wait3A_1006, %dma_wait3A_1007] : memref<2x128x128xf32, #tpu.memory_space<vmem>> -> memref<1x128x128xf32, #tpu.memory_space<vmem>>
      %dma_wait3A_1009 = tpu.memref_squeeze %dma_wait3A_1008 : memref<1x128x128xf32, #tpu.memory_space<vmem>> -> memref<128x128xf32, #tpu.memory_space<vmem>>
      %dma_wait3A_1010 = arith.constant 0 : i32
      %dma_wait3A_1011 = arith.constant 0 : i32
      %dma_wait3A_1012 = tpu.memref_slice %arg2[%dma_wait3A_1010, %dma_wait3A_1011] : memref<100000x128xf32, #tpu.memory_space<hbm>> -> memref<128x128xf32, #tpu.memory_space<hbm>>
      tpu.wait_dma2 semaphore(%arg9 : memref<!tpu.dma_semaphore, #tpu.memory_space<semaphore_mem>>) src(%dma_wait3A_1012 : memref<128x128xf32, #tpu.memory_space<hbm>>) dst(%dma_wait3A_1009 : memref<128x128xf32, #tpu.memory_space<vmem>>)
      %dma_wait3A_1013 = arith.constant 1 : i32
      %dma_wait3A_1014 = arith.constant 0 : i32
      %dma_wait3A_1015 = arith.constant 0 : i32
      %dma_wait3A_1016 = tpu.memref_slice %arg6[%dma_wait3A_1013, %dma_wait3A_1014, %dma_wait3A_1015] : memref<2x128x128xf32, #tpu.memory_space<vmem>> -> memref<1x128x128xf32, #tpu.memory_space<vmem>>
      %dma_wait3A_1017 = tpu.memref_squeeze %dma_wait3A_1016 : memref<1x128x128xf32, #tpu.memory_space<vmem>> -> memref<128x128xf32, #tpu.memory_space<vmem>>
      %dma_wait3A_1018 = arith.constant 0 : i32
      %dma_wait3A_1019 = arith.constant 0 : i32
      %dma_wait3A_1020 = tpu.memref_slice %arg2[%dma_wait3A_1018, %dma_wait3A_1019] : memref<100000x128xf32, #tpu.memory_space<hbm>> -> memref<128x128xf32, #tpu.memory_space<hbm>>
      %dma_wait3A_1021 = arith.constant 0 : i32
      %dma_wait3A_1022 = arith.constant 0 : i32
      %dma_wait3A_1023 = tpu.memref_slice %arg6[%dma_wait3A_1013, %dma_wait3A_1021, %dma_wait3A_1022] : memref<2x128x128xf32, #tpu.memory_space<vmem>> -> memref<1x128x128xf32, #tpu.memory_space<vmem>>
      %dma_wait3A_1024 = tpu.memref_squeeze %dma_wait3A_1023 : memref<1x128x128xf32, #tpu.memory_space<vmem>> -> memref<128x128xf32, #tpu.memory_space<vmem>>
      %dma_wait3A_1025 = arith.constant 0 : i32
      %dma_wait3A_1026 = arith.constant 0 : i32
      %dma_wait3A_1027 = tpu.memref_slice %arg2[%dma_wait3A_1025, %dma_wait3A_1026] : memref<100000x128xf32, #tpu.memory_space<hbm>> -> memref<128x128xf32, #tpu.memory_space<hbm>>
      tpu.wait_dma2 semaphore(%arg9 : memref<!tpu.dma_semaphore, #tpu.memory_space<semaphore_mem>>) src(%dma_wait3A_1027 : memref<128x128xf32, #tpu.memory_space<hbm>>) dst(%dma_wait3A_1024 : memref<128x128xf32, #tpu.memory_space<vmem>>)
      %add3A_1028 = arith.constant 1 : i32
      %add3A_1029 = arith.addi %mul3A_407, %add3A_1028 : i32
      %mul3A_1030 = arith.constant 13 : i32
      %mul3A_1031 = arith.muli %add3A, %mul3A_1030 : i32
      %add3A_1032 = arith.addi %mul3A_1031, %add3A_1029 : i32
      %mul3A_1033 = arith.constant 128 : i32
      %mul3A_1034 = arith.muli %add3A_1032, %mul3A_1033 : i32
      %min3A_1035 = arith.constant 49872 : i32
      %min3A_1036 = arith.minsi %mul3A_1034, %min3A_1035 : i32
      %sub3A_1037 = arith.subi %min3A_1036, %min3A_4 : i32
      %ge3A_1038 = arith.constant 2 : i32
      %ge3A_1039 = arith.cmpi sge, %add3A_1029, %ge3A_1038 : i32
      %convert_element_type3A_1040 = arith.extui %ge3A_1039 : i1 to i32
      %cond3A_1041 = arith.constant 0 : i32
      %cond3A_1042 = arith.cmpi ne, %convert_element_type3A_1040, %cond3A_1041 : i32
      scf.if %cond3A_1042 {
        %dma_wait3A_1061 = arith.constant 1 : i32
        %dma_wait3A_1062 = arith.constant 0 : i32
        %dma_wait3A_1063 = arith.constant 0 : i32
        %dma_wait3A_1064 = tpu.memref_slice %arg7[%dma_wait3A_1061, %dma_wait3A_1062, %dma_wait3A_1063] : memref<2x128x128xf32, #tpu.memory_space<vmem>> -> memref<1x128x128xf32, #tpu.memory_space<vmem>>
        %dma_wait3A_1065 = tpu.memref_squeeze %dma_wait3A_1064 : memref<1x128x128xf32, #tpu.memory_space<vmem>> -> memref<128x128xf32, #tpu.memory_space<vmem>>
        %dma_wait3A_1066 = arith.constant 0 : i32
        %dma_wait3A_1067 = arith.constant 0 : i32
        %dma_wait3A_1068 = tpu.memref_slice %arg4[%dma_wait3A_1066, %dma_wait3A_1067] : memref<50000x128xf32, #tpu.memory_space<hbm>> -> memref<128x128xf32, #tpu.memory_space<hbm>>
        %dma_wait3A_1069 = arith.constant 0 : i32
        %dma_wait3A_1070 = arith.constant 0 : i32
        %dma_wait3A_1071 = tpu.memref_slice %arg4[%dma_wait3A_1069, %dma_wait3A_1070] : memref<50000x128xf32, #tpu.memory_space<hbm>> -> memref<128x128xf32, #tpu.memory_space<hbm>>
        %dma_wait3A_1072 = arith.constant 0 : i32
        %dma_wait3A_1073 = arith.constant 0 : i32
        %dma_wait3A_1074 = tpu.memref_slice %arg7[%dma_wait3A_1061, %dma_wait3A_1072, %dma_wait3A_1073] : memref<2x128x128xf32, #tpu.memory_space<vmem>> -> memref<1x128x128xf32, #tpu.memory_space<vmem>>
        %dma_wait3A_1075 = tpu.memref_squeeze %dma_wait3A_1074 : memref<1x128x128xf32, #tpu.memory_space<vmem>> -> memref<128x128xf32, #tpu.memory_space<vmem>>
        tpu.wait_dma2 semaphore(%arg11 : memref<!tpu.dma_semaphore, #tpu.memory_space<semaphore_mem>>) src(%dma_wait3A_1075 : memref<128x128xf32, #tpu.memory_space<vmem>>) dst(%dma_wait3A_1071 : memref<128x128xf32, #tpu.memory_space<hbm>>)
      } else {
      }
      %scan3A_1043 = arith.constant 0 : i32
      %scan3A_1044 = arith.constant 128 : i32
      %scan3A_1045 = arith.addi %scan3A_1043, %scan3A_1044 : i32
      %scan3A_1046 = arith.constant 1 : i32
      scf.for %scan3A_1061 = %scan3A_1043 to %scan3A_1045 step %scan3A_1046  : i32 {
        %get3A = arith.constant 1 : i32
        %get3A_1062 = arith.index_cast %get3A : i32 to index
        %get3A_1063 = arith.index_cast %scan3A_1061 : i32 to index
        %get3A_1064 = arith.constant 0 : index
        %get3A_1065 = tpu.vector_load %arg6[%get3A_1062, %get3A_1063, %get3A_1064] {strides = array<i32>} : memref<2x128x128xf32, #tpu.memory_space<vmem>>, vector<1x1x16xf32>,
        %get3A_1066 = vector.shape_cast %get3A_1065 : vector<1x1x16xf32> to vector<16xf32>
        %mul3A_1067 = arith.constant 0.0909090936 : f32
        %mul3A_1068 = vector.broadcast %mul3A_1067 : f32 to vector<16xf32>
        %mul3A_1069 = arith.mulf %get3A_1066, %mul3A_1068 : vector<16xf32>
        %swap3A = arith.constant 1 : i32
        %swap3A_1070 = arith.index_cast %swap3A : i32 to index
        %swap3A_1071 = arith.index_cast %scan3A_1061 : i32 to index
        %swap3A_1072 = arith.constant 0 : index
        %swap3A_1073 = tpu.vector_load %arg7[%swap3A_1070, %swap3A_1071, %swap3A_1072] {strides = array<i32>} : memref<2x128x128xf32, #tpu.memory_space<vmem>>, vector<1x1x16xf32>,
        %swap3A_1074 = vector.shape_cast %swap3A_1073 : vector<1x1x16xf32> to vector<16xf32>
        %swap3A_1075 = vector.shape_cast %mul3A_1069 : vector<16xf32> to vector<1x1x16xf32>
        tpu.vector_store %arg7[%swap3A_1070, %swap3A_1071, %swap3A_1072], %swap3A_1075 {strides = array<i32>} : memref<2x128x128xf32, #tpu.memory_space<vmem>>, vector<1x1x16xf32>,
        %swap3A_1076 = arith.constant 1 : i32
        %swap3A_1077 = arith.index_cast %swap3A_1076 : i32 to index
        %swap3A_1078 = arith.index_cast %scan3A_1061 : i32 to index
        %swap3A_1079 = arith.constant 0 : index
        %swap3A_1080 = tpu.vector_load %arg6[%swap3A_1077, %swap3A_1078, %swap3A_1079] {strides = array<i32>} : memref<2x128x128xf32, #tpu.memory_space<vmem>>, vector<1x1x16xf32>,
        %swap3A_1081 = vector.shape_cast %swap3A_1080 : vector<1x1x16xf32> to vector<16xf32>
        %swap3A_1082 = vector.shape_cast %broadcast_in_dim3A_1 : vector<16xf32> to vector<1x1x16xf32>
        tpu.vector_store %arg6[%swap3A_1077, %swap3A_1078, %swap3A_1079], %swap3A_1082 {strides = array<i32>} : memref<2x128x128xf32, #tpu.memory_space<vmem>>, vector<1x1x16xf32>,
        %get3A_1083 = arith.constant 1 : i32
        %get3A_1084 = arith.index_cast %get3A_1083 : i32 to index
        %get3A_1085 = arith.index_cast %scan3A_1061 : i32 to index
        %get3A_1086 = arith.constant 16 : index
        %get3A_1087 = tpu.vector_load %arg6[%get3A_1084, %get3A_1085, %get3A_1086] {strides = array<i32>} : memref<2x128x128xf32, #tpu.memory_space<vmem>>, vector<1x1x16xf32>,
        %get3A_1088 = vector.shape_cast %get3A_1087 : vector<1x1x16xf32> to vector<16xf32>
        %mul3A_1089 = arith.constant 0.0909090936 : f32
        %mul3A_1090 = vector.broadcast %mul3A_1089 : f32 to vector<16xf32>
        %mul3A_1091 = arith.mulf %get3A_1088, %mul3A_1090 : vector<16xf32>
        %swap3A_1092 = arith.constant 1 : i32
        %swap3A_1093 = arith.index_cast %swap3A_1092 : i32 to index
        %swap3A_1094 = arith.index_cast %scan3A_1061 : i32 to index
        %swap3A_1095 = arith.constant 16 : index
        %swap3A_1096 = tpu.vector_load %arg7[%swap3A_1093, %swap3A_1094, %swap3A_1095] {strides = array<i32>} : memref<2x128x128xf32, #tpu.memory_space<vmem>>, vector<1x1x16xf32>,
        %swap3A_1097 = vector.shape_cast %swap3A_1096 : vector<1x1x16xf32> to vector<16xf32>
        %swap3A_1098 = vector.shape_cast %mul3A_1091 : vector<16xf32> to vector<1x1x16xf32>
        tpu.vector_store %arg7[%swap3A_1093, %swap3A_1094, %swap3A_1095], %swap3A_1098 {strides = array<i32>} : memref<2x128x128xf32, #tpu.memory_space<vmem>>, vector<1x1x16xf32>,
        %swap3A_1099 = arith.constant 1 : i32
        %swap3A_1100 = arith.index_cast %swap3A_1099 : i32 to index
        %swap3A_1101 = arith.index_cast %scan3A_1061 : i32 to index
        %swap3A_1102 = arith.constant 16 : index
        %swap3A_1103 = tpu.vector_load %arg6[%swap3A_1100, %swap3A_1101, %swap3A_1102] {strides = array<i32>} : memref<2x128x128xf32, #tpu.memory_space<vmem>>, vector<1x1x16xf32>,
        %swap3A_1104 = vector.shape_cast %swap3A_1103 : vector<1x1x16xf32> to vector<16xf32>
        %swap3A_1105 = vector.shape_cast %broadcast_in_dim3A_1 : vector<16xf32> to vector<1x1x16xf32>
        tpu.vector_store %arg6[%swap3A_1100, %swap3A_1101, %swap3A_1102], %swap3A_1105 {strides = array<i32>} : memref<2x128x128xf32, #tpu.memory_space<vmem>>, vector<1x1x16xf32>,
        %get3A_1106 = arith.constant 1 : i32
        %get3A_1107 = arith.index_cast %get3A_1106 : i32 to index
        %get3A_1108 = arith.index_cast %scan3A_1061 : i32 to index
        %get3A_1109 = arith.constant 32 : index
        %get3A_1110 = tpu.vector_load %arg6[%get3A_1107, %get3A_1108, %get3A_1109] {strides = array<i32>} : memref<2x128x128xf32, #tpu.memory_space<vmem>>, vector<1x1x16xf32>,
        %get3A_1111 = vector.shape_cast %get3A_1110 : vector<1x1x16xf32> to vector<16xf32>
        %mul3A_1112 = arith.constant 0.0909090936 : f32
        %mul3A_1113 = vector.broadcast %mul3A_1112 : f32 to vector<16xf32>
        %mul3A_1114 = arith.mulf %get3A_1111, %mul3A_1113 : vector<16xf32>
        %swap3A_1115 = arith.constant 1 : i32
        %swap3A_1116 = arith.index_cast %swap3A_1115 : i32 to index
        %swap3A_1117 = arith.index_cast %scan3A_1061 : i32 to index
        %swap3A_1118 = arith.constant 32 : index
        %swap3A_1119 = tpu.vector_load %arg7[%swap3A_1116, %swap3A_1117, %swap3A_1118] {strides = array<i32>} : memref<2x128x128xf32, #tpu.memory_space<vmem>>, vector<1x1x16xf32>,
        %swap3A_1120 = vector.shape_cast %swap3A_1119 : vector<1x1x16xf32> to vector<16xf32>
        %swap3A_1121 = vector.shape_cast %mul3A_1114 : vector<16xf32> to vector<1x1x16xf32>
        tpu.vector_store %arg7[%swap3A_1116, %swap3A_1117, %swap3A_1118], %swap3A_1121 {strides = array<i32>} : memref<2x128x128xf32, #tpu.memory_space<vmem>>, vector<1x1x16xf32>,
        %swap3A_1122 = arith.constant 1 : i32
        %swap3A_1123 = arith.index_cast %swap3A_1122 : i32 to index
        %swap3A_1124 = arith.index_cast %scan3A_1061 : i32 to index
        %swap3A_1125 = arith.constant 32 : index
        %swap3A_1126 = tpu.vector_load %arg6[%swap3A_1123, %swap3A_1124, %swap3A_1125] {strides = array<i32>} : memref<2x128x128xf32, #tpu.memory_space<vmem>>, vector<1x1x16xf32>,
        %swap3A_1127 = vector.shape_cast %swap3A_1126 : vector<1x1x16xf32> to vector<16xf32>
        %swap3A_1128 = vector.shape_cast %broadcast_in_dim3A_1 : vector<16xf32> to vector<1x1x16xf32>
        tpu.vector_store %arg6[%swap3A_1123, %swap3A_1124, %swap3A_1125], %swap3A_1128 {strides = array<i32>} : memref<2x128x128xf32, #tpu.memory_space<vmem>>, vector<1x1x16xf32>,
        %get3A_1129 = arith.constant 1 : i32
        %get3A_1130 = arith.index_cast %get3A_1129 : i32 to index
        %get3A_1131 = arith.index_cast %scan3A_1061 : i32 to index
        %get3A_1132 = arith.constant 48 : index
        %get3A_1133 = tpu.vector_load %arg6[%get3A_1130, %get3A_1131, %get3A_1132] {strides = array<i32>} : memref<2x128x128xf32, #tpu.memory_space<vmem>>, vector<1x1x16xf32>,
        %get3A_1134 = vector.shape_cast %get3A_1133 : vector<1x1x16xf32> to vector<16xf32>
        %mul3A_1135 = arith.constant 0.0909090936 : f32
        %mul3A_1136 = vector.broadcast %mul3A_1135 : f32 to vector<16xf32>
        %mul3A_1137 = arith.mulf %get3A_1134, %mul3A_1136 : vector<16xf32>
        %swap3A_1138 = arith.constant 1 : i32
        %swap3A_1139 = arith.index_cast %swap3A_1138 : i32 to index
        %swap3A_1140 = arith.index_cast %scan3A_1061 : i32 to index
        %swap3A_1141 = arith.constant 48 : index
        %swap3A_1142 = tpu.vector_load %arg7[%swap3A_1139, %swap3A_1140, %swap3A_1141] {strides = array<i32>} : memref<2x128x128xf32, #tpu.memory_space<vmem>>, vector<1x1x16xf32>,
        %swap3A_1143 = vector.shape_cast %swap3A_1142 : vector<1x1x16xf32> to vector<16xf32>
        %swap3A_1144 = vector.shape_cast %mul3A_1137 : vector<16xf32> to vector<1x1x16xf32>
        tpu.vector_store %arg7[%swap3A_1139, %swap3A_1140, %swap3A_1141], %swap3A_1144 {strides = array<i32>} : memref<2x128x128xf32, #tpu.memory_space<vmem>>, vector<1x1x16xf32>,
        %swap3A_1145 = arith.constant 1 : i32
        %swap3A_1146 = arith.index_cast %swap3A_1145 : i32 to index
        %swap3A_1147 = arith.index_cast %scan3A_1061 : i32 to index
        %swap3A_1148 = arith.constant 48 : index
        %swap3A_1149 = tpu.vector_load %arg6[%swap3A_1146, %swap3A_1147, %swap3A_1148] {strides = array<i32>} : memref<2x128x128xf32, #tpu.memory_space<vmem>>, vector<1x1x16xf32>,
        %swap3A_1150 = vector.shape_cast %swap3A_1149 : vector<1x1x16xf32> to vector<16xf32>
        %swap3A_1151 = vector.shape_cast %broadcast_in_dim3A_1 : vector<16xf32> to vector<1x1x16xf32>
        tpu.vector_store %arg6[%swap3A_1146, %swap3A_1147, %swap3A_1148], %swap3A_1151 {strides = array<i32>} : memref<2x128x128xf32, #tpu.memory_space<vmem>>, vector<1x1x16xf32>,
        %get3A_1152 = arith.constant 1 : i32
        %get3A_1153 = arith.index_cast %get3A_1152 : i32 to index
        %get3A_1154 = arith.index_cast %scan3A_1061 : i32 to index
        %get3A_1155 = arith.constant 64 : index
        %get3A_1156 = tpu.vector_load %arg6[%get3A_1153, %get3A_1154, %get3A_1155] {strides = array<i32>} : memref<2x128x128xf32, #tpu.memory_space<vmem>>, vector<1x1x16xf32>,
        %get3A_1157 = vector.shape_cast %get3A_1156 : vector<1x1x16xf32> to vector<16xf32>
        %mul3A_1158 = arith.constant 0.0909090936 : f32
        %mul3A_1159 = vector.broadcast %mul3A_1158 : f32 to vector<16xf32>
        %mul3A_1160 = arith.mulf %get3A_1157, %mul3A_1159 : vector<16xf32>
        %swap3A_1161 = arith.constant 1 : i32
        %swap3A_1162 = arith.index_cast %swap3A_1161 : i32 to index
        %swap3A_1163 = arith.index_cast %scan3A_1061 : i32 to index
        %swap3A_1164 = arith.constant 64 : index
        %swap3A_1165 = tpu.vector_load %arg7[%swap3A_1162, %swap3A_1163, %swap3A_1164] {strides = array<i32>} : memref<2x128x128xf32, #tpu.memory_space<vmem>>, vector<1x1x16xf32>,
        %swap3A_1166 = vector.shape_cast %swap3A_1165 : vector<1x1x16xf32> to vector<16xf32>
        %swap3A_1167 = vector.shape_cast %mul3A_1160 : vector<16xf32> to vector<1x1x16xf32>
        tpu.vector_store %arg7[%swap3A_1162, %swap3A_1163, %swap3A_1164], %swap3A_1167 {strides = array<i32>} : memref<2x128x128xf32, #tpu.memory_space<vmem>>, vector<1x1x16xf32>,
        %swap3A_1168 = arith.constant 1 : i32
        %swap3A_1169 = arith.index_cast %swap3A_1168 : i32 to index
        %swap3A_1170 = arith.index_cast %scan3A_1061 : i32 to index
        %swap3A_1171 = arith.constant 64 : index
        %swap3A_1172 = tpu.vector_load %arg6[%swap3A_1169, %swap3A_1170, %swap3A_1171] {strides = array<i32>} : memref<2x128x128xf32, #tpu.memory_space<vmem>>, vector<1x1x16xf32>,
        %swap3A_1173 = vector.shape_cast %swap3A_1172 : vector<1x1x16xf32> to vector<16xf32>
        %swap3A_1174 = vector.shape_cast %broadcast_in_dim3A_1 : vector<16xf32> to vector<1x1x16xf32>
        tpu.vector_store %arg6[%swap3A_1169, %swap3A_1170, %swap3A_1171], %swap3A_1174 {strides = array<i32>} : memref<2x128x128xf32, #tpu.memory_space<vmem>>, vector<1x1x16xf32>,
        %get3A_1175 = arith.constant 1 : i32
        %get3A_1176 = arith.index_cast %get3A_1175 : i32 to index
        %get3A_1177 = arith.index_cast %scan3A_1061 : i32 to index
        %get3A_1178 = arith.constant 80 : index
        %get3A_1179 = tpu.vector_load %arg6[%get3A_1176, %get3A_1177, %get3A_1178] {strides = array<i32>} : memref<2x128x128xf32, #tpu.memory_space<vmem>>, vector<1x1x16xf32>,
        %get3A_1180 = vector.shape_cast %get3A_1179 : vector<1x1x16xf32> to vector<16xf32>
        %mul3A_1181 = arith.constant 0.0909090936 : f32
        %mul3A_1182 = vector.broadcast %mul3A_1181 : f32 to vector<16xf32>
        %mul3A_1183 = arith.mulf %get3A_1180, %mul3A_1182 : vector<16xf32>
        %swap3A_1184 = arith.constant 1 : i32
        %swap3A_1185 = arith.index_cast %swap3A_1184 : i32 to index
        %swap3A_1186 = arith.index_cast %scan3A_1061 : i32 to index
        %swap3A_1187 = arith.constant 80 : index
        %swap3A_1188 = tpu.vector_load %arg7[%swap3A_1185, %swap3A_1186, %swap3A_1187] {strides = array<i32>} : memref<2x128x128xf32, #tpu.memory_space<vmem>>, vector<1x1x16xf32>,
        %swap3A_1189 = vector.shape_cast %swap3A_1188 : vector<1x1x16xf32> to vector<16xf32>
        %swap3A_1190 = vector.shape_cast %mul3A_1183 : vector<16xf32> to vector<1x1x16xf32>
        tpu.vector_store %arg7[%swap3A_1185, %swap3A_1186, %swap3A_1187], %swap3A_1190 {strides = array<i32>} : memref<2x128x128xf32, #tpu.memory_space<vmem>>, vector<1x1x16xf32>,
        %swap3A_1191 = arith.constant 1 : i32
        %swap3A_1192 = arith.index_cast %swap3A_1191 : i32 to index
        %swap3A_1193 = arith.index_cast %scan3A_1061 : i32 to index
        %swap3A_1194 = arith.constant 80 : index
        %swap3A_1195 = tpu.vector_load %arg6[%swap3A_1192, %swap3A_1193, %swap3A_1194] {strides = array<i32>} : memref<2x128x128xf32, #tpu.memory_space<vmem>>, vector<1x1x16xf32>,
        %swap3A_1196 = vector.shape_cast %swap3A_1195 : vector<1x1x16xf32> to vector<16xf32>
        %swap3A_1197 = vector.shape_cast %broadcast_in_dim3A_1 : vector<16xf32> to vector<1x1x16xf32>
        tpu.vector_store %arg6[%swap3A_1192, %swap3A_1193, %swap3A_1194], %swap3A_1197 {strides = array<i32>} : memref<2x128x128xf32, #tpu.memory_space<vmem>>, vector<1x1x16xf32>,
        %get3A_1198 = arith.constant 1 : i32
        %get3A_1199 = arith.index_cast %get3A_1198 : i32 to index
        %get3A_1200 = arith.index_cast %scan3A_1061 : i32 to index
        %get3A_1201 = arith.constant 96 : index
        %get3A_1202 = tpu.vector_load %arg6[%get3A_1199, %get3A_1200, %get3A_1201] {strides = array<i32>} : memref<2x128x128xf32, #tpu.memory_space<vmem>>, vector<1x1x16xf32>,
        %get3A_1203 = vector.shape_cast %get3A_1202 : vector<1x1x16xf32> to vector<16xf32>
        %mul3A_1204 = arith.constant 0.0909090936 : f32
        %mul3A_1205 = vector.broadcast %mul3A_1204 : f32 to vector<16xf32>
        %mul3A_1206 = arith.mulf %get3A_1203, %mul3A_1205 : vector<16xf32>
        %swap3A_1207 = arith.constant 1 : i32
        %swap3A_1208 = arith.index_cast %swap3A_1207 : i32 to index
        %swap3A_1209 = arith.index_cast %scan3A_1061 : i32 to index
        %swap3A_1210 = arith.constant 96 : index
        %swap3A_1211 = tpu.vector_load %arg7[%swap3A_1208, %swap3A_1209, %swap3A_1210] {strides = array<i32>} : memref<2x128x128xf32, #tpu.memory_space<vmem>>, vector<1x1x16xf32>,
        %swap3A_1212 = vector.shape_cast %swap3A_1211 : vector<1x1x16xf32> to vector<16xf32>
        %swap3A_1213 = vector.shape_cast %mul3A_1206 : vector<16xf32> to vector<1x1x16xf32>
        tpu.vector_store %arg7[%swap3A_1208, %swap3A_1209, %swap3A_1210], %swap3A_1213 {strides = array<i32>} : memref<2x128x128xf32, #tpu.memory_space<vmem>>, vector<1x1x16xf32>,
        %swap3A_1214 = arith.constant 1 : i32
        %swap3A_1215 = arith.index_cast %swap3A_1214 : i32 to index
        %swap3A_1216 = arith.index_cast %scan3A_1061 : i32 to index
        %swap3A_1217 = arith.constant 96 : index
        %swap3A_1218 = tpu.vector_load %arg6[%swap3A_1215, %swap3A_1216, %swap3A_1217] {strides = array<i32>} : memref<2x128x128xf32, #tpu.memory_space<vmem>>, vector<1x1x16xf32>,
        %swap3A_1219 = vector.shape_cast %swap3A_1218 : vector<1x1x16xf32> to vector<16xf32>
        %swap3A_1220 = vector.shape_cast %broadcast_in_dim3A_1 : vector<16xf32> to vector<1x1x16xf32>
        tpu.vector_store %arg6[%swap3A_1215, %swap3A_1216, %swap3A_1217], %swap3A_1220 {strides = array<i32>} : memref<2x128x128xf32, #tpu.memory_space<vmem>>, vector<1x1x16xf32>,
        %get3A_1221 = arith.constant 1 : i32
        %get3A_1222 = arith.index_cast %get3A_1221 : i32 to index
        %get3A_1223 = arith.index_cast %scan3A_1061 : i32 to index
        %get3A_1224 = arith.constant 112 : index
        %get3A_1225 = tpu.vector_load %arg6[%get3A_1222, %get3A_1223, %get3A_1224] {strides = array<i32>} : memref<2x128x128xf32, #tpu.memory_space<vmem>>, vector<1x1x16xf32>,
        %get3A_1226 = vector.shape_cast %get3A_1225 : vector<1x1x16xf32> to vector<16xf32>
        %mul3A_1227 = arith.constant 0.0909090936 : f32
        %mul3A_1228 = vector.broadcast %mul3A_1227 : f32 to vector<16xf32>
        %mul3A_1229 = arith.mulf %get3A_1226, %mul3A_1228 : vector<16xf32>
        %swap3A_1230 = arith.constant 1 : i32
        %swap3A_1231 = arith.index_cast %swap3A_1230 : i32 to index
        %swap3A_1232 = arith.index_cast %scan3A_1061 : i32 to index
        %swap3A_1233 = arith.constant 112 : index
        %swap3A_1234 = tpu.vector_load %arg7[%swap3A_1231, %swap3A_1232, %swap3A_1233] {strides = array<i32>} : memref<2x128x128xf32, #tpu.memory_space<vmem>>, vector<1x1x16xf32>,
        %swap3A_1235 = vector.shape_cast %swap3A_1234 : vector<1x1x16xf32> to vector<16xf32>
        %swap3A_1236 = vector.shape_cast %mul3A_1229 : vector<16xf32> to vector<1x1x16xf32>
        tpu.vector_store %arg7[%swap3A_1231, %swap3A_1232, %swap3A_1233], %swap3A_1236 {strides = array<i32>} : memref<2x128x128xf32, #tpu.memory_space<vmem>>, vector<1x1x16xf32>,
        %swap3A_1237 = arith.constant 1 : i32
        %swap3A_1238 = arith.index_cast %swap3A_1237 : i32 to index
        %swap3A_1239 = arith.index_cast %scan3A_1061 : i32 to index
        %swap3A_1240 = arith.constant 112 : index
        %swap3A_1241 = tpu.vector_load %arg6[%swap3A_1238, %swap3A_1239, %swap3A_1240] {strides = array<i32>} : memref<2x128x128xf32, #tpu.memory_space<vmem>>, vector<1x1x16xf32>,
        %swap3A_1242 = vector.shape_cast %swap3A_1241 : vector<1x1x16xf32> to vector<16xf32>
        %swap3A_1243 = vector.shape_cast %broadcast_in_dim3A_1 : vector<16xf32> to vector<1x1x16xf32>
        tpu.vector_store %arg6[%swap3A_1238, %swap3A_1239, %swap3A_1240], %swap3A_1243 {strides = array<i32>} : memref<2x128x128xf32, #tpu.memory_space<vmem>>, vector<1x1x16xf32>,
      }
      %scan3A_1047 = arith.constant 128 : i32
      %dma_start3A_1048 = arith.constant 1 : i32
      %dma_start3A_1049 = arith.constant 0 : i32
      %dma_start3A_1050 = arith.constant 0 : i32
      %dma_start3A_1051 = tpu.memref_slice %arg7[%dma_start3A_1048, %dma_start3A_1049, %dma_start3A_1050] : memref<2x128x128xf32, #tpu.memory_space<vmem>> -> memref<1x128x128xf32, #tpu.memory_space<vmem>>
      %dma_start3A_1052 = tpu.memref_squeeze %dma_start3A_1051 : memref<1x128x128xf32, #tpu.memory_space<vmem>> -> memref<128x128xf32, #tpu.memory_space<vmem>>
      %dma_start3A_1053 = arith.constant 0 : i32
      %dma_start3A_1054 = tpu.memref_slice %arg4[%min3A_1036, %dma_start3A_1053] : memref<50000x128xf32, #tpu.memory_space<hbm>> -> memref<128x128xf32, #tpu.memory_space<hbm>>
      %dma_start3A_1055 = arith.constant 0 : i32
      %dma_start3A_1056 = tpu.memref_slice %arg4[%min3A_1036, %dma_start3A_1055] : memref<50000x128xf32, #tpu.memory_space<hbm>> -> memref<128x128xf32, #tpu.memory_space<hbm>>
      %dma_start3A_1057 = arith.constant 0 : i32
      %dma_start3A_1058 = arith.constant 0 : i32
      %dma_start3A_1059 = tpu.memref_slice %arg7[%dma_start3A_1048, %dma_start3A_1057, %dma_start3A_1058] : memref<2x128x128xf32, #tpu.memory_space<vmem>> -> memref<1x128x128xf32, #tpu.memory_space<vmem>>
      %dma_start3A_1060 = tpu.memref_squeeze %dma_start3A_1059 : memref<1x128x128xf32, #tpu.memory_space<vmem>> -> memref<128x128xf32, #tpu.memory_space<vmem>>
      tpu.enqueue_dma source(%dma_start3A_1060 : memref<128x128xf32, #tpu.memory_space<vmem>>) target(%dma_start3A_1056 : memref<128x128xf32, #tpu.memory_space<hbm>>) target_semaphore(%arg11 : memref<!tpu.dma_semaphore, #tpu.memory_space<semaphore_mem>>)
    }
    %scan3A_168 = arith.constant 6 : i32
    %dma_wait3A = arith.constant 0 : i32
    %dma_wait3A_169 = arith.constant 0 : i32
    %dma_wait3A_170 = arith.constant 0 : i32
    %dma_wait3A_171 = tpu.memref_slice %arg6[%dma_wait3A, %dma_wait3A_169, %dma_wait3A_170] : memref<2x128x128xf32, #tpu.memory_space<vmem>> -> memref<1x128x128xf32, #tpu.memory_space<vmem>>
    %dma_wait3A_172 = tpu.memref_squeeze %dma_wait3A_171 : memref<1x128x128xf32, #tpu.memory_space<vmem>> -> memref<128x128xf32, #tpu.memory_space<vmem>>
    %dma_wait3A_173 = arith.constant 0 : i32
    %dma_wait3A_174 = arith.constant 0 : i32
    %dma_wait3A_175 = tpu.memref_slice %arg2[%dma_wait3A_173, %dma_wait3A_174] : memref<100000x128xf32, #tpu.memory_space<hbm>> -> memref<128x128xf32, #tpu.memory_space<hbm>>
    %dma_wait3A_176 = arith.constant 0 : i32
    %dma_wait3A_177 = arith.constant 0 : i32
    %dma_wait3A_178 = tpu.memref_slice %arg6[%dma_wait3A, %dma_wait3A_176, %dma_wait3A_177] : memref<2x128x128xf32, #tpu.memory_space<vmem>> -> memref<1x128x128xf32, #tpu.memory_space<vmem>>
    %dma_wait3A_179 = tpu.memref_squeeze %dma_wait3A_178 : memref<1x128x128xf32, #tpu.memory_space<vmem>> -> memref<128x128xf32, #tpu.memory_space<vmem>>
    %dma_wait3A_180 = arith.constant 0 : i32
    %dma_wait3A_181 = arith.constant 0 : i32
    %dma_wait3A_182 = tpu.memref_slice %arg2[%dma_wait3A_180, %dma_wait3A_181] : memref<100000x128xf32, #tpu.memory_space<hbm>> -> memref<128x128xf32, #tpu.memory_space<hbm>>
    tpu.wait_dma2 semaphore(%arg8 : memref<!tpu.dma_semaphore, #tpu.memory_space<semaphore_mem>>) src(%dma_wait3A_182 : memref<128x128xf32, #tpu.memory_space<hbm>>) dst(%dma_wait3A_179 : memref<128x128xf32, #tpu.memory_space<vmem>>)
    %dma_wait3A_183 = arith.constant 0 : i32
    %dma_wait3A_184 = arith.constant 0 : i32
    %dma_wait3A_185 = arith.constant 0 : i32
    %dma_wait3A_186 = tpu.memref_slice %arg6[%dma_wait3A_183, %dma_wait3A_184, %dma_wait3A_185] : memref<2x128x128xf32, #tpu.memory_space<vmem>> -> memref<1x128x128xf32, #tpu.memory_space<vmem>>
    %dma_wait3A_187 = tpu.memref_squeeze %dma_wait3A_186 : memref<1x128x128xf32, #tpu.memory_space<vmem>> -> memref<128x128xf32, #tpu.memory_space<vmem>>
    %dma_wait3A_188 = arith.constant 0 : i32
    %dma_wait3A_189 = arith.constant 0 : i32
    %dma_wait3A_190 = tpu.memref_slice %arg2[%dma_wait3A_188, %dma_wait3A_189] : memref<100000x128xf32, #tpu.memory_space<hbm>> -> memref<128x128xf32, #tpu.memory_space<hbm>>
    %dma_wait3A_191 = arith.constant 0 : i32
    %dma_wait3A_192 = arith.constant 0 : i32
    %dma_wait3A_193 = tpu.memref_slice %arg6[%dma_wait3A_183, %dma_wait3A_191, %dma_wait3A_192] : memref<2x128x128xf32, #tpu.memory_space<vmem>> -> memref<1x128x128xf32, #tpu.memory_space<vmem>>
    %dma_wait3A_194 = tpu.memref_squeeze %dma_wait3A_193 : memref<1x128x128xf32, #tpu.memory_space<vmem>> -> memref<128x128xf32, #tpu.memory_space<vmem>>
    %dma_wait3A_195 = arith.constant 0 : i32
    %dma_wait3A_196 = arith.constant 0 : i32
    %dma_wait3A_197 = tpu.memref_slice %arg2[%dma_wait3A_195, %dma_wait3A_196] : memref<100000x128xf32, #tpu.memory_space<hbm>> -> memref<128x128xf32, #tpu.memory_space<hbm>>
    tpu.wait_dma2 semaphore(%arg8 : memref<!tpu.dma_semaphore, #tpu.memory_space<semaphore_mem>>) src(%dma_wait3A_197 : memref<128x128xf32, #tpu.memory_space<hbm>>) dst(%dma_wait3A_194 : memref<128x128xf32, #tpu.memory_space<vmem>>)
    %dma_wait3A_198 = arith.constant 0 : i32
    %dma_wait3A_199 = arith.constant 0 : i32
    %dma_wait3A_200 = arith.constant 0 : i32
    %dma_wait3A_201 = tpu.memref_slice %arg6[%dma_wait3A_198, %dma_wait3A_199, %dma_wait3A_200] : memref<2x128x128xf32, #tpu.memory_space<vmem>> -> memref<1x128x128xf32, #tpu.memory_space<vmem>>
    %dma_wait3A_202 = tpu.memref_squeeze %dma_wait3A_201 : memref<1x128x128xf32, #tpu.memory_space<vmem>> -> memref<128x128xf32, #tpu.memory_space<vmem>>
    %dma_wait3A_203 = arith.constant 0 : i32
    %dma_wait3A_204 = arith.constant 0 : i32
    %dma_wait3A_205 = tpu.memref_slice %arg2[%dma_wait3A_203, %dma_wait3A_204] : memref<100000x128xf32, #tpu.memory_space<hbm>> -> memref<128x128xf32, #tpu.memory_space<hbm>>
    %dma_wait3A_206 = arith.constant 0 : i32
    %dma_wait3A_207 = arith.constant 0 : i32
    %dma_wait3A_208 = tpu.memref_slice %arg6[%dma_wait3A_198, %dma_wait3A_206, %dma_wait3A_207] : memref<2x128x128xf32, #tpu.memory_space<vmem>> -> memref<1x128x128xf32, #tpu.memory_space<vmem>>
    %dma_wait3A_209 = tpu.memref_squeeze %dma_wait3A_208 : memref<1x128x128xf32, #tpu.memory_space<vmem>> -> memref<128x128xf32, #tpu.memory_space<vmem>>
    %dma_wait3A_210 = arith.constant 0 : i32
    %dma_wait3A_211 = arith.constant 0 : i32
    %dma_wait3A_212 = tpu.memref_slice %arg2[%dma_wait3A_210, %dma_wait3A_211] : memref<100000x128xf32, #tpu.memory_space<hbm>> -> memref<128x128xf32, #tpu.memory_space<hbm>>
    tpu.wait_dma2 semaphore(%arg8 : memref<!tpu.dma_semaphore, #tpu.memory_space<semaphore_mem>>) src(%dma_wait3A_212 : memref<128x128xf32, #tpu.memory_space<hbm>>) dst(%dma_wait3A_209 : memref<128x128xf32, #tpu.memory_space<vmem>>)
    %dma_wait3A_213 = arith.constant 0 : i32
    %dma_wait3A_214 = arith.constant 0 : i32
    %dma_wait3A_215 = arith.constant 0 : i32
    %dma_wait3A_216 = tpu.memref_slice %arg6[%dma_wait3A_213, %dma_wait3A_214, %dma_wait3A_215] : memref<2x128x128xf32, #tpu.memory_space<vmem>> -> memref<1x128x128xf32, #tpu.memory_space<vmem>>
    %dma_wait3A_217 = tpu.memref_squeeze %dma_wait3A_216 : memref<1x128x128xf32, #tpu.memory_space<vmem>> -> memref<128x128xf32, #tpu.memory_space<vmem>>
    %dma_wait3A_218 = arith.constant 0 : i32
    %dma_wait3A_219 = arith.constant 0 : i32
    %dma_wait3A_220 = tpu.memref_slice %arg2[%dma_wait3A_218, %dma_wait3A_219] : memref<100000x128xf32, #tpu.memory_space<hbm>> -> memref<128x128xf32, #tpu.memory_space<hbm>>
    %dma_wait3A_221 = arith.constant 0 : i32
    %dma_wait3A_222 = arith.constant 0 : i32
    %dma_wait3A_223 = tpu.memref_slice %arg6[%dma_wait3A_213, %dma_wait3A_221, %dma_wait3A_222] : memref<2x128x128xf32, #tpu.memory_space<vmem>> -> memref<1x128x128xf32, #tpu.memory_space<vmem>>
    %dma_wait3A_224 = tpu.memref_squeeze %dma_wait3A_223 : memref<1x128x128xf32, #tpu.memory_space<vmem>> -> memref<128x128xf32, #tpu.memory_space<vmem>>
    %dma_wait3A_225 = arith.constant 0 : i32
    %dma_wait3A_226 = arith.constant 0 : i32
    %dma_wait3A_227 = tpu.memref_slice %arg2[%dma_wait3A_225, %dma_wait3A_226] : memref<100000x128xf32, #tpu.memory_space<hbm>> -> memref<128x128xf32, #tpu.memory_space<hbm>>
    tpu.wait_dma2 semaphore(%arg8 : memref<!tpu.dma_semaphore, #tpu.memory_space<semaphore_mem>>) src(%dma_wait3A_227 : memref<128x128xf32, #tpu.memory_space<hbm>>) dst(%dma_wait3A_224 : memref<128x128xf32, #tpu.memory_space<vmem>>)
    %dma_wait3A_228 = arith.constant 0 : i32
    %dma_wait3A_229 = arith.constant 0 : i32
    %dma_wait3A_230 = arith.constant 0 : i32
    %dma_wait3A_231 = tpu.memref_slice %arg6[%dma_wait3A_228, %dma_wait3A_229, %dma_wait3A_230] : memref<2x128x128xf32, #tpu.memory_space<vmem>> -> memref<1x128x128xf32, #tpu.memory_space<vmem>>
    %dma_wait3A_232 = tpu.memref_squeeze %dma_wait3A_231 : memref<1x128x128xf32, #tpu.memory_space<vmem>> -> memref<128x128xf32, #tpu.memory_space<vmem>>
    %dma_wait3A_233 = arith.constant 0 : i32
    %dma_wait3A_234 = arith.constant 0 : i32
    %dma_wait3A_235 = tpu.memref_slice %arg2[%dma_wait3A_233, %dma_wait3A_234] : memref<100000x128xf32, #tpu.memory_space<hbm>> -> memref<128x128xf32, #tpu.memory_space<hbm>>
    %dma_wait3A_236 = arith.constant 0 : i32
    %dma_wait3A_237 = arith.constant 0 : i32
    %dma_wait3A_238 = tpu.memref_slice %arg6[%dma_wait3A_228, %dma_wait3A_236, %dma_wait3A_237] : memref<2x128x128xf32, #tpu.memory_space<vmem>> -> memref<1x128x128xf32, #tpu.memory_space<vmem>>
    %dma_wait3A_239 = tpu.memref_squeeze %dma_wait3A_238 : memref<1x128x128xf32, #tpu.memory_space<vmem>> -> memref<128x128xf32, #tpu.memory_space<vmem>>
    %dma_wait3A_240 = arith.constant 0 : i32
    %dma_wait3A_241 = arith.constant 0 : i32
    %dma_wait3A_242 = tpu.memref_slice %arg2[%dma_wait3A_240, %dma_wait3A_241] : memref<100000x128xf32, #tpu.memory_space<hbm>> -> memref<128x128xf32, #tpu.memory_space<hbm>>
    tpu.wait_dma2 semaphore(%arg8 : memref<!tpu.dma_semaphore, #tpu.memory_space<semaphore_mem>>) src(%dma_wait3A_242 : memref<128x128xf32, #tpu.memory_space<hbm>>) dst(%dma_wait3A_239 : memref<128x128xf32, #tpu.memory_space<vmem>>)
    %dma_wait3A_243 = arith.constant 0 : i32
    %dma_wait3A_244 = arith.constant 0 : i32
    %dma_wait3A_245 = arith.constant 0 : i32
    %dma_wait3A_246 = tpu.memref_slice %arg6[%dma_wait3A_243, %dma_wait3A_244, %dma_wait3A_245] : memref<2x128x128xf32, #tpu.memory_space<vmem>> -> memref<1x128x128xf32, #tpu.memory_space<vmem>>
    %dma_wait3A_247 = tpu.memref_squeeze %dma_wait3A_246 : memref<1x128x128xf32, #tpu.memory_space<vmem>> -> memref<128x128xf32, #tpu.memory_space<vmem>>
    %dma_wait3A_248 = arith.constant 0 : i32
    %dma_wait3A_249 = arith.constant 0 : i32
    %dma_wait3A_250 = tpu.memref_slice %arg2[%dma_wait3A_248, %dma_wait3A_249] : memref<100000x128xf32, #tpu.memory_space<hbm>> -> memref<128x128xf32, #tpu.memory_space<hbm>>
    %dma_wait3A_251 = arith.constant 0 : i32
    %dma_wait3A_252 = arith.constant 0 : i32
    %dma_wait3A_253 = tpu.memref_slice %arg6[%dma_wait3A_243, %dma_wait3A_251, %dma_wait3A_252] : memref<2x128x128xf32, #tpu.memory_space<vmem>> -> memref<1x128x128xf32, #tpu.memory_space<vmem>>
    %dma_wait3A_254 = tpu.memref_squeeze %dma_wait3A_253 : memref<1x128x128xf32, #tpu.memory_space<vmem>> -> memref<128x128xf32, #tpu.memory_space<vmem>>
    %dma_wait3A_255 = arith.constant 0 : i32
    %dma_wait3A_256 = arith.constant 0 : i32
    %dma_wait3A_257 = tpu.memref_slice %arg2[%dma_wait3A_255, %dma_wait3A_256] : memref<100000x128xf32, #tpu.memory_space<hbm>> -> memref<128x128xf32, #tpu.memory_space<hbm>>
    tpu.wait_dma2 semaphore(%arg8 : memref<!tpu.dma_semaphore, #tpu.memory_space<semaphore_mem>>) src(%dma_wait3A_257 : memref<128x128xf32, #tpu.memory_space<hbm>>) dst(%dma_wait3A_254 : memref<128x128xf32, #tpu.memory_space<vmem>>)
    %dma_wait3A_258 = arith.constant 0 : i32
    %dma_wait3A_259 = arith.constant 0 : i32
    %dma_wait3A_260 = arith.constant 0 : i32
    %dma_wait3A_261 = tpu.memref_slice %arg6[%dma_wait3A_258, %dma_wait3A_259, %dma_wait3A_260] : memref<2x128x128xf32, #tpu.memory_space<vmem>> -> memref<1x128x128xf32, #tpu.memory_space<vmem>>
    %dma_wait3A_262 = tpu.memref_squeeze %dma_wait3A_261 : memref<1x128x128xf32, #tpu.memory_space<vmem>> -> memref<128x128xf32, #tpu.memory_space<vmem>>
    %dma_wait3A_263 = arith.constant 0 : i32
    %dma_wait3A_264 = arith.constant 0 : i32
    %dma_wait3A_265 = tpu.memref_slice %arg2[%dma_wait3A_263, %dma_wait3A_264] : memref<100000x128xf32, #tpu.memory_space<hbm>> -> memref<128x128xf32, #tpu.memory_space<hbm>>
    %dma_wait3A_266 = arith.constant 0 : i32
    %dma_wait3A_267 = arith.constant 0 : i32
    %dma_wait3A_268 = tpu.memref_slice %arg6[%dma_wait3A_258, %dma_wait3A_266, %dma_wait3A_267] : memref<2x128x128xf32, #tpu.memory_space<vmem>> -> memref<1x128x128xf32, #tpu.memory_space<vmem>>
    %dma_wait3A_269 = tpu.memref_squeeze %dma_wait3A_268 : memref<1x128x128xf32, #tpu.memory_space<vmem>> -> memref<128x128xf32, #tpu.memory_space<vmem>>
    %dma_wait3A_270 = arith.constant 0 : i32
    %dma_wait3A_271 = arith.constant 0 : i32
    %dma_wait3A_272 = tpu.memref_slice %arg2[%dma_wait3A_270, %dma_wait3A_271] : memref<100000x128xf32, #tpu.memory_space<hbm>> -> memref<128x128xf32, #tpu.memory_space<hbm>>
    tpu.wait_dma2 semaphore(%arg8 : memref<!tpu.dma_semaphore, #tpu.memory_space<semaphore_mem>>) src(%dma_wait3A_272 : memref<128x128xf32, #tpu.memory_space<hbm>>) dst(%dma_wait3A_269 : memref<128x128xf32, #tpu.memory_space<vmem>>)
    %dma_wait3A_273 = arith.constant 0 : i32
    %dma_wait3A_274 = arith.constant 0 : i32
    %dma_wait3A_275 = arith.constant 0 : i32
    %dma_wait3A_276 = tpu.memref_slice %arg6[%dma_wait3A_273, %dma_wait3A_274, %dma_wait3A_275] : memref<2x128x128xf32, #tpu.memory_space<vmem>> -> memref<1x128x128xf32, #tpu.memory_space<vmem>>
    %dma_wait3A_277 = tpu.memref_squeeze %dma_wait3A_276 : memref<1x128x128xf32, #tpu.memory_space<vmem>> -> memref<128x128xf32, #tpu.memory_space<vmem>>
    %dma_wait3A_278 = arith.constant 0 : i32
    %dma_wait3A_279 = arith.constant 0 : i32
    %dma_wait3A_280 = tpu.memref_slice %arg2[%dma_wait3A_278, %dma_wait3A_279] : memref<100000x128xf32, #tpu.memory_space<hbm>> -> memref<128x128xf32, #tpu.memory_space<hbm>>
    %dma_wait3A_281 = arith.constant 0 : i32
    %dma_wait3A_282 = arith.constant 0 : i32
    %dma_wait3A_283 = tpu.memref_slice %arg6[%dma_wait3A_273, %dma_wait3A_281, %dma_wait3A_282] : memref<2x128x128xf32, #tpu.memory_space<vmem>> -> memref<1x128x128xf32, #tpu.memory_space<vmem>>
    %dma_wait3A_284 = tpu.memref_squeeze %dma_wait3A_283 : memref<1x128x128xf32, #tpu.memory_space<vmem>> -> memref<128x128xf32, #tpu.memory_space<vmem>>
    %dma_wait3A_285 = arith.constant 0 : i32
    %dma_wait3A_286 = arith.constant 0 : i32
    %dma_wait3A_287 = tpu.memref_slice %arg2[%dma_wait3A_285, %dma_wait3A_286] : memref<100000x128xf32, #tpu.memory_space<hbm>> -> memref<128x128xf32, #tpu.memory_space<hbm>>
    tpu.wait_dma2 semaphore(%arg8 : memref<!tpu.dma_semaphore, #tpu.memory_space<semaphore_mem>>) src(%dma_wait3A_287 : memref<128x128xf32, #tpu.memory_space<hbm>>) dst(%dma_wait3A_284 : memref<128x128xf32, #tpu.memory_space<vmem>>)
    %dma_wait3A_288 = arith.constant 0 : i32
    %dma_wait3A_289 = arith.constant 0 : i32
    %dma_wait3A_290 = arith.constant 0 : i32
    %dma_wait3A_291 = tpu.memref_slice %arg6[%dma_wait3A_288, %dma_wait3A_289, %dma_wait3A_290] : memref<2x128x128xf32, #tpu.memory_space<vmem>> -> memref<1x128x128xf32, #tpu.memory_space<vmem>>
    %dma_wait3A_292 = tpu.memref_squeeze %dma_wait3A_291 : memref<1x128x128xf32, #tpu.memory_space<vmem>> -> memref<128x128xf32, #tpu.memory_space<vmem>>
    %dma_wait3A_293 = arith.constant 0 : i32
    %dma_wait3A_294 = arith.constant 0 : i32
    %dma_wait3A_295 = tpu.memref_slice %arg2[%dma_wait3A_293, %dma_wait3A_294] : memref<100000x128xf32, #tpu.memory_space<hbm>> -> memref<128x128xf32, #tpu.memory_space<hbm>>
    %dma_wait3A_296 = arith.constant 0 : i32
    %dma_wait3A_297 = arith.constant 0 : i32
    %dma_wait3A_298 = tpu.memref_slice %arg6[%dma_wait3A_288, %dma_wait3A_296, %dma_wait3A_297] : memref<2x128x128xf32, #tpu.memory_space<vmem>> -> memref<1x128x128xf32, #tpu.memory_space<vmem>>
    %dma_wait3A_299 = tpu.memref_squeeze %dma_wait3A_298 : memref<1x128x128xf32, #tpu.memory_space<vmem>> -> memref<128x128xf32, #tpu.memory_space<vmem>>
    %dma_wait3A_300 = arith.constant 0 : i32
    %dma_wait3A_301 = arith.constant 0 : i32
    %dma_wait3A_302 = tpu.memref_slice %arg2[%dma_wait3A_300, %dma_wait3A_301] : memref<100000x128xf32, #tpu.memory_space<hbm>> -> memref<128x128xf32, #tpu.memory_space<hbm>>
    tpu.wait_dma2 semaphore(%arg8 : memref<!tpu.dma_semaphore, #tpu.memory_space<semaphore_mem>>) src(%dma_wait3A_302 : memref<128x128xf32, #tpu.memory_space<hbm>>) dst(%dma_wait3A_299 : memref<128x128xf32, #tpu.memory_space<vmem>>)
    %dma_wait3A_303 = arith.constant 0 : i32
    %dma_wait3A_304 = arith.constant 0 : i32
    %dma_wait3A_305 = arith.constant 0 : i32
    %dma_wait3A_306 = tpu.memref_slice %arg6[%dma_wait3A_303, %dma_wait3A_304, %dma_wait3A_305] : memref<2x128x128xf32, #tpu.memory_space<vmem>> -> memref<1x128x128xf32, #tpu.memory_space<vmem>>
    %dma_wait3A_307 = tpu.memref_squeeze %dma_wait3A_306 : memref<1x128x128xf32, #tpu.memory_space<vmem>> -> memref<128x128xf32, #tpu.memory_space<vmem>>
    %dma_wait3A_308 = arith.constant 0 : i32
    %dma_wait3A_309 = arith.constant 0 : i32
    %dma_wait3A_310 = tpu.memref_slice %arg2[%dma_wait3A_308, %dma_wait3A_309] : memref<100000x128xf32, #tpu.memory_space<hbm>> -> memref<128x128xf32, #tpu.memory_space<hbm>>
    %dma_wait3A_311 = arith.constant 0 : i32
    %dma_wait3A_312 = arith.constant 0 : i32
    %dma_wait3A_313 = tpu.memref_slice %arg6[%dma_wait3A_303, %dma_wait3A_311, %dma_wait3A_312] : memref<2x128x128xf32, #tpu.memory_space<vmem>> -> memref<1x128x128xf32, #tpu.memory_space<vmem>>
    %dma_wait3A_314 = tpu.memref_squeeze %dma_wait3A_313 : memref<1x128x128xf32, #tpu.memory_space<vmem>> -> memref<128x128xf32, #tpu.memory_space<vmem>>
    %dma_wait3A_315 = arith.constant 0 : i32
    %dma_wait3A_316 = arith.constant 0 : i32
    %dma_wait3A_317 = tpu.memref_slice %arg2[%dma_wait3A_315, %dma_wait3A_316] : memref<100000x128xf32, #tpu.memory_space<hbm>> -> memref<128x128xf32, #tpu.memory_space<hbm>>
    tpu.wait_dma2 semaphore(%arg8 : memref<!tpu.dma_semaphore, #tpu.memory_space<semaphore_mem>>) src(%dma_wait3A_317 : memref<128x128xf32, #tpu.memory_space<hbm>>) dst(%dma_wait3A_314 : memref<128x128xf32, #tpu.memory_space<vmem>>)
    %dma_wait3A_318 = arith.constant 0 : i32
    %dma_wait3A_319 = arith.constant 0 : i32
    %dma_wait3A_320 = arith.constant 0 : i32
    %dma_wait3A_321 = tpu.memref_slice %arg6[%dma_wait3A_318, %dma_wait3A_319, %dma_wait3A_320] : memref<2x128x128xf32, #tpu.memory_space<vmem>> -> memref<1x128x128xf32, #tpu.memory_space<vmem>>
    %dma_wait3A_322 = tpu.memref_squeeze %dma_wait3A_321 : memref<1x128x128xf32, #tpu.memory_space<vmem>> -> memref<128x128xf32, #tpu.memory_space<vmem>>
    %dma_wait3A_323 = arith.constant 0 : i32
    %dma_wait3A_324 = arith.constant 0 : i32
    %dma_wait3A_325 = tpu.memref_slice %arg2[%dma_wait3A_323, %dma_wait3A_324] : memref<100000x128xf32, #tpu.memory_space<hbm>> -> memref<128x128xf32, #tpu.memory_space<hbm>>
    %dma_wait3A_326 = arith.constant 0 : i32
    %dma_wait3A_327 = arith.constant 0 : i32
    %dma_wait3A_328 = tpu.memref_slice %arg6[%dma_wait3A_318, %dma_wait3A_326, %dma_wait3A_327] : memref<2x128x128xf32, #tpu.memory_space<vmem>> -> memref<1x128x128xf32, #tpu.memory_space<vmem>>
    %dma_wait3A_329 = tpu.memref_squeeze %dma_wait3A_328 : memref<1x128x128xf32, #tpu.memory_space<vmem>> -> memref<128x128xf32, #tpu.memory_space<vmem>>
    %dma_wait3A_330 = arith.constant 0 : i32
    %dma_wait3A_331 = arith.constant 0 : i32
    %dma_wait3A_332 = tpu.memref_slice %arg2[%dma_wait3A_330, %dma_wait3A_331] : memref<100000x128xf32, #tpu.memory_space<hbm>> -> memref<128x128xf32, #tpu.memory_space<hbm>>
    tpu.wait_dma2 semaphore(%arg8 : memref<!tpu.dma_semaphore, #tpu.memory_space<semaphore_mem>>) src(%dma_wait3A_332 : memref<128x128xf32, #tpu.memory_space<hbm>>) dst(%dma_wait3A_329 : memref<128x128xf32, #tpu.memory_space<vmem>>)
    %mul3A_333 = arith.constant 13 : i32
    %mul3A_334 = arith.muli %add3A, %mul3A_333 : i32
    %add3A_335 = arith.constant 12 : i32
    %add3A_336 = arith.addi %mul3A_334, %add3A_335 : i32
    %mul3A_337 = arith.constant 128 : i32
    %mul3A_338 = arith.muli %add3A_336, %mul3A_337 : i32
    %min3A_339 = arith.constant 49872 : i32
    %min3A_340 = arith.minsi %mul3A_338, %min3A_339 : i32
    %sub3A_341 = arith.subi %min3A_340, %min3A_4 : i32
    %dma_wait3A_342 = arith.constant 0 : i32
    %dma_wait3A_343 = arith.constant 0 : i32
    %dma_wait3A_344 = arith.constant 0 : i32
    %dma_wait3A_345 = tpu.memref_slice %arg7[%dma_wait3A_342, %dma_wait3A_343, %dma_wait3A_344] : memref<2x128x128xf32, #tpu.memory_space<vmem>> -> memref<1x128x128xf32, #tpu.memory_space<vmem>>
    %dma_wait3A_346 = tpu.memref_squeeze %dma_wait3A_345 : memref<1x128x128xf32, #tpu.memory_space<vmem>> -> memref<128x128xf32, #tpu.memory_space<vmem>>
    %dma_wait3A_347 = arith.constant 0 : i32
    %dma_wait3A_348 = arith.constant 0 : i32
    %dma_wait3A_349 = tpu.memref_slice %arg4[%dma_wait3A_347, %dma_wait3A_348] : memref<50000x128xf32, #tpu.memory_space<hbm>> -> memref<128x128xf32, #tpu.memory_space<hbm>>
    %dma_wait3A_350 = arith.constant 0 : i32
    %dma_wait3A_351 = arith.constant 0 : i32
    %dma_wait3A_352 = tpu.memref_slice %arg4[%dma_wait3A_350, %dma_wait3A_351] : memref<50000x128xf32, #tpu.memory_space<hbm>> -> memref<128x128xf32, #tpu.memory_space<hbm>>
    %dma_wait3A_353 = arith.constant 0 : i32
    %dma_wait3A_354 = arith.constant 0 : i32
    %dma_wait3A_355 = tpu.memref_slice %arg7[%dma_wait3A_342, %dma_wait3A_353, %dma_wait3A_354] : memref<2x128x128xf32, #tpu.memory_space<vmem>> -> memref<1x128x128xf32, #tpu.memory_space<vmem>>
    %dma_wait3A_356 = tpu.memref_squeeze %dma_wait3A_355 : memref<1x128x128xf32, #tpu.memory_space<vmem>> -> memref<128x128xf32, #tpu.memory_space<vmem>>
    tpu.wait_dma2 semaphore(%arg10 : memref<!tpu.dma_semaphore, #tpu.memory_space<semaphore_mem>>) src(%dma_wait3A_356 : memref<128x128xf32, #tpu.memory_space<vmem>>) dst(%dma_wait3A_352 : memref<128x128xf32, #tpu.memory_space<hbm>>)
    %scan3A_357 = arith.constant 0 : i32
    %scan3A_358 = arith.constant 128 : i32
    %scan3A_359 = arith.addi %scan3A_357, %scan3A_358 : i32
    %scan3A_360 = arith.constant 1 : i32
    scf.for %scan3A_405 = %scan3A_357 to %scan3A_359 step %scan3A_360  : i32 {
      %get3A = arith.constant 0 : i32
      %get3A_406 = arith.index_cast %get3A : i32 to index
      %get3A_407 = arith.index_cast %scan3A_405 : i32 to index
      %get3A_408 = arith.constant 0 : index
      %get3A_409 = tpu.vector_load %arg6[%get3A_406, %get3A_407, %get3A_408] {strides = array<i32>} : memref<2x128x128xf32, #tpu.memory_space<vmem>>, vector<1x1x16xf32>,
      %get3A_410 = vector.shape_cast %get3A_409 : vector<1x1x16xf32> to vector<16xf32>
      %mul3A_411 = arith.constant 0.0909090936 : f32
      %mul3A_412 = vector.broadcast %mul3A_411 : f32 to vector<16xf32>
      %mul3A_413 = arith.mulf %get3A_410, %mul3A_412 : vector<16xf32>
      %swap3A = arith.constant 0 : i32
      %swap3A_414 = arith.index_cast %swap3A : i32 to index
      %swap3A_415 = arith.index_cast %scan3A_405 : i32 to index
      %swap3A_416 = arith.constant 0 : index
      %swap3A_417 = tpu.vector_load %arg7[%swap3A_414, %swap3A_415, %swap3A_416] {strides = array<i32>} : memref<2x128x128xf32, #tpu.memory_space<vmem>>, vector<1x1x16xf32>,
      %swap3A_418 = vector.shape_cast %swap3A_417 : vector<1x1x16xf32> to vector<16xf32>
      %swap3A_419 = vector.shape_cast %mul3A_413 : vector<16xf32> to vector<1x1x16xf32>
      tpu.vector_store %arg7[%swap3A_414, %swap3A_415, %swap3A_416], %swap3A_419 {strides = array<i32>} : memref<2x128x128xf32, #tpu.memory_space<vmem>>, vector<1x1x16xf32>,
      %swap3A_420 = arith.constant 0 : i32
      %swap3A_421 = arith.index_cast %swap3A_420 : i32 to index
      %swap3A_422 = arith.index_cast %scan3A_405 : i32 to index
      %swap3A_423 = arith.constant 0 : index
      %swap3A_424 = tpu.vector_load %arg6[%swap3A_421, %swap3A_422, %swap3A_423] {strides = array<i32>} : memref<2x128x128xf32, #tpu.memory_space<vmem>>, vector<1x1x16xf32>,
      %swap3A_425 = vector.shape_cast %swap3A_424 : vector<1x1x16xf32> to vector<16xf32>
      %swap3A_426 = vector.shape_cast %broadcast_in_dim3A_1 : vector<16xf32> to vector<1x1x16xf32>
      tpu.vector_store %arg6[%swap3A_421, %swap3A_422, %swap3A_423], %swap3A_426 {strides = array<i32>} : memref<2x128x128xf32, #tpu.memory_space<vmem>>, vector<1x1x16xf32>,
      %get3A_427 = arith.constant 0 : i32
      %get3A_428 = arith.index_cast %get3A_427 : i32 to index
      %get3A_429 = arith.index_cast %scan3A_405 : i32 to index
      %get3A_430 = arith.constant 16 : index
      %get3A_431 = tpu.vector_load %arg6[%get3A_428, %get3A_429, %get3A_430] {strides = array<i32>} : memref<2x128x128xf32, #tpu.memory_space<vmem>>, vector<1x1x16xf32>,
      %get3A_432 = vector.shape_cast %get3A_431 : vector<1x1x16xf32> to vector<16xf32>
      %mul3A_433 = arith.constant 0.0909090936 : f32
      %mul3A_434 = vector.broadcast %mul3A_433 : f32 to vector<16xf32>
      %mul3A_435 = arith.mulf %get3A_432, %mul3A_434 : vector<16xf32>
      %swap3A_436 = arith.constant 0 : i32
      %swap3A_437 = arith.index_cast %swap3A_436 : i32 to index
      %swap3A_438 = arith.index_cast %scan3A_405 : i32 to index
      %swap3A_439 = arith.constant 16 : index
      %swap3A_440 = tpu.vector_load %arg7[%swap3A_437, %swap3A_438, %swap3A_439] {strides = array<i32>} : memref<2x128x128xf32, #tpu.memory_space<vmem>>, vector<1x1x16xf32>,
      %swap3A_441 = vector.shape_cast %swap3A_440 : vector<1x1x16xf32> to vector<16xf32>
      %swap3A_442 = vector.shape_cast %mul3A_435 : vector<16xf32> to vector<1x1x16xf32>
      tpu.vector_store %arg7[%swap3A_437, %swap3A_438, %swap3A_439], %swap3A_442 {strides = array<i32>} : memref<2x128x128xf32, #tpu.memory_space<vmem>>, vector<1x1x16xf32>,
      %swap3A_443 = arith.constant 0 : i32
      %swap3A_444 = arith.index_cast %swap3A_443 : i32 to index
      %swap3A_445 = arith.index_cast %scan3A_405 : i32 to index
      %swap3A_446 = arith.constant 16 : index
      %swap3A_447 = tpu.vector_load %arg6[%swap3A_444, %swap3A_445, %swap3A_446] {strides = array<i32>} : memref<2x128x128xf32, #tpu.memory_space<vmem>>, vector<1x1x16xf32>,
      %swap3A_448 = vector.shape_cast %swap3A_447 : vector<1x1x16xf32> to vector<16xf32>
      %swap3A_449 = vector.shape_cast %broadcast_in_dim3A_1 : vector<16xf32> to vector<1x1x16xf32>
      tpu.vector_store %arg6[%swap3A_444, %swap3A_445, %swap3A_446], %swap3A_449 {strides = array<i32>} : memref<2x128x128xf32, #tpu.memory_space<vmem>>, vector<1x1x16xf32>,
      %get3A_450 = arith.constant 0 : i32
      %get3A_451 = arith.index_cast %get3A_450 : i32 to index
      %get3A_452 = arith.index_cast %scan3A_405 : i32 to index
      %get3A_453 = arith.constant 32 : index
      %get3A_454 = tpu.vector_load %arg6[%get3A_451, %get3A_452, %get3A_453] {strides = array<i32>} : memref<2x128x128xf32, #tpu.memory_space<vmem>>, vector<1x1x16xf32>,
      %get3A_455 = vector.shape_cast %get3A_454 : vector<1x1x16xf32> to vector<16xf32>
      %mul3A_456 = arith.constant 0.0909090936 : f32
      %mul3A_457 = vector.broadcast %mul3A_456 : f32 to vector<16xf32>
      %mul3A_458 = arith.mulf %get3A_455, %mul3A_457 : vector<16xf32>
      %swap3A_459 = arith.constant 0 : i32
      %swap3A_460 = arith.index_cast %swap3A_459 : i32 to index
      %swap3A_461 = arith.index_cast %scan3A_405 : i32 to index
      %swap3A_462 = arith.constant 32 : index
      %swap3A_463 = tpu.vector_load %arg7[%swap3A_460, %swap3A_461, %swap3A_462] {strides = array<i32>} : memref<2x128x128xf32, #tpu.memory_space<vmem>>, vector<1x1x16xf32>,
      %swap3A_464 = vector.shape_cast %swap3A_463 : vector<1x1x16xf32> to vector<16xf32>
      %swap3A_465 = vector.shape_cast %mul3A_458 : vector<16xf32> to vector<1x1x16xf32>
      tpu.vector_store %arg7[%swap3A_460, %swap3A_461, %swap3A_462], %swap3A_465 {strides = array<i32>} : memref<2x128x128xf32, #tpu.memory_space<vmem>>, vector<1x1x16xf32>,
      %swap3A_466 = arith.constant 0 : i32
      %swap3A_467 = arith.index_cast %swap3A_466 : i32 to index
      %swap3A_468 = arith.index_cast %scan3A_405 : i32 to index
      %swap3A_469 = arith.constant 32 : index
      %swap3A_470 = tpu.vector_load %arg6[%swap3A_467, %swap3A_468, %swap3A_469] {strides = array<i32>} : memref<2x128x128xf32, #tpu.memory_space<vmem>>, vector<1x1x16xf32>,
      %swap3A_471 = vector.shape_cast %swap3A_470 : vector<1x1x16xf32> to vector<16xf32>
      %swap3A_472 = vector.shape_cast %broadcast_in_dim3A_1 : vector<16xf32> to vector<1x1x16xf32>
      tpu.vector_store %arg6[%swap3A_467, %swap3A_468, %swap3A_469], %swap3A_472 {strides = array<i32>} : memref<2x128x128xf32, #tpu.memory_space<vmem>>, vector<1x1x16xf32>,
      %get3A_473 = arith.constant 0 : i32
      %get3A_474 = arith.index_cast %get3A_473 : i32 to index
      %get3A_475 = arith.index_cast %scan3A_405 : i32 to index
      %get3A_476 = arith.constant 48 : index
      %get3A_477 = tpu.vector_load %arg6[%get3A_474, %get3A_475, %get3A_476] {strides = array<i32>} : memref<2x128x128xf32, #tpu.memory_space<vmem>>, vector<1x1x16xf32>,
      %get3A_478 = vector.shape_cast %get3A_477 : vector<1x1x16xf32> to vector<16xf32>
      %mul3A_479 = arith.constant 0.0909090936 : f32
      %mul3A_480 = vector.broadcast %mul3A_479 : f32 to vector<16xf32>
      %mul3A_481 = arith.mulf %get3A_478, %mul3A_480 : vector<16xf32>
      %swap3A_482 = arith.constant 0 : i32
      %swap3A_483 = arith.index_cast %swap3A_482 : i32 to index
      %swap3A_484 = arith.index_cast %scan3A_405 : i32 to index
      %swap3A_485 = arith.constant 48 : index
      %swap3A_486 = tpu.vector_load %arg7[%swap3A_483, %swap3A_484, %swap3A_485] {strides = array<i32>} : memref<2x128x128xf32, #tpu.memory_space<vmem>>, vector<1x1x16xf32>,
      %swap3A_487 = vector.shape_cast %swap3A_486 : vector<1x1x16xf32> to vector<16xf32>
      %swap3A_488 = vector.shape_cast %mul3A_481 : vector<16xf32> to vector<1x1x16xf32>
      tpu.vector_store %arg7[%swap3A_483, %swap3A_484, %swap3A_485], %swap3A_488 {strides = array<i32>} : memref<2x128x128xf32, #tpu.memory_space<vmem>>, vector<1x1x16xf32>,
      %swap3A_489 = arith.constant 0 : i32
      %swap3A_490 = arith.index_cast %swap3A_489 : i32 to index
      %swap3A_491 = arith.index_cast %scan3A_405 : i32 to index
      %swap3A_492 = arith.constant 48 : index
      %swap3A_493 = tpu.vector_load %arg6[%swap3A_490, %swap3A_491, %swap3A_492] {strides = array<i32>} : memref<2x128x128xf32, #tpu.memory_space<vmem>>, vector<1x1x16xf32>,
      %swap3A_494 = vector.shape_cast %swap3A_493 : vector<1x1x16xf32> to vector<16xf32>
      %swap3A_495 = vector.shape_cast %broadcast_in_dim3A_1 : vector<16xf32> to vector<1x1x16xf32>
      tpu.vector_store %arg6[%swap3A_490, %swap3A_491, %swap3A_492], %swap3A_495 {strides = array<i32>} : memref<2x128x128xf32, #tpu.memory_space<vmem>>, vector<1x1x16xf32>,
      %get3A_496 = arith.constant 0 : i32
      %get3A_497 = arith.index_cast %get3A_496 : i32 to index
      %get3A_498 = arith.index_cast %scan3A_405 : i32 to index
      %get3A_499 = arith.constant 64 : index
      %get3A_500 = tpu.vector_load %arg6[%get3A_497, %get3A_498, %get3A_499] {strides = array<i32>} : memref<2x128x128xf32, #tpu.memory_space<vmem>>, vector<1x1x16xf32>,
      %get3A_501 = vector.shape_cast %get3A_500 : vector<1x1x16xf32> to vector<16xf32>
      %mul3A_502 = arith.constant 0.0909090936 : f32
      %mul3A_503 = vector.broadcast %mul3A_502 : f32 to vector<16xf32>
      %mul3A_504 = arith.mulf %get3A_501, %mul3A_503 : vector<16xf32>
      %swap3A_505 = arith.constant 0 : i32
      %swap3A_506 = arith.index_cast %swap3A_505 : i32 to index
      %swap3A_507 = arith.index_cast %scan3A_405 : i32 to index
      %swap3A_508 = arith.constant 64 : index
      %swap3A_509 = tpu.vector_load %arg7[%swap3A_506, %swap3A_507, %swap3A_508] {strides = array<i32>} : memref<2x128x128xf32, #tpu.memory_space<vmem>>, vector<1x1x16xf32>,
      %swap3A_510 = vector.shape_cast %swap3A_509 : vector<1x1x16xf32> to vector<16xf32>
      %swap3A_511 = vector.shape_cast %mul3A_504 : vector<16xf32> to vector<1x1x16xf32>
      tpu.vector_store %arg7[%swap3A_506, %swap3A_507, %swap3A_508], %swap3A_511 {strides = array<i32>} : memref<2x128x128xf32, #tpu.memory_space<vmem>>, vector<1x1x16xf32>,
      %swap3A_512 = arith.constant 0 : i32
      %swap3A_513 = arith.index_cast %swap3A_512 : i32 to index
      %swap3A_514 = arith.index_cast %scan3A_405 : i32 to index
      %swap3A_515 = arith.constant 64 : index
      %swap3A_516 = tpu.vector_load %arg6[%swap3A_513, %swap3A_514, %swap3A_515] {strides = array<i32>} : memref<2x128x128xf32, #tpu.memory_space<vmem>>, vector<1x1x16xf32>,
      %swap3A_517 = vector.shape_cast %swap3A_516 : vector<1x1x16xf32> to vector<16xf32>
      %swap3A_518 = vector.shape_cast %broadcast_in_dim3A_1 : vector<16xf32> to vector<1x1x16xf32>
      tpu.vector_store %arg6[%swap3A_513, %swap3A_514, %swap3A_515], %swap3A_518 {strides = array<i32>} : memref<2x128x128xf32, #tpu.memory_space<vmem>>, vector<1x1x16xf32>,
      %get3A_519 = arith.constant 0 : i32
      %get3A_520 = arith.index_cast %get3A_519 : i32 to index
      %get3A_521 = arith.index_cast %scan3A_405 : i32 to index
      %get3A_522 = arith.constant 80 : index
      %get3A_523 = tpu.vector_load %arg6[%get3A_520, %get3A_521, %get3A_522] {strides = array<i32>} : memref<2x128x128xf32, #tpu.memory_space<vmem>>, vector<1x1x16xf32>,
      %get3A_524 = vector.shape_cast %get3A_523 : vector<1x1x16xf32> to vector<16xf32>
      %mul3A_525 = arith.constant 0.0909090936 : f32
      %mul3A_526 = vector.broadcast %mul3A_525 : f32 to vector<16xf32>
      %mul3A_527 = arith.mulf %get3A_524, %mul3A_526 : vector<16xf32>
      %swap3A_528 = arith.constant 0 : i32
      %swap3A_529 = arith.index_cast %swap3A_528 : i32 to index
      %swap3A_530 = arith.index_cast %scan3A_405 : i32 to index
      %swap3A_531 = arith.constant 80 : index
      %swap3A_532 = tpu.vector_load %arg7[%swap3A_529, %swap3A_530, %swap3A_531] {strides = array<i32>} : memref<2x128x128xf32, #tpu.memory_space<vmem>>, vector<1x1x16xf32>,
      %swap3A_533 = vector.shape_cast %swap3A_532 : vector<1x1x16xf32> to vector<16xf32>
      %swap3A_534 = vector.shape_cast %mul3A_527 : vector<16xf32> to vector<1x1x16xf32>
      tpu.vector_store %arg7[%swap3A_529, %swap3A_530, %swap3A_531], %swap3A_534 {strides = array<i32>} : memref<2x128x128xf32, #tpu.memory_space<vmem>>, vector<1x1x16xf32>,
      %swap3A_535 = arith.constant 0 : i32
      %swap3A_536 = arith.index_cast %swap3A_535 : i32 to index
      %swap3A_537 = arith.index_cast %scan3A_405 : i32 to index
      %swap3A_538 = arith.constant 80 : index
      %swap3A_539 = tpu.vector_load %arg6[%swap3A_536, %swap3A_537, %swap3A_538] {strides = array<i32>} : memref<2x128x128xf32, #tpu.memory_space<vmem>>, vector<1x1x16xf32>,
      %swap3A_540 = vector.shape_cast %swap3A_539 : vector<1x1x16xf32> to vector<16xf32>
      %swap3A_541 = vector.shape_cast %broadcast_in_dim3A_1 : vector<16xf32> to vector<1x1x16xf32>
      tpu.vector_store %arg6[%swap3A_536, %swap3A_537, %swap3A_538], %swap3A_541 {strides = array<i32>} : memref<2x128x128xf32, #tpu.memory_space<vmem>>, vector<1x1x16xf32>,
      %get3A_542 = arith.constant 0 : i32
      %get3A_543 = arith.index_cast %get3A_542 : i32 to index
      %get3A_544 = arith.index_cast %scan3A_405 : i32 to index
      %get3A_545 = arith.constant 96 : index
      %get3A_546 = tpu.vector_load %arg6[%get3A_543, %get3A_544, %get3A_545] {strides = array<i32>} : memref<2x128x128xf32, #tpu.memory_space<vmem>>, vector<1x1x16xf32>,
      %get3A_547 = vector.shape_cast %get3A_546 : vector<1x1x16xf32> to vector<16xf32>
      %mul3A_548 = arith.constant 0.0909090936 : f32
      %mul3A_549 = vector.broadcast %mul3A_548 : f32 to vector<16xf32>
      %mul3A_550 = arith.mulf %get3A_547, %mul3A_549 : vector<16xf32>
      %swap3A_551 = arith.constant 0 : i32
      %swap3A_552 = arith.index_cast %swap3A_551 : i32 to index
      %swap3A_553 = arith.index_cast %scan3A_405 : i32 to index
      %swap3A_554 = arith.constant 96 : index
      %swap3A_555 = tpu.vector_load %arg7[%swap3A_552, %swap3A_553, %swap3A_554] {strides = array<i32>} : memref<2x128x128xf32, #tpu.memory_space<vmem>>, vector<1x1x16xf32>,
      %swap3A_556 = vector.shape_cast %swap3A_555 : vector<1x1x16xf32> to vector<16xf32>
      %swap3A_557 = vector.shape_cast %mul3A_550 : vector<16xf32> to vector<1x1x16xf32>
      tpu.vector_store %arg7[%swap3A_552, %swap3A_553, %swap3A_554], %swap3A_557 {strides = array<i32>} : memref<2x128x128xf32, #tpu.memory_space<vmem>>, vector<1x1x16xf32>,
      %swap3A_558 = arith.constant 0 : i32
      %swap3A_559 = arith.index_cast %swap3A_558 : i32 to index
      %swap3A_560 = arith.index_cast %scan3A_405 : i32 to index
      %swap3A_561 = arith.constant 96 : index
      %swap3A_562 = tpu.vector_load %arg6[%swap3A_559, %swap3A_560, %swap3A_561] {strides = array<i32>} : memref<2x128x128xf32, #tpu.memory_space<vmem>>, vector<1x1x16xf32>,
      %swap3A_563 = vector.shape_cast %swap3A_562 : vector<1x1x16xf32> to vector<16xf32>
      %swap3A_564 = vector.shape_cast %broadcast_in_dim3A_1 : vector<16xf32> to vector<1x1x16xf32>
      tpu.vector_store %arg6[%swap3A_559, %swap3A_560, %swap3A_561], %swap3A_564 {strides = array<i32>} : memref<2x128x128xf32, #tpu.memory_space<vmem>>, vector<1x1x16xf32>,
      %get3A_565 = arith.constant 0 : i32
      %get3A_566 = arith.index_cast %get3A_565 : i32 to index
      %get3A_567 = arith.index_cast %scan3A_405 : i32 to index
      %get3A_568 = arith.constant 112 : index
      %get3A_569 = tpu.vector_load %arg6[%get3A_566, %get3A_567, %get3A_568] {strides = array<i32>} : memref<2x128x128xf32, #tpu.memory_space<vmem>>, vector<1x1x16xf32>,
      %get3A_570 = vector.shape_cast %get3A_569 : vector<1x1x16xf32> to vector<16xf32>
      %mul3A_571 = arith.constant 0.0909090936 : f32
      %mul3A_572 = vector.broadcast %mul3A_571 : f32 to vector<16xf32>
      %mul3A_573 = arith.mulf %get3A_570, %mul3A_572 : vector<16xf32>
      %swap3A_574 = arith.constant 0 : i32
      %swap3A_575 = arith.index_cast %swap3A_574 : i32 to index
      %swap3A_576 = arith.index_cast %scan3A_405 : i32 to index
      %swap3A_577 = arith.constant 112 : index
      %swap3A_578 = tpu.vector_load %arg7[%swap3A_575, %swap3A_576, %swap3A_577] {strides = array<i32>} : memref<2x128x128xf32, #tpu.memory_space<vmem>>, vector<1x1x16xf32>,
      %swap3A_579 = vector.shape_cast %swap3A_578 : vector<1x1x16xf32> to vector<16xf32>
      %swap3A_580 = vector.shape_cast %mul3A_573 : vector<16xf32> to vector<1x1x16xf32>
      tpu.vector_store %arg7[%swap3A_575, %swap3A_576, %swap3A_577], %swap3A_580 {strides = array<i32>} : memref<2x128x128xf32, #tpu.memory_space<vmem>>, vector<1x1x16xf32>,
      %swap3A_581 = arith.constant 0 : i32
      %swap3A_582 = arith.index_cast %swap3A_581 : i32 to index
      %swap3A_583 = arith.index_cast %scan3A_405 : i32 to index
      %swap3A_584 = arith.constant 112 : index
      %swap3A_585 = tpu.vector_load %arg6[%swap3A_582, %swap3A_583, %swap3A_584] {strides = array<i32>} : memref<2x128x128xf32, #tpu.memory_space<vmem>>, vector<1x1x16xf32>,
      %swap3A_586 = vector.shape_cast %swap3A_585 : vector<1x1x16xf32> to vector<16xf32>
      %swap3A_587 = vector.shape_cast %broadcast_in_dim3A_1 : vector<16xf32> to vector<1x1x16xf32>
      tpu.vector_store %arg6[%swap3A_582, %swap3A_583, %swap3A_584], %swap3A_587 {strides = array<i32>} : memref<2x128x128xf32, #tpu.memory_space<vmem>>, vector<1x1x16xf32>,
    }
    %scan3A_361 = arith.constant 128 : i32
    %dma_start3A_362 = arith.constant 0 : i32
    %dma_start3A_363 = arith.constant 0 : i32
    %dma_start3A_364 = arith.constant 0 : i32
    %dma_start3A_365 = tpu.memref_slice %arg7[%dma_start3A_362, %dma_start3A_363, %dma_start3A_364] : memref<2x128x128xf32, #tpu.memory_space<vmem>> -> memref<1x128x128xf32, #tpu.memory_space<vmem>>
    %dma_start3A_366 = tpu.memref_squeeze %dma_start3A_365 : memref<1x128x128xf32, #tpu.memory_space<vmem>> -> memref<128x128xf32, #tpu.memory_space<vmem>>
    %dma_start3A_367 = arith.constant 0 : i32
    %dma_start3A_368 = tpu.memref_slice %arg4[%min3A_340, %dma_start3A_367] : memref<50000x128xf32, #tpu.memory_space<hbm>> -> memref<128x128xf32, #tpu.memory_space<hbm>>
    %dma_start3A_369 = arith.constant 0 : i32
    %dma_start3A_370 = tpu.memref_slice %arg4[%min3A_340, %dma_start3A_369] : memref<50000x128xf32, #tpu.memory_space<hbm>> -> memref<128x128xf32, #tpu.memory_space<hbm>>
    %dma_start3A_371 = arith.constant 0 : i32
    %dma_start3A_372 = arith.constant 0 : i32
    %dma_start3A_373 = tpu.memref_slice %arg7[%dma_start3A_362, %dma_start3A_371, %dma_start3A_372] : memref<2x128x128xf32, #tpu.memory_space<vmem>> -> memref<1x128x128xf32, #tpu.memory_space<vmem>>
    %dma_start3A_374 = tpu.memref_squeeze %dma_start3A_373 : memref<1x128x128xf32, #tpu.memory_space<vmem>> -> memref<128x128xf32, #tpu.memory_space<vmem>>
    tpu.enqueue_dma source(%dma_start3A_374 : memref<128x128xf32, #tpu.memory_space<vmem>>) target(%dma_start3A_370 : memref<128x128xf32, #tpu.memory_space<hbm>>) target_semaphore(%arg10 : memref<!tpu.dma_semaphore, #tpu.memory_space<semaphore_mem>>)
    %dma_wait3A_375 = arith.constant 0 : i32
    %dma_wait3A_376 = arith.constant 0 : i32
    %dma_wait3A_377 = arith.constant 0 : i32
    %dma_wait3A_378 = tpu.memref_slice %arg7[%dma_wait3A_375, %dma_wait3A_376, %dma_wait3A_377] : memref<2x128x128xf32, #tpu.memory_space<vmem>> -> memref<1x128x128xf32, #tpu.memory_space<vmem>>
    %dma_wait3A_379 = tpu.memref_squeeze %dma_wait3A_378 : memref<1x128x128xf32, #tpu.memory_space<vmem>> -> memref<128x128xf32, #tpu.memory_space<vmem>>
    %dma_wait3A_380 = arith.constant 0 : i32
    %dma_wait3A_381 = arith.constant 0 : i32
    %dma_wait3A_382 = tpu.memref_slice %arg4[%dma_wait3A_380, %dma_wait3A_381] : memref<50000x128xf32, #tpu.memory_space<hbm>> -> memref<128x128xf32, #tpu.memory_space<hbm>>
    %dma_wait3A_383 = arith.constant 0 : i32
    %dma_wait3A_384 = arith.constant 0 : i32
    %dma_wait3A_385 = tpu.memref_slice %arg4[%dma_wait3A_383, %dma_wait3A_384] : memref<50000x128xf32, #tpu.memory_space<hbm>> -> memref<128x128xf32, #tpu.memory_space<hbm>>
    %dma_wait3A_386 = arith.constant 0 : i32
    %dma_wait3A_387 = arith.constant 0 : i32
    %dma_wait3A_388 = tpu.memref_slice %arg7[%dma_wait3A_375, %dma_wait3A_386, %dma_wait3A_387] : memref<2x128x128xf32, #tpu.memory_space<vmem>> -> memref<1x128x128xf32, #tpu.memory_space<vmem>>
    %dma_wait3A_389 = tpu.memref_squeeze %dma_wait3A_388 : memref<1x128x128xf32, #tpu.memory_space<vmem>> -> memref<128x128xf32, #tpu.memory_space<vmem>>
    tpu.wait_dma2 semaphore(%arg10 : memref<!tpu.dma_semaphore, #tpu.memory_space<semaphore_mem>>) src(%dma_wait3A_389 : memref<128x128xf32, #tpu.memory_space<vmem>>) dst(%dma_wait3A_385 : memref<128x128xf32, #tpu.memory_space<hbm>>)
    %dma_wait3A_390 = arith.constant 1 : i32
    %dma_wait3A_391 = arith.constant 0 : i32
    %dma_wait3A_392 = arith.constant 0 : i32
    %dma_wait3A_393 = tpu.memref_slice %arg7[%dma_wait3A_390, %dma_wait3A_391, %dma_wait3A_392] : memref<2x128x128xf32, #tpu.memory_space<vmem>> -> memref<1x128x128xf32, #tpu.memory_space<vmem>>
    %dma_wait3A_394 = tpu.memref_squeeze %dma_wait3A_393 : memref<1x128x128xf32, #tpu.memory_space<vmem>> -> memref<128x128xf32, #tpu.memory_space<vmem>>
    %dma_wait3A_395 = arith.constant 0 : i32
    %dma_wait3A_396 = arith.constant 0 : i32
    %dma_wait3A_397 = tpu.memref_slice %arg4[%dma_wait3A_395, %dma_wait3A_396] : memref<50000x128xf32, #tpu.memory_space<hbm>> -> memref<128x128xf32, #tpu.memory_space<hbm>>
    %dma_wait3A_398 = arith.constant 0 : i32
    %dma_wait3A_399 = arith.constant 0 : i32
    %dma_wait3A_400 = tpu.memref_slice %arg4[%dma_wait3A_398, %dma_wait3A_399] : memref<50000x128xf32, #tpu.memory_space<hbm>> -> memref<128x128xf32, #tpu.memory_space<hbm>>
    %dma_wait3A_401 = arith.constant 0 : i32
    %dma_wait3A_402 = arith.constant 0 : i32
    %dma_wait3A_403 = tpu.memref_slice %arg7[%dma_wait3A_390, %dma_wait3A_401, %dma_wait3A_402] : memref<2x128x128xf32, #tpu.memory_space<vmem>> -> memref<1x128x128xf32, #tpu.memory_space<vmem>>
    %dma_wait3A_404 = tpu.memref_squeeze %dma_wait3A_403 : memref<1x128x128xf32, #tpu.memory_space<vmem>> -> memref<128x128xf32, #tpu.memory_space<vmem>>
    tpu.wait_dma2 semaphore(%arg11 : memref<!tpu.dma_semaphore, #tpu.memory_space<semaphore_mem>>) src(%dma_wait3A_404 : memref<128x128xf32, #tpu.memory_space<vmem>>) dst(%dma_wait3A_400 : memref<128x128xf32, #tpu.memory_space<hbm>>)
    return
  }
}

</mosaic_0001>

<sc_bundles>
// kernel: kernel.3.cloned.1.call-start
scs
__scs_entry_jumppad:
0x0: {  	(pc) =	sbr.rel $0x88, $3  }
0x1: {  	(tag) =	ssettag $0x0;
	lr =	simm.s32 $0x1  }
0x2: {  	[smem:$0x3F9D] =	sst lr;
	_ =	strace $0xD0000000  }
0x3: {  	_ = 	snop  }
0x4: {  	_ = 	snop  }
0x5: {  	_ = 	snop  }
0x6: {  	_ = 	snop  }
0x7: {  	_ = 	snop  }
__scs_overlays_trampoline_lowered:
0x8: {  	[smem:$0x3FAC] =	sst s0  }
0x9: {  	[smem:$0x3FAD] =	sst s1  }
0xa: {  	[smem:$0x3FAE] =	sst s2  }
0xb: {  	[smem:$0x3FAF] =	sst s3  }
0xc: {  	[smem:$0x3FB0] =	sst s4  }
0xd: {  	[smem:$0x3FB1] =	sst s5  }
0xe: {  	[smem:$0x3FB2] =	sst s6  }
0xf: {  	[smem:$0x3FB3] =	sst s7  }
0x10: {  	[smem:$0x3FB4] =	sst s8  }
0x11: {  	[smem:$0x3FB5] =	sst s9;
	s0 =	simm.s32 @!p0 $0x0  }
0x12: {  	s1 =	sld [smem:$0x3F9B];
	s0 =	simm.s32 @p0 $0x1  }
0x13: {  	[smem:$0x3FB6] =	sst s0;
	s0 =	simm.s32 @!p1 $0x0  }
0x14: {  	s2 =	sld [smem:$0x3F9A];
	s0 =	simm.s32 @p1 $0x1  }
0x15: {  	[smem:$0x3FB7] =	sst s0;
	s0 =	simm.s32 @!p2 $0x0  }
0x16: {  	s3 =	sld [smem:$0x3FDB];
	s0 =	simm.s32 @p2 $0x1  }
0x17: {  	s4 =	simm.s32 $0x1BF5;
	[smem:$0x3FB9] =	sst s0  }
0x18: {  	s0 =	sld [smem:$0x3F9C];
	_ =	swait.ge [sflag:s4], $0x0  }
0x19: {  	s7 =	sld [smem:$0x3F9D]  }
0x1a: {  	s8 =	sadd.s32 $0xFFFFE003, lr  }
0x1b: {  	s9 =	sadd.s32 $0xFFFFFEF7, lr;
	s5 =	simm.s32 $0xFFFFFFFF;
	p2 =	slt.u32 s8, $0xFFFFF086  }
0x1c: {  	p1 =	slt.u32 s9, $0xF7A;
	s5 =	simm.s32 @!p2 $0x0  }
0x1d: {  	s5 =	simm.s32 @p1 $0x1;
	p0 =	seq.s32 s7, s2  }
0x1e: {  	s7 =	smul.u32 @!p0 $0xF7A, s2;
	p2 =	seq.s32 @!p0 s5, $0x0  }
0x1f: {  	s9 =	smul.u32 $0xF7A, s1;
	s8 =	simm.s32 @!p0 $0x1BF5;
	p2 =	por !p2, p0  }
0x20: {  	[sflag:s8] =	ssyncset.s32 @!p0 $0xFFFFF086;
	s6 =	sadd.s32 @!p0 s3, s7;
	s7 =	simm.s32 @!p0 $0x108  }
0x21: {  	s3 =	sadd.s32 s3, s9;
	s6 =	sadd.s32 @!p0 $0x88, s6;
	s7 =	simm.s32 @p2 $0x1082  }
0x22: {  	[simem:s7], [sflag:s8] =	dma.local @!p0 [hbm:s6], $0xF7A  }
0x23: {  	s9 =	sor.u32 $0xD0000000, s2;
	s6 =	simm.s32 $0x108;
	_ =	swait.ge @!p0 [sflag:s8], $0x0  }
0x24: {  	s3 =	sadd.s32 $0x88, s3;
	s6 =	simm.s32 @!p1 $0x1082;
	[sflag:s4] =	ssyncset.s32 $0xFFFFF086  }
0x25: {  	[simem:s6], [sflag:s4] =	dma.local [hbm:s3], $0xF7A  }
0x26: {  	[smem:$0x3F9D] =	sst s1;
	(tag) =	ssettag s2;
	_ =	strace s9  }
0x27: {  	s1 =	sld [smem:$0x3FAD]  }
0x28: {  	s2 =	sld [smem:$0x3FAE]  }
0x29: {  	s4 =	sld [smem:$0x3FB0]  }
0x2a: {  	p0 =	seq.s32 s5, $0x0;
	s5 =	sld [smem:$0x3FB1]  }
0x2b: {  	s6 =	sld [smem:$0x3FB2]  }
0x2c: {  	s7 =	sld [smem:$0x3FB3]  }
0x2d: {  	s3 =	simm.s32 $0x108;
	s8 =	sld [smem:$0x3FB4]  }
0x2e: {  	s3 =	simm.s32 @!p0 $0x1082;
	s9 =	sld [smem:$0x3FB5]  }
0x2f: {  	lr =	sadd.s32 s0, s3;
	s0 =	sld [smem:$0x3FAC]  }
0x30: {  	s3 =	sld [smem:$0x3FAF]  }
0x31: {  	[smem:$0x3FB8] =	sst s10  }
0x32: {  	s10 =	sld [smem:$0x3FB6];
	_ =	sdelay $0x3  }
0x33: {  	p0 =	seq.s32 s10, $0x1;
	s10 =	sld [smem:$0x3FB8];
	_ =	sdelay $0x3  }
0x34: {  	[smem:$0x3FB8] =	sst s10  }
0x35: {  	s10 =	sld [smem:$0x3FB7];
	_ =	sdelay $0x3  }
0x36: {  	p1 =	seq.s32 s10, $0x1;
	s10 =	sld [smem:$0x3FB8];
	_ =	sdelay $0x3  }
0x37: {  	[smem:$0x3FB8] =	sst s10  }
0x38: {  	s10 =	sld [smem:$0x3FB9]  }
0x39: {  	_ = 	snop;
	(pc) =	sbr.ind lr, $3  }
0x3a: {  	_ = 	snop  }
0x3b: {  	_ = 	snop  }
0x3c: {  	p2 =	seq.s32 s10, $0x1;
	s10 =	sld [smem:$0x3FB8]  }
0x3d: {  	_ =	shalt  }
0x3e: {  	_ =	shalt  }
0x3f: {  	_ =	shalt  }
0x40: {  	_ =	shalt  }
0x41: {  	_ =	shalt  }
0x42: {  	_ =	shalt  }
0x43: {  	_ =	shalt  }
0x44: {  	_ =	shalt  }
0x45: {  	_ =	shalt  }
0x46: {  	_ =	shalt  }
0x47: {  	_ =	shalt  }
0x48: {  	_ =	shalt  }
0x49: {  	_ =	shalt  }
0x4a: {  	_ =	shalt  }
0x4b: {  	_ =	shalt  }
0x4c: {  	_ =	shalt  }
0x4d: {  	_ =	shalt  }
0x4e: {  	_ =	shalt  }
0x4f: {  	_ =	shalt  }
0x50: {  	_ =	shalt  }
0x51: {  	_ =	shalt  }
0x52: {  	_ =	shalt  }
0x53: {  	_ =	shalt  }
0x54: {  	_ =	shalt  }
0x55: {  	_ =	shalt  }
0x56: {  	_ =	shalt  }
0x57: {  	_ =	shalt  }
0x58: {  	_ =	shalt  }
0x59: {  	_ =	shalt  }
0x5a: {  	_ =	shalt  }
0x5b: {  	_ =	shalt  }
0x5c: {  	_ =	shalt  }
0x5d: {  	_ =	shalt  }
0x5e: {  	_ =	shalt  }
0x5f: {  	_ =	shalt  }
0x60: {  	_ =	shalt  }
0x61: {  	_ =	shalt  }
0x62: {  	_ =	shalt  }
0x63: {  	_ =	shalt  }
0x64: {  	_ =	shalt  }
0x65: {  	_ =	shalt  }
0x66: {  	_ =	shalt  }
0x67: {  	_ =	shalt  }
0x68: {  	_ =	shalt  }
0x69: {  	_ =	shalt  }
0x6a: {  	_ =	shalt  }
0x6b: {  	_ =	shalt  }
0x6c: {  	_ =	shalt  }
0x6d: {  	_ =	shalt  }
0x6e: {  	_ =	shalt  }
0x6f: {  	_ =	shalt  }
0x70: {  	_ =	shalt  }
0x71: {  	_ =	shalt  }
0x72: {  	_ =	shalt  }
0x73: {  	_ =	shalt  }
0x74: {  	_ =	shalt  }
0x75: {  	_ =	shalt  }
0x76: {  	_ =	shalt  }
0x77: {  	_ =	shalt  }
0x78: {  	_ =	shalt  }
0x79: {  	_ =	shalt  }
0x7a: {  	_ =	shalt  }
0x7b: {  	_ =	shalt  }
0x7c: {  	_ =	shalt  }
0x7d: {  	_ =	shalt  }
0x7e: {  	_ =	shalt  }
0x7f: {  	_ =	shalt  }
0x80: {  	_ =	shalt  }
0x81: {  	_ =	shalt  }
0x82: {  	_ =	shalt  }
0x83: {  	_ =	shalt  }
0x84: {  	_ =	shalt  }
0x85: {  	_ =	shalt  }
0x86: {  	_ =	shalt  }
0x87: {  	_ =	shalt  }
.Lfunc_end0:
.L_simem_size_0:
called_computation_lowered:
.L_overlay_start_0:
0x88: {  	s2 =	sld [smem:$0x3FD9]  }
0x89: {  	s3 =	sld [smem:$0x3FFE];
	_ =	sdelay $0x1  }
0x8a: {  	s1 =	srdreg.scid  }
0x8b: {  	s0 =	sand.u32 $0x1, s1  }
0x8c: {  	s17 =	sshll.u32 s0, $0xA;
	s2 =	sadd.s32 s3, s2  }
0x8d: {  	s2 =	sadd.s32 s2, s17  }
0x8e: {  	[smem:$0x3FC4] =	sst s2  }
0x8f: {  	_ = 	snop  }
0x90: {  	s2 =	sld [smem:$0x3FC9]  }
0x91: {  	s18 =	sld [smem:$0x3FD0];
	(tm) =	ssettm $0x1  }
0x92: {  	s4 =	sld [smem:$0x3FFB];
	_ =	sdelay $0x3  }
0x93: {  	_ =	strace s4  }
0x94: {  	s4 =	sld [smem:$0x3FFC];
	_ =	sdelay $0x3  }
0x95: {  	_ =	strace s4  }
0x96: {  	s4 =	sld [smem:$0x3FFD];
	_ =	sdelay $0x3  }
0x97: {  	_ =	strace s4  }
0x98: {  	_ =	strace $0x8FFFFFFF  }
0x99: {  	s19 =	sld [smem:$0x3FDB];
	_ =	sdelay $0x1  }
0x9a: {  	s5 =	simm.s32 $_scs_section_size  }
0x9b: {  	s6 =	simm.s32 $_size__tile_overlayer_lowered;
	s7 =	simm.s32 $_tile_overlayer_lowered  }
0x9c: {  	s22 =	simm.s32 $0x1BFF;
	s21 =	sshll.u32 s7, $0x1;
	s4 =	sadd.s32 s5, s19  }
0x9d: {  	s8 =	simm.s32 $0x0;
	s20 =	sshll.u32 s6, $0x1;
	s6 =	sadd.s32 s21, s4  }
0x9e: {  	[timem:s8], [sflag:s22] =	dma.local [hbm:s6], s20  }
0x9f: {  	_ =	swait.ge [sflag:s22], s20  }
0xa0: {  	s5 =	ssub.s32 $0x0, s20;
	[sflag:s22] =	ssyncset.done $0x0  }
0xa1: {  	[sflag:s22] =	ssyncadd.s32 s5;
	_ =	sdelay $0x1  }
0xa2: {  	s23 =	simm.s32 $0x1B8B  }
0xa3: {  	_ =	swait.ge [sflag:s23], $0x1  }
0xa4: {  	[sflag:s23] =	ssyncset.done $0x0  }
0xa5: {  	s25 =	simm.s32 $0x1B8E;
	s24 =	sld [smem:$0x3FFE];
	[sflag:s23] =	ssyncadd.s32 $0xFFFFFFFF  }
0xa6: {  	s26 =	simm.s32 $execute0_lowered;
	[smem:$0x3FD2] =	sst s25  }
0xa7: {  	s6 =	sshll.u32 s26, $0x1;
	_ =	strace $0x80000046;
	[dreg:$0x1] =	wrdreg $0xFFFFFFFF  }
0xa8: {  	s28 =	simm.s32 $_size_execute0_lowered;
	s4 =	sadd.s32 s4, s6;
	[dreg:$0x0] =	wrdreg $0x0  }
0xa9: {  	s6 =	sshll.u32 s28, $0x1;
	[dreg:$0x2] =	wrdreg s4  }
0xaa: {  	[dreg:$0x3] =	wrdreg s6  }
0xab: {  	[dreg:$0x4] =	wrdreg $0xC0  }
0xac: {  	_ =	task [dreg:s8], $0x5FFFF  }
0xad: {  	[dreg:$0x1] =	wrdreg $0xFFFFFFFF  }
0xae: {  	[dreg:$0x0] =	wrdreg $0x60  }
0xaf: {  	[dreg:$0x2] =	wrdreg s2  }
0xb0: {  	[dreg:$0x3] =	wrdreg s24  }
0xb1: {  	[dreg:$0x4] =	wrdreg s18  }
0xb2: {  	[dreg:$0x5] =	wrdreg $0x9  }
0xb3: {  	_ =	task.clear_ibuf [dreg:s8], $0x6FFFF;
	_ =	strace $0x90000046  }
0xb4: {  	s29 =	simm.s32 $0x9;
	_ =	strace $0x80000048  }
0xb5: {  	_ =	swait.ge [sflag:s29], $0x1  }
0xb6: {  	[sflag:s29] =	ssyncadd.s32 $0xFFFFFFFF  }
0xb7: {  	_ =	strace $0x90000048  }
0xb8: {  	_ =	sfence  }
0xb9: {  	s30 =	sld [smem:$0x0];
	_ =	sdelay $0x2  }
0xba: {  	s31 =	sshll.u32 s1, $0xD;
	s1 =	sshrl.u32 s1, $0x2  }
0xbb: {  	s3 =	sand.u32 $0x4000, s31;
	s1 =	sadd.s32 s1, s30  }
0xbc: {  	s0 =	sor.u32 s3, s0;
	s1 =	sshll.u32 s1, $0x11  }
0xbd: {  	s0 =	sor.u32 s1, s0  }
0xbe: {  	s0 =	sadd.s32 $0x8F2B, s0  }
0xbf: {  	[sflag:s0] =	ssyncadd.remote.s32 $0x1  }
0xc0: {  	_ =	sfence.sel $0xFFFF  }
0xc1: {  	[dreg:$0x0] =	wrdreg $0xFFFFFFFF;
	(pc) =	sbr.abs _section_cstart, $3  }
0xc2: {  	[dreg:$0x1] =	wrdreg $0xFFFFFFFF  }
0xc3: {  	_ =	task.clear_ibuf [dreg:s8], $0x2FFFF;
	_ =	strace $0x9FFFFFFF  }
0xc4: {  	(tm) =	ssettm $0x7FFFFFFF  }
0xc5: {  	_ =	shalt  }
tec
execute0_lowered:
.L_overlay_start_1:
0x0: {  	(tag) =	ssettag $0x1  }
0x1: {  	s0 =	srdreg.scid  }
0x2: {  	s0 =	sand.u32 $0x1, s0  }
0x3: {  	s3 =	stileid.u32;
	s2 =	sshll.u32 s0, $0x4  }
0x4: {  	s2 =	sor.u32 s3, s2  }
0x5: {  	s7 =	smul.u32 $0x680, s2;
	_ =	sdelay $0x1  }
0x6: {  	s1 =	rddreg [dreg:$0x0];
	s5 =	smin.u32 s7, $0xBCD0  }
0x7: {  	s6 =	rddreg [dreg:$0x1];
	s4 =	simm.s32 $0x0;
	s8 =	sshrl.u32 s5, $0x3  }
0x8: {  	[smem:$0x7FF] =	sst s4;
	s6 =	sadd.s32 s8, s6  }
0x9: {  	s10 =	simm.s32 $0x1;
	s3 =	rddreg [dreg:$0x2];
	s8 =	sadd.s32 $0x400, s6  }
0xa: {  	_ =	strace $0x80000047;
	s12 =	sadd.s32 $0x1C70, s6;
	[dreg:$0x4] =	wrdreg s8  }
0xb: {  	s11 =	simm.s32 $0xC780;
	s13 =	sadd.s32 $0x34E0, s6;
	[dreg:$0x5] =	wrdreg s12  }
0xc: {  	s0 =	ssub.s32 $0x2, s0;
	s14 =	sadd.s32 $0x4D50, s6;
	[dreg:$0x6] =	wrdreg s13  }
0xd: {  	s9 =	sshrl.u32 s0, $0x1;
	s15 =	sadd.s32 $0x65C0, s6;
	[dreg:$0x7] =	wrdreg s14  }
0xe: {  	s0 =	ssub.s32 s0, s9;
	s16 =	sadd.s32 $0x7E30, s6;
	[dreg:$0x8] =	wrdreg s15  }
0xf: {  	s9 =	simm.s32 $0x8780;
	s17 =	sadd.s32 $0x96A0, s6;
	[dreg:$0x9] =	wrdreg s16  }
0x10: {  	s7 =	smin.u32 s7, $0xC2D0;
	s18 =	sadd.s32 $0xAF10, s6;
	[dreg:$0xa] =	wrdreg s17  }
0x11: {  	s25 =	sshll.u32 s5, $0x4;
	s19 =	sadd.s32 $0xC780, s6;
	[dreg:$0xb] =	wrdreg s18  }
0x12: {  	s26 =	sadd.s32 s25, s3;
	s20 =	sadd.s32 $0xDFF0, s6;
	[dreg:$0xc] =	wrdreg s19  }
0x13: {  	s25 =	smax.u32 s0, $0x1;
	s6 =	sadd.s32 $0xF860, s6;
	[dreg:$0xd] =	wrdreg s20  }
0x14: {  	s16 =	ssub.s32 s7, s5;
	[dreg:$0xe] =	wrdreg s6;
	s6 =	simm.s32 $0x5  }
0x15: {  	s8 =	simm.s32 $0x4780;
	s12 =	simm.s32 $0x2;
	s13 =	simm.s32 $0x10780  }
0x16: {  	s14 =	simm.s32 $0x3;
	s15 =	simm.s32 $0x4;
	s21 =	sadd.s32 $0x680, s16  }
0x17: {  	s17 =	simm.s32 $0x0;
	s22 =	sadd.s32 $0xD00, s16;
	[dreg:$0xf] =	wrdreg s21  }
0x18: {  	s23 =	sadd.s32 $0x1380, s16;
	s24 =	sadd.s32 $0x1A00, s16;
	[dreg:$0x10] =	wrdreg s22  }
0x19: {  	s7 =	sadd.s32 $0x2080, s16;
	s28 =	sadd.s32 $0x2D80, s16;
	[dreg:$0x11] =	wrdreg s23  }
0x1a: {  	s29 =	sadd.s32 $0x3400, s16;
	s30 =	sadd.s32 $0x3A80, s16;
	[dreg:$0x12] =	wrdreg s24  }
0x1b: {  	s31 =	sadd.s32 $0x4100, s16;
	[dreg:$0x13] =	wrdreg s7;
	s23 =	smul.u32 $0xD, s2  }
0x1c: {  	s2 =	sadd.s32 $0x6000, s26;
	s26 =	sadd.s32 $0x2700, s16;
	s7 =	simm.s32 $0x80  }
0x1d: {  	v0 =	vimm.f32 $0.0e+00;
	[dreg:$0x14] =	wrdreg s2;
	s2 =	sadd.s32 $0x1, s23;
	s0 =	sadd.s32 $0x2, s23  }
.LBB2_1:
0x1e: {  	s18 =	rddreg [dreg:$0x4]  }
0x1f: {  	[tilespmem:s4], [sflag:$0x5] =	stream.linear.gather [hbm4b:s18+s4], $0x680, $0x38;
	[tilespmem:$0x14780] =	vst v63  }
0x20: {  	_ =	swait.ge [sflag:s6], $0x680  }
0x21: {  	[sflag:s6] =	ssyncset.done $0x0  }
0x22: {  	s19 =	simm.s32 $0x680;
	s21 =	rddreg [dreg:$0x5];
	[sflag:s6] =	ssyncadd.s32 $0xFFFFF980  }
0x23: {  	[tilespmem:s19], [sflag:$0x5] =	stream.linear.gather [hbm4b:s21+s4], $0x680, $0x38;
	[tilespmem:$0x14780] =	vst v63  }
0x24: {  	_ =	swait.ge [sflag:s6], $0x680  }
0x25: {  	[sflag:s6] =	ssyncset.done $0x0  }
0x26: {  	s24 =	simm.s32 $0xD00;
	s22 =	rddreg [dreg:$0x6];
	[sflag:s6] =	ssyncadd.s32 $0xFFFFF980  }
0x27: {  	[tilespmem:s24], [sflag:$0x5] =	stream.linear.gather [hbm4b:s22+s4], $0x680, $0x38;
	[tilespmem:$0x14780] =	vst v63  }
0x28: {  	_ =	swait.ge [sflag:s6], $0x680  }
0x29: {  	[sflag:s6] =	ssyncset.done $0x0  }
0x2a: {  	s21 =	simm.s32 $0x1380;
	s20 =	rddreg [dreg:$0x7];
	[sflag:s6] =	ssyncadd.s32 $0xFFFFF980  }
0x2b: {  	[tilespmem:s21], [sflag:$0x5] =	stream.linear.gather [hbm4b:s20+s4], $0x680, $0x38;
	[tilespmem:$0x14780] =	vst v63  }
0x2c: {  	_ =	swait.ge [sflag:s6], $0x680  }
0x2d: {  	[sflag:s6] =	ssyncset.done $0x0  }
0x2e: {  	s24 =	simm.s32 $0x1A00;
	s22 =	rddreg [dreg:$0x8];
	[sflag:s6] =	ssyncadd.s32 $0xFFFFF980  }
0x2f: {  	[tilespmem:s24], [sflag:$0x5] =	stream.linear.gather [hbm4b:s22+s4], $0x680, $0x38;
	[tilespmem:$0x14780] =	vst v63  }
0x30: {  	_ =	swait.ge [sflag:s6], $0x680  }
0x31: {  	[sflag:s6] =	ssyncset.done $0x0  }
0x32: {  	s21 =	simm.s32 $0x2080;
	s20 =	rddreg [dreg:$0x9];
	[sflag:s6] =	ssyncadd.s32 $0xFFFFF980  }
0x33: {  	[tilespmem:s21], [sflag:$0x5] =	stream.linear.gather [hbm4b:s20+s4], $0x680, $0x38;
	[tilespmem:$0x14780] =	vst v63  }
0x34: {  	_ =	swait.ge [sflag:s6], $0x680  }
0x35: {  	[sflag:s6] =	ssyncset.done $0x0  }
0x36: {  	s24 =	simm.s32 $0x2700;
	s22 =	rddreg [dreg:$0xa];
	[sflag:s6] =	ssyncadd.s32 $0xFFFFF980  }
0x37: {  	[tilespmem:s24], [sflag:$0x5] =	stream.linear.gather [hbm4b:s22+s4], $0x680, $0x38;
	[tilespmem:$0x14780] =	vst v63  }
0x38: {  	_ =	swait.ge [sflag:s6], $0x680  }
0x39: {  	[sflag:s6] =	ssyncset.done $0x0  }
0x3a: {  	s21 =	simm.s32 $0x2D80;
	s20 =	rddreg [dreg:$0xb];
	[sflag:s6] =	ssyncadd.s32 $0xFFFFF980  }
0x3b: {  	[tilespmem:s21], [sflag:$0x5] =	stream.linear.gather [hbm4b:s20+s4], $0x680, $0x38;
	[tilespmem:$0x14780] =	vst v63  }
0x3c: {  	_ =	swait.ge [sflag:s6], $0x680  }
0x3d: {  	[sflag:s6] =	ssyncset.done $0x0  }
0x3e: {  	s24 =	simm.s32 $0x3400;
	s22 =	rddreg [dreg:$0xc];
	[sflag:s6] =	ssyncadd.s32 $0xFFFFF980  }
0x3f: {  	[tilespmem:s24], [sflag:$0x5] =	stream.linear.gather [hbm4b:s22+s4], $0x680, $0x38;
	[tilespmem:$0x14780] =	vst v63  }
0x40: {  	_ =	swait.ge [sflag:s6], $0x680  }
0x41: {  	[sflag:s6] =	ssyncset.done $0x0  }
0x42: {  	s21 =	simm.s32 $0x3A80;
	s20 =	rddreg [dreg:$0xd];
	[sflag:s6] =	ssyncadd.s32 $0xFFFFF980  }
0x43: {  	[tilespmem:s21], [sflag:$0x5] =	stream.linear.gather [hbm4b:s20+s4], $0x680, $0x38;
	[tilespmem:$0x14780] =	vst v63  }
0x44: {  	_ =	swait.ge [sflag:s6], $0x680  }
0x45: {  	[sflag:s6] =	ssyncset.done $0x0  }
0x46: {  	s24 =	simm.s32 $0x4100;
	s22 =	rddreg [dreg:$0xe];
	[sflag:s6] =	ssyncadd.s32 $0xFFFFF980  }
0x47: {  	[tilespmem:s24], [sflag:$0x5] =	stream.linear.gather [hbm4b:s22+s4], $0x680, $0x38;
	[tilespmem:$0x14780] =	vst v63  }
0x48: {  	_ =	swait.ge [sflag:s6], $0x680  }
0x49: {  	[sflag:s6] =	ssyncset.done $0x0  }
0x4a: {  	s18 =	simm.s32 $0x0;
	s19 =	simm.s32 $0x200;
	[sflag:s6] =	ssyncadd.s32 $0xFFFFF980  }
.LBB2_2:
0x4b: {  	p0 =	sne.s32 s19, $0xFE00;
	[tilespmem:s18+$0x47F0] =	vst v0  }
0x4c: {  	[tilespmem:s18+$0x4780] =	vst v0  }
0x4d: {  	[tilespmem:s18+$0x4790] =	vst v0  }
.Ltmp0:
0x4e: {  	[tilespmem:s18+$0x47A0] =	vst v0;
	(pc) =	sbr.rel @p0 .LBB2_2-.Ltmp0, $4  }
0x4f: {  	[tilespmem:s18+$0x47B0] =	vst v0  }
0x50: {  	[tilespmem:s18+$0x47C0] =	vst v0  }
0x51: {  	[tilespmem:s18+$0x47D0] =	vst v0  }
0x52: {  	[tilespmem:s18+$0x47E0] =	vst v0;
	s18 =	sshra.s32 s19, $0x2;
	s19 =	sadd.s32 $0x200, s19  }
0x53: {  	[tilespmem:s18+$0x47F0] =	vst v0  }
0x54: {  	[tilespmem:s18+$0x4780] =	vst v0  }
0x55: {  	[tilespmem:s18+$0x4790] =	vst v0  }
0x56: {  	[tilespmem:s18+$0x47A0] =	vst v0  }
0x57: {  	[tilespmem:s18+$0x47B0] =	vst v0  }
0x58: {  	[tilespmem:s18+$0x47C0] =	vst v0  }
0x59: {  	[tilespmem:s18+$0x47D0] =	vst v0  }
0x5a: {  	[tilespmem:s18+$0x47E0] =	vst v0;
	s18 =	simm.s32 $0x0;
	s19 =	simm.s32 $0x200  }
.LBB2_4:
0x5b: {  	p0 =	sne.s32 s19, $0xFE00;
	[tilespmem:s18+$0x87F0] =	vst v0  }
0x5c: {  	[tilespmem:s18+$0x8780] =	vst v0  }
0x5d: {  	[tilespmem:s18+$0x8790] =	vst v0  }
.Ltmp1:
0x5e: {  	[tilespmem:s18+$0x87A0] =	vst v0;
	(pc) =	sbr.rel @p0 .LBB2_4-.Ltmp1, $4  }
0x5f: {  	[tilespmem:s18+$0x87B0] =	vst v0  }
0x60: {  	[tilespmem:s18+$0x87C0] =	vst v0  }
0x61: {  	[tilespmem:s18+$0x87D0] =	vst v0  }
0x62: {  	[tilespmem:s18+$0x87E0] =	vst v0;
	s18 =	sshra.s32 s19, $0x2;
	s19 =	sadd.s32 $0x200, s19  }
0x63: {  	[tilespmem:s18+$0x87F0] =	vst v0  }
0x64: {  	[tilespmem:s18+$0x8780] =	vst v0  }
0x65: {  	[tilespmem:s18+$0x8790] =	vst v0  }
0x66: {  	[tilespmem:s18+$0x87A0] =	vst v0  }
0x67: {  	[tilespmem:s18+$0x87B0] =	vst v0  }
0x68: {  	[tilespmem:s18+$0x87C0] =	vst v0  }
0x69: {  	[tilespmem:s18+$0x87D0] =	vst v0  }
0x6a: {  	[tilespmem:s18+$0x87E0] =	vst v0  }
0x6b: {  	[tilespmem:s8], [sflag:$0x1] =	stream.indirect.gather.add.f32 [hbm:s1], $0x80, s16, s7, $0xb8;
	[tilespmem:$0x14780] =	vst v63  }
0x6c: {  	s19 =	rddreg [dreg:$0xf]  }
0x6d: {  	[tilespmem:s8], [sflag:$0x1] =	stream.indirect.gather.add.f32 [hbm:s1], $0x80, s19, s7, $0xb8;
	[tilespmem:$0x14780] =	vst v63  }
0x6e: {  	s20 =	rddreg [dreg:$0x10]  }
0x6f: {  	[tilespmem:s8], [sflag:$0x1] =	stream.indirect.gather.add.f32 [hbm:s1], $0x80, s20, s7, $0xb8;
	[tilespmem:$0x14780] =	vst v63  }
0x70: {  	s21 =	rddreg [dreg:$0x11]  }
0x71: {  	[tilespmem:s8], [sflag:$0x1] =	stream.indirect.gather.add.f32 [hbm:s1], $0x80, s21, s7, $0xb8;
	[tilespmem:$0x14780] =	vst v63  }
0x72: {  	s22 =	rddreg [dreg:$0x12]  }
0x73: {  	[tilespmem:s8], [sflag:$0x1] =	stream.indirect.gather.add.f32 [hbm:s1], $0x80, s22, s7, $0xb8;
	[tilespmem:$0x14780] =	vst v63  }
0x74: {  	s24 =	rddreg [dreg:$0x13]  }
0x75: {  	[tilespmem:s8], [sflag:$0x1] =	stream.indirect.gather.add.f32 [hbm:s1], $0x80, s24, s7, $0xb8;
	[tilespmem:$0x14780] =	vst v63  }
0x76: {  	_ = 	snop  }
0x77: {  	[tilespmem:s8], [sflag:$0x1] =	stream.indirect.gather.add.f32 [hbm:s1], $0x80, s26, s7, $0xb8;
	[tilespmem:$0x14780] =	vst v63  }
0x78: {  	_ = 	snop  }
0x79: {  	[tilespmem:s8], [sflag:$0x1] =	stream.indirect.gather.add.f32 [hbm:s1], $0x80, s28, s7, $0xb8;
	[tilespmem:$0x14780] =	vst v63  }
0x7a: {  	_ = 	snop  }
0x7b: {  	[tilespmem:s8], [sflag:$0x1] =	stream.indirect.gather.add.f32 [hbm:s1], $0x80, s29, s7, $0xb8;
	[tilespmem:$0x14780] =	vst v63  }
0x7c: {  	_ = 	snop  }
0x7d: {  	[tilespmem:s8], [sflag:$0x1] =	stream.indirect.gather.add.f32 [hbm:s1], $0x80, s30, s7, $0xb8;
	[tilespmem:$0x14780] =	vst v63  }
0x7e: {  	s18 =	simm.s32 $0x0  }
0x7f: {  	[tilespmem:s8], [sflag:$0x1] =	stream.indirect.gather.add.f32 [hbm:s1], $0x80, s31, s7, $0xb8;
	[tilespmem:$0x14780] =	vst v63  }
.LBB2_6:
0x80: {  	s20 =	sshll.u32 s18, $0x1  }
0x81: {  	s19 =	sadd.s32 s2, s20  }
0x82: {  	s19 =	sshll.u32 s19, $0x7  }
0x83: {  	s19 =	smin.u32 s19, $0xC2D0  }
0x84: {  	s21 =	ssub.s32 s19, s5  }
0x85: {  	[tilespmem:s9], [sflag:$0x2] =	stream.indirect.gather.add.f32 [hbm:s1], $0x80, s21, s7, $0xb8;
	[tilespmem:$0x14780] =	vst v63  }
0x86: {  	s22 =	sadd.s32 $0x680, s21  }
0x87: {  	[tilespmem:s9], [sflag:$0x2] =	stream.indirect.gather.add.f32 [hbm:s1], $0x80, s22, s7, $0xb8;
	[tilespmem:$0x14780] =	vst v63  }
0x88: {  	s24 =	sadd.s32 $0xD00, s21  }
0x89: {  	[tilespmem:s9], [sflag:$0x2] =	stream.indirect.gather.add.f32 [hbm:s1], $0x80, s24, s7, $0xb8;
	[tilespmem:$0x14780] =	vst v63  }
0x8a: {  	s24 =	sadd.s32 $0x1380, s21  }
0x8b: {  	[tilespmem:s9], [sflag:$0x2] =	stream.indirect.gather.add.f32 [hbm:s1], $0x80, s24, s7, $0xb8;
	[tilespmem:$0x14780] =	vst v63  }
0x8c: {  	s24 =	sadd.s32 $0x1A00, s21  }
0x8d: {  	[tilespmem:s9], [sflag:$0x2] =	stream.indirect.gather.add.f32 [hbm:s1], $0x80, s24, s7, $0xb8;
	[tilespmem:$0x14780] =	vst v63  }
0x8e: {  	s24 =	sadd.s32 $0x2080, s21  }
0x8f: {  	[tilespmem:s9], [sflag:$0x2] =	stream.indirect.gather.add.f32 [hbm:s1], $0x80, s24, s7, $0xb8;
	[tilespmem:$0x14780] =	vst v63  }
0x90: {  	s24 =	sadd.s32 $0x2700, s21  }
0x91: {  	[tilespmem:s9], [sflag:$0x2] =	stream.indirect.gather.add.f32 [hbm:s1], $0x80, s24, s7, $0xb8;
	[tilespmem:$0x14780] =	vst v63  }
0x92: {  	s24 =	sadd.s32 $0x2D80, s21  }
0x93: {  	[tilespmem:s9], [sflag:$0x2] =	stream.indirect.gather.add.f32 [hbm:s1], $0x80, s24, s7, $0xb8;
	[tilespmem:$0x14780] =	vst v63  }
0x94: {  	s24 =	sadd.s32 $0x3400, s21  }
0x95: {  	[tilespmem:s9], [sflag:$0x2] =	stream.indirect.gather.add.f32 [hbm:s1], $0x80, s24, s7, $0xb8;
	[tilespmem:$0x14780] =	vst v63  }
0x96: {  	s24 =	sadd.s32 $0x3A80, s21  }
0x97: {  	[tilespmem:s9], [sflag:$0x2] =	stream.indirect.gather.add.f32 [hbm:s1], $0x80, s24, s7, $0xb8;
	[tilespmem:$0x14780] =	vst v63  }
0x98: {  	s21 =	sadd.s32 $0x4100, s21  }
0x99: {  	[tilespmem:s9], [sflag:$0x2] =	stream.indirect.gather.add.f32 [hbm:s1], $0x80, s21, s7, $0xb8;
	[tilespmem:$0x14780] =	vst v63  }
0x9a: {  	_ =	swait.ge [sflag:s10], $0x4000  }
0x9b: {  	[sflag:s10] =	ssyncset.done $0x0  }
0x9c: {  	[sflag:s10] =	ssyncadd.s32 $0xFFFFC000  }
0x9d: {  	_ =	swait.ge [sflag:s10], $0x4000  }
0x9e: {  	[sflag:s10] =	ssyncset.done $0x0  }
0x9f: {  	[sflag:s10] =	ssyncadd.s32 $0xFFFFC000  }
0xa0: {  	_ =	swait.ge [sflag:s10], $0x4000  }
0xa1: {  	[sflag:s10] =	ssyncset.done $0x0  }
0xa2: {  	[sflag:s10] =	ssyncadd.s32 $0xFFFFC000  }
0xa3: {  	_ =	swait.ge [sflag:s10], $0x4000  }
0xa4: {  	[sflag:s10] =	ssyncset.done $0x0  }
0xa5: {  	[sflag:s10] =	ssyncadd.s32 $0xFFFFC000  }
0xa6: {  	_ =	swait.ge [sflag:s10], $0x4000  }
0xa7: {  	[sflag:s10] =	ssyncset.done $0x0  }
0xa8: {  	[sflag:s10] =	ssyncadd.s32 $0xFFFFC000  }
0xa9: {  	_ =	swait.ge [sflag:s10], $0x4000  }
0xaa: {  	[sflag:s10] =	ssyncset.done $0x0  }
0xab: {  	[sflag:s10] =	ssyncadd.s32 $0xFFFFC000  }
0xac: {  	_ =	swait.ge [sflag:s10], $0x4000  }
0xad: {  	[sflag:s10] =	ssyncset.done $0x0  }
0xae: {  	[sflag:s10] =	ssyncadd.s32 $0xFFFFC000  }
0xaf: {  	_ =	swait.ge [sflag:s10], $0x4000  }
0xb0: {  	[sflag:s10] =	ssyncset.done $0x0  }
0xb1: {  	[sflag:s10] =	ssyncadd.s32 $0xFFFFC000  }
0xb2: {  	_ =	swait.ge [sflag:s10], $0x4000  }
0xb3: {  	[sflag:s10] =	ssyncset.done $0x0  }
0xb4: {  	[sflag:s10] =	ssyncadd.s32 $0xFFFFC000  }
0xb5: {  	_ =	swait.ge [sflag:s10], $0x4000  }
0xb6: {  	[sflag:s10] =	ssyncset.done $0x0  }
0xb7: {  	[sflag:s10] =	ssyncadd.s32 $0xFFFFC000  }
0xb8: {  	_ =	swait.ge [sflag:s10], $0x4000  }
0xb9: {  	p0 =	seq.s32 s18, $0x0;
	[sflag:s10] =	ssyncset.done $0x0  }
0xba: {  	s22 =	simm.s32 @!p0 $0x3;
	[sflag:s10] =	ssyncadd.s32 $0xFFFFC000  }
0xbb: {  	s24 =	sadd.s32 s23, s20;
	_ =	swait.ge @!p0 [sflag:s22], $0x4000  }
0xbc: {  	s21 =	sshll.u32 s24, $0x7;
	s24 =	simm.s32 $0x200;
	[sflag:s22] =	ssyncset.done @!p0 $0x0  }
0xbd: {  	s21 =	smin.u32 s21, $0xC2D0;
	[sflag:s22] =	ssyncadd.s32 @!p0 $0xFFFFC000;
	s22 =	simm.s32 $0x0  }
.LBB2_7:
0xbe: {  	p1 =	sne.s32 s24, $0xFE00;
	v1 =	vld [tilespmem:s22+$0x4780];
	[tilespmem:s22+$0x4780] =	vst v0  }
0xbf: {  	v2 =	vld [tilespmem:s22+$0x4790];
	[tilespmem:s22+$0x4790] =	vst v0  }
0xc0: {  	v3 =	vld [tilespmem:s22+$0x47A0];
	[tilespmem:s22+$0x47A0] =	vst v0  }
0xc1: {  	v4 =	vld [tilespmem:s22+$0x47B0];
	[tilespmem:s22+$0x47B0] =	vst v0  }
0xc2: {  	v5 =	vld [tilespmem:s22+$0x47C0];
	[tilespmem:s22+$0x47C0] =	vst v0  }
0xc3: {  	v1 =	vmul.f32 $9.090909360e-02, v1;
	v6 =	vld [tilespmem:s22+$0x47D0];
	[tilespmem:s22+$0x47D0] =	vst v0  }
0xc4: {  	v2 =	vmul.f32 $9.090909360e-02, v2;
	v7 =	vld [tilespmem:s22+$0x47E0];
	[tilespmem:s22+$0x47E0] =	vst v0  }
0xc5: {  	v3 =	vmul.f32 $9.090909360e-02, v3;
	v8 =	vld [tilespmem:s22+$0x47F0];
	[tilespmem:s22+$0x47F0] =	vst v0  }
0xc6: {  	[tilespmem:s22+$0xC780] =	vst v1;
	v1 =	vmul.f32 $9.090909360e-02, v4  }
0xc7: {  	[tilespmem:s22+$0xC790] =	vst v2;
	v2 =	vmul.f32 $9.090909360e-02, v5  }
0xc8: {  	[tilespmem:s22+$0xC7A0] =	vst v3;
	v3 =	vmul.f32 $9.090909360e-02, v6  }
.Ltmp2:
0xc9: {  	[tilespmem:s22+$0xC7B0] =	vst v1;
	v1 =	vmul.f32 $9.090909360e-02, v7;
	(pc) =	sbr.rel @p1 .LBB2_7-.Ltmp2, $4  }
0xca: {  	[tilespmem:s22+$0xC7C0] =	vst v2;
	v2 =	vmul.f32 $9.090909360e-02, v8  }
0xcb: {  	[tilespmem:s22+$0xC7D0] =	vst v3  }
0xcc: {  	[tilespmem:s22+$0xC7E0] =	vst v1  }
0xcd: {  	[tilespmem:s22+$0xC7F0] =	vst v2;
	s22 =	sshra.s32 s24, $0x2;
	s24 =	sadd.s32 $0x200, s24  }
0xce: {  	v1 =	vld [tilespmem:s22+$0x4780];
	[tilespmem:s22+$0x4780] =	vst v0  }
0xcf: {  	v2 =	vld [tilespmem:s22+$0x4790];
	[tilespmem:s22+$0x4790] =	vst v0  }
0xd0: {  	v3 =	vld [tilespmem:s22+$0x47A0];
	[tilespmem:s22+$0x47A0] =	vst v0  }
0xd1: {  	v4 =	vld [tilespmem:s22+$0x47B0];
	[tilespmem:s22+$0x47B0] =	vst v0  }
0xd2: {  	v5 =	vld [tilespmem:s22+$0x47C0];
	[tilespmem:s22+$0x47C0] =	vst v0  }
0xd3: {  	v6 =	vld [tilespmem:s22+$0x47D0];
	[tilespmem:s22+$0x47D0] =	vst v0  }
0xd4: {  	v7 =	vld [tilespmem:s22+$0x47E0];
	[tilespmem:s22+$0x47E0] =	vst v0;
	v1 =	vmul.f32 $9.090909360e-02, v1  }
0xd5: {  	v8 =	vld [tilespmem:s22+$0x47F0];
	[tilespmem:s22+$0x47F0] =	vst v0;
	v2 =	vmul.f32 $9.090909360e-02, v2  }
0xd6: {  	v3 =	vmul.f32 $9.090909360e-02, v3;
	[tilespmem:s22+$0xC780] =	vst v1  }
0xd7: {  	v1 =	vmul.f32 $9.090909360e-02, v4;
	[tilespmem:s22+$0xC790] =	vst v2  }
0xd8: {  	v2 =	vmul.f32 $9.090909360e-02, v5;
	[tilespmem:s22+$0xC7A0] =	vst v3  }
0xd9: {  	v3 =	vmul.f32 $9.090909360e-02, v6;
	[tilespmem:s22+$0xC7B0] =	vst v1  }
0xda: {  	v1 =	vmul.f32 $9.090909360e-02, v7;
	[tilespmem:s22+$0xC7C0] =	vst v2  }
0xdb: {  	s20 =	sadd.s32 s0, s20;
	v2 =	vmul.f32 $9.090909360e-02, v8;
	[tilespmem:s22+$0xC7D0] =	vst v3  }
0xdc: {  	s21 =	sshll.u32 s21, $0x4;
	s20 =	sshll.u32 s20, $0x7;
	[tilespmem:s22+$0xC7E0] =	vst v1  }
0xdd: {  	s21 =	sadd.s32 s3, s21;
	s20 =	smin.u32 s20, $0xC2D0;
	[tilespmem:s22+$0xC7F0] =	vst v2  }
0xde: {  	[hbm4b:s21+s4] =	stream.linear.scatter [tilespmem:s11], [sflag:$0x3], $0x4000, $0x38;
	[tilespmem:$0x14780] =	vst v63  }
0xdf: {  	s20 =	ssub.s32 s20, s5  }
0xe0: {  	[tilespmem:s8], [sflag:$0x1] =	stream.indirect.gather.add.f32 [hbm:s1], $0x80, s20, s7, $0xb8;
	[tilespmem:$0x14780] =	vst v63  }
0xe1: {  	s24 =	sadd.s32 $0x680, s20  }
0xe2: {  	[tilespmem:s8], [sflag:$0x1] =	stream.indirect.gather.add.f32 [hbm:s1], $0x80, s24, s7, $0xb8;
	[tilespmem:$0x14780] =	vst v63  }
0xe3: {  	s22 =	sadd.s32 $0xD00, s20  }
0xe4: {  	[tilespmem:s8], [sflag:$0x1] =	stream.indirect.gather.add.f32 [hbm:s1], $0x80, s22, s7, $0xb8;
	[tilespmem:$0x14780] =	vst v63  }
0xe5: {  	s24 =	sadd.s32 $0x1380, s20  }
0xe6: {  	[tilespmem:s8], [sflag:$0x1] =	stream.indirect.gather.add.f32 [hbm:s1], $0x80, s24, s7, $0xb8;
	[tilespmem:$0x14780] =	vst v63  }
0xe7: {  	s22 =	sadd.s32 $0x1A00, s20  }
0xe8: {  	[tilespmem:s8], [sflag:$0x1] =	stream.indirect.gather.add.f32 [hbm:s1], $0x80, s22, s7, $0xb8;
	[tilespmem:$0x14780] =	vst v63  }
0xe9: {  	s24 =	sadd.s32 $0x2080, s20  }
0xea: {  	[tilespmem:s8], [sflag:$0x1] =	stream.indirect.gather.add.f32 [hbm:s1], $0x80, s24, s7, $0xb8;
	[tilespmem:$0x14780] =	vst v63  }
0xeb: {  	s22 =	sadd.s32 $0x2700, s20  }
0xec: {  	[tilespmem:s8], [sflag:$0x1] =	stream.indirect.gather.add.f32 [hbm:s1], $0x80, s22, s7, $0xb8;
	[tilespmem:$0x14780] =	vst v63  }
0xed: {  	s24 =	sadd.s32 $0x2D80, s20  }
0xee: {  	[tilespmem:s8], [sflag:$0x1] =	stream.indirect.gather.add.f32 [hbm:s1], $0x80, s24, s7, $0xb8;
	[tilespmem:$0x14780] =	vst v63  }
0xef: {  	s22 =	sadd.s32 $0x3400, s20  }
0xf0: {  	[tilespmem:s8], [sflag:$0x1] =	stream.indirect.gather.add.f32 [hbm:s1], $0x80, s22, s7, $0xb8;
	[tilespmem:$0x14780] =	vst v63  }
0xf1: {  	s24 =	sadd.s32 $0x3A80, s20  }
0xf2: {  	[tilespmem:s8], [sflag:$0x1] =	stream.indirect.gather.add.f32 [hbm:s1], $0x80, s24, s7, $0xb8;
	[tilespmem:$0x14780] =	vst v63  }
0xf3: {  	s20 =	sadd.s32 $0x4100, s20  }
0xf4: {  	[tilespmem:s8], [sflag:$0x1] =	stream.indirect.gather.add.f32 [hbm:s1], $0x80, s20, s7, $0xb8;
	[tilespmem:$0x14780] =	vst v63  }
0xf5: {  	_ =	swait.ge [sflag:s12], $0x4000  }
0xf6: {  	[sflag:s12] =	ssyncset.done $0x0  }
0xf7: {  	[sflag:s12] =	ssyncadd.s32 $0xFFFFC000  }
0xf8: {  	_ =	swait.ge [sflag:s12], $0x4000  }
0xf9: {  	[sflag:s12] =	ssyncset.done $0x0  }
0xfa: {  	[sflag:s12] =	ssyncadd.s32 $0xFFFFC000  }
0xfb: {  	_ =	swait.ge [sflag:s12], $0x4000  }
0xfc: {  	[sflag:s12] =	ssyncset.done $0x0  }
0xfd: {  	[sflag:s12] =	ssyncadd.s32 $0xFFFFC000  }
0xfe: {  	_ =	swait.ge [sflag:s12], $0x4000  }
0xff: {  	[sflag:s12] =	ssyncset.done $0x0  }
0x100: {  	[sflag:s12] =	ssyncadd.s32 $0xFFFFC000  }
0x101: {  	_ =	swait.ge [sflag:s12], $0x4000  }
0x102: {  	[sflag:s12] =	ssyncset.done $0x0  }
0x103: {  	[sflag:s12] =	ssyncadd.s32 $0xFFFFC000  }
0x104: {  	_ =	swait.ge [sflag:s12], $0x4000  }
0x105: {  	[sflag:s12] =	ssyncset.done $0x0  }
0x106: {  	[sflag:s12] =	ssyncadd.s32 $0xFFFFC000  }
0x107: {  	_ =	swait.ge [sflag:s12], $0x4000  }
0x108: {  	[sflag:s12] =	ssyncset.done $0x0  }
0x109: {  	[sflag:s12] =	ssyncadd.s32 $0xFFFFC000  }
0x10a: {  	_ =	swait.ge [sflag:s12], $0x4000  }
0x10b: {  	[sflag:s12] =	ssyncset.done $0x0  }
0x10c: {  	[sflag:s12] =	ssyncadd.s32 $0xFFFFC000  }
0x10d: {  	_ =	swait.ge [sflag:s12], $0x4000  }
0x10e: {  	[sflag:s12] =	ssyncset.done $0x0  }
0x10f: {  	[sflag:s12] =	ssyncadd.s32 $0xFFFFC000  }
0x110: {  	_ =	swait.ge [sflag:s12], $0x4000  }
0x111: {  	[sflag:s12] =	ssyncset.done $0x0  }
0x112: {  	[sflag:s12] =	ssyncadd.s32 $0xFFFFC000  }
0x113: {  	_ =	swait.ge [sflag:s12], $0x4000  }
0x114: {  	[sflag:s12] =	ssyncset.done $0x0  }
0x115: {  	s20 =	simm.s32 @!p0 $0x4;
	[sflag:s12] =	ssyncadd.s32 $0xFFFFC000  }
0x116: {  	_ =	swait.ge @!p0 [sflag:s20], $0x4000  }
0x117: {  	[sflag:s20] =	ssyncset.done @!p0 $0x0  }
0x118: {  	s21 =	simm.s32 $0x200;
	[sflag:s20] =	ssyncadd.s32 @!p0 $0xFFFFC000;
	s20 =	simm.s32 $0x0  }
.LBB2_9:
0x119: {  	p0 =	sne.s32 s21, $0xFE00;
	v1 =	vld [tilespmem:s20+$0x8780];
	[tilespmem:s20+$0x8780] =	vst v0  }
0x11a: {  	v2 =	vld [tilespmem:s20+$0x8790];
	[tilespmem:s20+$0x8790] =	vst v0  }
0x11b: {  	v3 =	vld [tilespmem:s20+$0x87A0];
	[tilespmem:s20+$0x87A0] =	vst v0  }
0x11c: {  	v4 =	vld [tilespmem:s20+$0x87B0];
	[tilespmem:s20+$0x87B0] =	vst v0  }
0x11d: {  	v5 =	vld [tilespmem:s20+$0x87C0];
	[tilespmem:s20+$0x87C0] =	vst v0  }
0x11e: {  	v1 =	vmul.f32 $9.090909360e-02, v1;
	v6 =	vld [tilespmem:s20+$0x87D0];
	[tilespmem:s20+$0x87D0] =	vst v0  }
0x11f: {  	v2 =	vmul.f32 $9.090909360e-02, v2;
	v7 =	vld [tilespmem:s20+$0x87E0];
	[tilespmem:s20+$0x87E0] =	vst v0  }
0x120: {  	v3 =	vmul.f32 $9.090909360e-02, v3;
	v8 =	vld [tilespmem:s20+$0x87F0];
	[tilespmem:s20+$0x87F0] =	vst v0  }
0x121: {  	[tilespmem:s20+$0x10780] =	vst v1;
	v1 =	vmul.f32 $9.090909360e-02, v4  }
0x122: {  	[tilespmem:s20+$0x10790] =	vst v2;
	v2 =	vmul.f32 $9.090909360e-02, v5  }
0x123: {  	[tilespmem:s20+$0x107A0] =	vst v3;
	v3 =	vmul.f32 $9.090909360e-02, v6  }
.Ltmp3:
0x124: {  	[tilespmem:s20+$0x107B0] =	vst v1;
	v1 =	vmul.f32 $9.090909360e-02, v7;
	(pc) =	sbr.rel @p0 .LBB2_9-.Ltmp3, $4  }
0x125: {  	[tilespmem:s20+$0x107C0] =	vst v2;
	v2 =	vmul.f32 $9.090909360e-02, v8  }
0x126: {  	[tilespmem:s20+$0x107D0] =	vst v3  }
0x127: {  	[tilespmem:s20+$0x107E0] =	vst v1  }
0x128: {  	[tilespmem:s20+$0x107F0] =	vst v2;
	s20 =	sshra.s32 s21, $0x2;
	s21 =	sadd.s32 $0x200, s21  }
0x129: {  	v1 =	vld [tilespmem:s20+$0x8780];
	[tilespmem:s20+$0x8780] =	vst v0  }
0x12a: {  	v2 =	vld [tilespmem:s20+$0x8790];
	[tilespmem:s20+$0x8790] =	vst v0  }
0x12b: {  	v3 =	vld [tilespmem:s20+$0x87A0];
	[tilespmem:s20+$0x87A0] =	vst v0  }
0x12c: {  	v4 =	vld [tilespmem:s20+$0x87B0];
	[tilespmem:s20+$0x87B0] =	vst v0  }
0x12d: {  	v5 =	vld [tilespmem:s20+$0x87C0];
	[tilespmem:s20+$0x87C0] =	vst v0  }
0x12e: {  	v6 =	vld [tilespmem:s20+$0x87D0];
	[tilespmem:s20+$0x87D0] =	vst v0  }
0x12f: {  	v7 =	vld [tilespmem:s20+$0x87E0];
	[tilespmem:s20+$0x87E0] =	vst v0;
	v1 =	vmul.f32 $9.090909360e-02, v1  }
0x130: {  	v8 =	vld [tilespmem:s20+$0x87F0];
	[tilespmem:s20+$0x87F0] =	vst v0;
	v2 =	vmul.f32 $9.090909360e-02, v2  }
0x131: {  	v3 =	vmul.f32 $9.090909360e-02, v3;
	[tilespmem:s20+$0x10780] =	vst v1  }
0x132: {  	v1 =	vmul.f32 $9.090909360e-02, v4;
	[tilespmem:s20+$0x10790] =	vst v2  }
0x133: {  	s18 =	sadd.s32 $0x1, s18;
	v2 =	vmul.f32 $9.090909360e-02, v5;
	[tilespmem:s20+$0x107A0] =	vst v3  }
0x134: {  	p0 =	sne.s32 s18, $0x6;
	v3 =	vmul.f32 $9.090909360e-02, v6;
	[tilespmem:s20+$0x107B0] =	vst v1  }
.Ltmp4:
0x135: {  	v1 =	vmul.f32 $9.090909360e-02, v7;
	[tilespmem:s20+$0x107C0] =	vst v2;
	(pc) =	sbr.rel @p0 .LBB2_6-.Ltmp4, $4  }
0x136: {  	v2 =	vmul.f32 $9.090909360e-02, v8;
	[tilespmem:s20+$0x107D0] =	vst v3  }
0x137: {  	s19 =	sshll.u32 s19, $0x4;
	[tilespmem:s20+$0x107E0] =	vst v1  }
0x138: {  	s19 =	sadd.s32 s3, s19;
	[tilespmem:s20+$0x107F0] =	vst v2  }
0x139: {  	[hbm4b:s19+s4] =	stream.linear.scatter [tilespmem:s13], [sflag:$0x4], $0x4000, $0x38;
	[tilespmem:$0x14780] =	vst v63  }
0x13a: {  	_ =	swait.ge [sflag:s10], $0x4000  }
0x13b: {  	[sflag:s10] =	ssyncset.done $0x0  }
0x13c: {  	[sflag:s10] =	ssyncadd.s32 $0xFFFFC000  }
0x13d: {  	_ =	swait.ge [sflag:s10], $0x4000  }
0x13e: {  	[sflag:s10] =	ssyncset.done $0x0  }
0x13f: {  	[sflag:s10] =	ssyncadd.s32 $0xFFFFC000  }
0x140: {  	_ =	swait.ge [sflag:s10], $0x4000  }
0x141: {  	[sflag:s10] =	ssyncset.done $0x0  }
0x142: {  	[sflag:s10] =	ssyncadd.s32 $0xFFFFC000  }
0x143: {  	_ =	swait.ge [sflag:s10], $0x4000  }
0x144: {  	[sflag:s10] =	ssyncset.done $0x0  }
0x145: {  	[sflag:s10] =	ssyncadd.s32 $0xFFFFC000  }
0x146: {  	_ =	swait.ge [sflag:s10], $0x4000  }
0x147: {  	[sflag:s10] =	ssyncset.done $0x0  }
0x148: {  	[sflag:s10] =	ssyncadd.s32 $0xFFFFC000  }
0x149: {  	_ =	swait.ge [sflag:s10], $0x4000  }
0x14a: {  	[sflag:s10] =	ssyncset.done $0x0  }
0x14b: {  	[sflag:s10] =	ssyncadd.s32 $0xFFFFC000  }
0x14c: {  	_ =	swait.ge [sflag:s10], $0x4000  }
0x14d: {  	[sflag:s10] =	ssyncset.done $0x0  }
0x14e: {  	[sflag:s10] =	ssyncadd.s32 $0xFFFFC000  }
0x14f: {  	_ =	swait.ge [sflag:s10], $0x4000  }
0x150: {  	[sflag:s10] =	ssyncset.done $0x0  }
0x151: {  	[sflag:s10] =	ssyncadd.s32 $0xFFFFC000  }
0x152: {  	_ =	swait.ge [sflag:s10], $0x4000  }
0x153: {  	[sflag:s10] =	ssyncset.done $0x0  }
0x154: {  	[sflag:s10] =	ssyncadd.s32 $0xFFFFC000  }
0x155: {  	_ =	swait.ge [sflag:s10], $0x4000  }
0x156: {  	[sflag:s10] =	ssyncset.done $0x0  }
0x157: {  	[sflag:s10] =	ssyncadd.s32 $0xFFFFC000  }
0x158: {  	_ =	swait.ge [sflag:s10], $0x4000  }
0x159: {  	[sflag:s10] =	ssyncset.done $0x0  }
0x15a: {  	[sflag:s10] =	ssyncadd.s32 $0xFFFFC000  }
0x15b: {  	_ =	swait.ge [sflag:s14], $0x4000  }
0x15c: {  	[sflag:s14] =	ssyncset.done $0x0  }
0x15d: {  	s18 =	simm.s32 $0x0;
	s19 =	simm.s32 $0x200;
	[sflag:s14] =	ssyncadd.s32 $0xFFFFC000  }
.LBB2_12:
0x15e: {  	p0 =	sne.s32 s19, $0xFE00;
	v1 =	vld [tilespmem:s18+$0x4780];
	[tilespmem:s18+$0x4780] =	vst v0  }
0x15f: {  	v2 =	vld [tilespmem:s18+$0x4790];
	[tilespmem:s18+$0x4790] =	vst v0  }
0x160: {  	v3 =	vld [tilespmem:s18+$0x47A0];
	[tilespmem:s18+$0x47A0] =	vst v0  }
0x161: {  	v4 =	vld [tilespmem:s18+$0x47B0];
	[tilespmem:s18+$0x47B0] =	vst v0  }
0x162: {  	v5 =	vld [tilespmem:s18+$0x47C0];
	[tilespmem:s18+$0x47C0] =	vst v0  }
0x163: {  	v1 =	vmul.f32 $9.090909360e-02, v1;
	v6 =	vld [tilespmem:s18+$0x47D0];
	[tilespmem:s18+$0x47D0] =	vst v0  }
0x164: {  	v2 =	vmul.f32 $9.090909360e-02, v2;
	v7 =	vld [tilespmem:s18+$0x47E0];
	[tilespmem:s18+$0x47E0] =	vst v0  }
0x165: {  	v3 =	vmul.f32 $9.090909360e-02, v3;
	v8 =	vld [tilespmem:s18+$0x47F0];
	[tilespmem:s18+$0x47F0] =	vst v0  }
0x166: {  	[tilespmem:s18+$0xC780] =	vst v1;
	v1 =	vmul.f32 $9.090909360e-02, v4  }
0x167: {  	[tilespmem:s18+$0xC790] =	vst v2;
	v2 =	vmul.f32 $9.090909360e-02, v5  }
0x168: {  	[tilespmem:s18+$0xC7A0] =	vst v3;
	v3 =	vmul.f32 $9.090909360e-02, v6  }
.Ltmp5:
0x169: {  	[tilespmem:s18+$0xC7B0] =	vst v1;
	v1 =	vmul.f32 $9.090909360e-02, v7;
	(pc) =	sbr.rel @p0 .LBB2_12-.Ltmp5, $4  }
0x16a: {  	[tilespmem:s18+$0xC7C0] =	vst v2;
	v2 =	vmul.f32 $9.090909360e-02, v8  }
0x16b: {  	[tilespmem:s18+$0xC7D0] =	vst v3  }
0x16c: {  	[tilespmem:s18+$0xC7E0] =	vst v1  }
0x16d: {  	[tilespmem:s18+$0xC7F0] =	vst v2;
	s18 =	sshra.s32 s19, $0x2;
	s19 =	sadd.s32 $0x200, s19  }
0x16e: {  	v1 =	vld [tilespmem:s18+$0x4780];
	[tilespmem:s18+$0x4780] =	vst v0  }
0x16f: {  	v2 =	vld [tilespmem:s18+$0x4790];
	[tilespmem:s18+$0x4790] =	vst v0  }
0x170: {  	v3 =	vld [tilespmem:s18+$0x47A0];
	[tilespmem:s18+$0x47A0] =	vst v0  }
0x171: {  	v4 =	vld [tilespmem:s18+$0x47B0];
	[tilespmem:s18+$0x47B0] =	vst v0  }
0x172: {  	v5 =	vld [tilespmem:s18+$0x47C0];
	[tilespmem:s18+$0x47C0] =	vst v0  }
0x173: {  	v6 =	vld [tilespmem:s18+$0x47D0];
	[tilespmem:s18+$0x47D0] =	vst v0  }
0x174: {  	v7 =	vld [tilespmem:s18+$0x47E0];
	[tilespmem:s18+$0x47E0] =	vst v0;
	v1 =	vmul.f32 $9.090909360e-02, v1  }
0x175: {  	v8 =	vld [tilespmem:s18+$0x47F0];
	[tilespmem:s18+$0x47F0] =	vst v0;
	v2 =	vmul.f32 $9.090909360e-02, v2  }
0x176: {  	v3 =	vmul.f32 $9.090909360e-02, v3;
	[tilespmem:s18+$0xC780] =	vst v1  }
0x177: {  	v1 =	vmul.f32 $9.090909360e-02, v4;
	[tilespmem:s18+$0xC790] =	vst v2  }
0x178: {  	v2 =	vmul.f32 $9.090909360e-02, v5;
	[tilespmem:s18+$0xC7A0] =	vst v3  }
0x179: {  	v3 =	vmul.f32 $9.090909360e-02, v6;
	[tilespmem:s18+$0xC7B0] =	vst v1  }
0x17a: {  	v1 =	vmul.f32 $9.090909360e-02, v7;
	[tilespmem:s18+$0xC7C0] =	vst v2  }
0x17b: {  	v2 =	vmul.f32 $9.090909360e-02, v8;
	[tilespmem:s18+$0xC7D0] =	vst v3  }
0x17c: {  	[tilespmem:s18+$0xC7E0] =	vst v1  }
0x17d: {  	s24 =	rddreg [dreg:$0x14];
	s17 =	sadd.s32 $0x1, s17;
	[tilespmem:s18+$0xC7F0] =	vst v2  }
0x17e: {  	[hbm4b:s24+s4] =	stream.linear.scatter [tilespmem:s11], [sflag:$0x3], $0x4000, $0x38;
	[tilespmem:$0x14780] =	vst v63  }
0x17f: {  	p0 =	sne.s32 s17, s25;
	_ =	swait.ge [sflag:s14], $0x4000  }
.Ltmp6:
0x180: {  	[sflag:s14] =	ssyncset.done $0x0;
	(pc) =	sbr.rel @p0 .LBB2_1-.Ltmp6, $4  }
0x181: {  	[sflag:s14] =	ssyncadd.s32 $0xFFFFC000  }
0x182: {  	_ =	swait.ge [sflag:s15], $0x4000  }
0x183: {  	[sflag:s15] =	ssyncset.done $0x0  }
0x184: {  	[sflag:s15] =	ssyncadd.s32 $0xFFFFC000  }
0x185: {  	_ =	sfence.sel $0x180000  }
0x186: {  	[bflag:$0x0] =	sbarrier.arrive $0xFFFF  }
0x187: {  	_ =	strace $0x90000047  }
0x188: {  	s0 =	stileid.u32;
	[bflag:$0x2] =	sbarrier.arrive $0xFFFF  }
0x189: {  	p0 =	sne.s32 s0, $0x0;
	s0 =	rddreg [dreg:$0x3]  }
0x18a: {  	s0 =	sadd.s32 @!p0 $0x100000, s0  }
0x18b: {  	[sflag:s0] =	ssyncadd.tile.s32 @!p0 $0x1;
	_ =	shalt  }
.Lfunc_end2:
_tile_overlayer_lowered:
.L_overlay_start_2:
0x18c: {  	(tag) =	ssettag $0x2  }
0x18d: {  	s0 =	rddreg [dreg:$0x0];
	s2 =	stileid.u32  }
0x18e: {  	s1 =	rddreg [dreg:$0x1];
	p0 =	sne.s32 s2, $0x0  }
0x18f: {  	s3 =	rddreg [dreg:$0x2];
	[bflag:$0x3] =	sbarrier.arrive $0xFFFF;
	s2 =	simm.s32 @!p0 $0x1C05  }
0x190: {  	[timem:s3], [sflag:s2] =	dma.local @!p0 [hbm:s0], s1  }
0x191: {  	s0 =	simm.s32 @!p0 $0x5  }
0x192: {  	_ =	swait.ge @!p0 [sflag:s0], s1  }
0x193: {  	s1 =	ssub.s32 @!p0 $0x0, s1;
	[sflag:s0] =	ssyncset.done @!p0 $0x0  }
0x194: {  	[sflag:s0] =	ssyncadd.s32 @!p0 s1  }
0x195: {  	[bflag:$0x3] =	sbarrier.arrive $0xFFFF  }
0x196: {  	_ =	shalt  }

</sc_bundles>
